<compile_context>
chip_gen: v7x
topology: tpu7x:2x2x1
jax: 0.10.2.dev20260603
libtpu: 0.0.44.dev20260713+nightly
codegen_flags: <defaults>
</compile_context>

<pallas_src>
import functools

import jax
import jax.numpy as jnp
from jax import lax
from jax.experimental import pallas as pl
from jax.experimental.pallas import tpu as pltpu
from jax.experimental.pallas import tpu_sc as plsc

FD = 10000
BATCH = 1024
SCALE = 1.2

NC, NS, L = 2, 16, 16
NW = NC * NS
RPW = BATCH // NW



def _copy_body(x_ref, o_ref):
    o_ref[...] = x_ref[...]


def _logits_copy_t(xt):
    RB = 400
    return pl.pallas_call(
        _copy_body,
        grid=(FD // RB,),
        in_specs=[pl.BlockSpec((RB, BATCH), lambda i: (i, 0))],
        out_specs=pl.BlockSpec((RB, BATCH), lambda i: (i, 0)),
        out_shape=jax.ShapeDtypeStruct((FD, BATCH), jnp.float32),
        compiler_params=pltpu.CompilerParams(
            dimension_semantics=("parallel",)),
    )(xt)



def _sc_routed_build():
    mesh = plsc.VectorSubcoreMesh(core_axis_name="c", subcore_axis_name="s")

    o2 = jax.ShapeDtypeStruct((2, BATCH), jnp.float32)

    @functools.partial(
        pl.kernel,
        out_type=(o2, o2, o2, o2),
        mesh=mesh,
        scratch_types=(
            pltpu.VMEM((RPW,), jnp.int32),
            pltpu.VMEM((RPW,), jnp.int32),
            pltpu.VMEM((RPW,), jnp.int32),
            pltpu.VMEM((RPW, 128), jnp.float32),
            pltpu.VMEM((RPW, 128), jnp.float32),
            pltpu.VMEM((RPW, 128), jnp.float32),
            pltpu.VMEM((RPW, 128), jnp.float32),
            pltpu.VMEM((8, RPW), jnp.float32),
            pltpu.SemaphoreType.DMA,
            pltpu.SemaphoreType.DMA,
            pltpu.SemaphoreType.DMA,
            pltpu.SemaphoreType.DMA,
        ),
    )
    def k(xt, labels, ccp, csp,
          gps_o, size_o, center_o, reg_o,
          lab_v, ilat_v, ilon_v, glat_v, glon_v, gc_v, gs_v, st_v,
          sem0, sem1, sem2, sem3):
        wid = lax.axis_index("s") * NC + lax.axis_index("c")
        base = wid * RPW
        pltpu.sync_copy(labels.at[pl.ds(base, RPW)], lab_v)

        iota = lax.iota(jnp.int32, L)
        zero16 = iota.astype(jnp.float32) * 0.0
        for j in range(RPW // L):
            lab16 = lab_v[pl.ds(j * L, L)]
            el2 = lab16 * 2
            ilat_v[pl.ds(j * L, L)] = FD + el2
            ilon_v[pl.ds(j * L, L)] = FD + el2 + 1

        win = lax.shift_right_logical(base, 7) * 128
        cp0 = pltpu.async_copy(xt.at[ilat_v, pl.ds(win, 128)], glat_v, sem0)
        cp1 = pltpu.async_copy(xt.at[ilon_v, pl.ds(win, 128)], glon_v, sem1)
        cp2 = pltpu.async_copy(ccp.at[lab_v], gc_v, sem2)
        cp3 = pltpu.async_copy(csp.at[lab_v], gs_v, sem3)
        cp0.wait()
        cp1.wait()
        cp2.wait()
        cp3.wait()

        woff = jnp.bitwise_and(base, 127)
        for j in range(RPW // L):
            rlat = zero16
            rlon = zero16
            clat = zero16
            clon = zero16
            slat = zero16
            slon = zero16
            for i in range(L):
                r = j * L + i
                w = woff + (r // L) * L
                pick = iota == i
                rlat = jnp.where(pick, glat_v[r, pl.ds(w, L)][r % L], rlat)
                rlon = jnp.where(pick, glon_v[r, pl.ds(w, L)][r % L], rlon)
                vc = gc_v[r, pl.ds(0, L)]
                clat = jnp.where(pick, vc[0], clat)
                clon = jnp.where(pick, vc[1], clon)
                vs = gs_v[r, pl.ds(0, L)]
                slat = jnp.where(pick, vs[0], slat)
                slon = jnp.where(pick, vs[1], slon)

            elat = jnp.exp(rlat * 2.0)
            rlat = SCALE * (1.0 - 2.0 / (elat + 1.0))
            elon = jnp.exp(rlon * 2.0)
            rlon = SCALE * (1.0 - 2.0 / (elon + 1.0))
            glat = jnp.clip(clat + rlat * slat * 0.5, -1.0, 1.0) * 90.0
            glon = jnp.clip(clon + rlon * slon * 0.5, -1.0, 1.0) * 180.0

            sl = pl.ds(j * L, L)
            st_v[0, sl] = glat
            st_v[1, sl] = glon
            st_v[2, sl] = 2.0 / slat
            st_v[3, sl] = 2.0 / slon
            st_v[4, sl] = clat
            st_v[5, sl] = clon
            st_v[6, sl] = rlat
            st_v[7, sl] = rlon

        bsl = pl.ds(base, RPW)
        pltpu.sync_copy(st_v.at[0], gps_o.at[0, bsl])
        pltpu.sync_copy(st_v.at[1], gps_o.at[1, bsl])
        pltpu.sync_copy(st_v.at[2], size_o.at[0, bsl])
        pltpu.sync_copy(st_v.at[3], size_o.at[1, bsl])
        pltpu.sync_copy(st_v.at[4], center_o.at[0, bsl])
        pltpu.sync_copy(st_v.at[5], center_o.at[1, bsl])
        pltpu.sync_copy(st_v.at[6], reg_o.at[0, bsl])
        pltpu.sync_copy(st_v.at[7], reg_o.at[1, bsl])

    return k


def kernel(x, gt_label, cell_center, cell_size):
    xt = x.T
    logits = _logits_copy_t(xt).T

    ccp = jnp.pad(cell_center, ((0, 0), (0, 126)))
    csp = jnp.pad(cell_size, ((0, 0), (0, 126)))

    sc_k = _sc_routed_build()
    gps_t, size_t, center_t, reg_t = sc_k(
        xt, gt_label.astype(jnp.int32), ccp, csp)

    return (logits, gps_t.T, size_t.T, center_t.T, reg_t.T)

# --- scband reference (transcript-rebuilt; emitter-appended) ---
"""Pipeline reference for scband-hybrid-head-44006234915369 (READ-ONLY COPY).

The authoritative reference and input builder live on the scoring server;
editing this copy changes nothing except your own understanding.
"""

import jax, jax.numpy as jnp
import numpy as np

FINAL_DIM = 10000
SCALE_TANH = 1.2
USE_TANH = True
BATCH = 1024


def setup_inputs(seed: int = 0) -> dict:
    key = jax.random.key(seed)
    k1, k2, k3, k4 = jax.random.split(key, 4)
    x = jax.random.normal(k1, (BATCH, 3 * FINAL_DIM), dtype=jnp.float32)
    gt_label = jax.random.randint(k2, (BATCH,), 0, FINAL_DIM, dtype=jnp.int64 if jax.config.jax_enable_x64 else jnp.int32).astype(jnp.int32)
    # quadtree cell buffers (normalized lat/lon): centers in (-0.9, 0.9), sizes in (0.001, 0.1)
    cell_center = (jax.random.uniform(k3, (FINAL_DIM, 2), dtype=jnp.float32) * 1.8 - 0.9)
    cell_size = jax.random.uniform(k4, (FINAL_DIM, 2), dtype=jnp.float32, minval=0.001, maxval=0.1)
    return {"x": x, "gt_label": gt_label, "cell_center": cell_center, "cell_size": cell_size}


def _unorm_gps(gps):
    # UnormGPS: clamp normalized coords to [-1, 1] then scale to degrees (lat*90, lon*180)
    gps = jnp.clip(gps, -1.0, 1.0)
    return gps * jnp.array([90.0, 180.0], dtype=gps.dtype)


def reference(x, gt_label, cell_center, cell_size):
    classification_logits = x[..., :FINAL_DIM]
    classification = jnp.argmax(classification_logits, axis=-1)
    regression = x[..., FINAL_DIM:]
    if USE_TANH:
        regression = SCALE_TANH * jnp.tanh(regression)
    B = regression.shape[0]
    regression = regression.reshape(B, -1, 2)
    # training branch: gather per-sample regression at gt_label cell
    idx = jnp.broadcast_to(gt_label[:, None, None], (B, 1, 2))
    reg = jnp.take_along_axis(regression, idx, axis=1)[:, 0, :]
    sz = jnp.take(cell_size, gt_label, axis=0)
    center = jnp.take(cell_center, gt_label, axis=0)
    size = 2.0 / sz
    gps = center + reg * sz / 2.0
    gps = _unorm_gps(gps)
    return (classification_logits, gps, size, center, reg)

if __name__ == "__main__":
    import jax
    _d = setup_inputs()
    print(jax.jit(kernel)(*tuple(_d.values())))

</pallas_src>

<mosaic_0001>
#map = affine_map<(d0, d1) -> (0, 0)>
#map1 = affine_map<(d0, d1) -> (0)>
module attributes {stable_mosaic.version = 14 : i64} {
  func.func @k(%arg0: i32, %arg1: i32, %arg2: memref<30000x1024xf32, #tpu.memory_space<hbm>>, %arg3: memref<1024xi32, #tpu.memory_space<hbm>>, %arg4: memref<10000x128xf32, #tpu.memory_space<hbm>>, %arg5: memref<10000x128xf32, #tpu.memory_space<hbm>>, %arg6: memref<2x1024xf32, #tpu.memory_space<hbm>>, %arg7: memref<2x1024xf32, #tpu.memory_space<hbm>>, %arg8: memref<2x1024xf32, #tpu.memory_space<hbm>>, %arg9: memref<2x1024xf32, #tpu.memory_space<hbm>>, %arg10: memref<32xi32, #tpu.memory_space<vmem>>, %arg11: memref<32xi32, #tpu.memory_space<vmem>>, %arg12: memref<32xi32, #tpu.memory_space<vmem>>, %arg13: memref<32x128xf32, #tpu.memory_space<vmem>>, %arg14: memref<32x128xf32, #tpu.memory_space<vmem>>, %arg15: memref<32x128xf32, #tpu.memory_space<vmem>>, %arg16: memref<32x128xf32, #tpu.memory_space<vmem>>, %arg17: memref<8x32xf32, #tpu.memory_space<vmem>>, %arg18: memref<!tpu.dma_semaphore, #tpu.memory_space<semaphore_mem>>, %arg19: memref<!tpu.dma_semaphore, #tpu.memory_space<semaphore_mem>>, %arg20: memref<!tpu.dma_semaphore, #tpu.memory_space<semaphore_mem>>, %arg21: memref<!tpu.dma_semaphore, #tpu.memory_space<semaphore_mem>>) attributes {dimension_semantics = [#tpu.dimension_semantics<core_parallel>, #tpu.dimension_semantics<subcore_parallel>], iteration_bounds = array<i64: 2, 16>, scalar_prefetch = 0 : i64, scratch_operands = 12 : i64, tpu.core_type = #tpu.core_type<sc_vector_subcore>, window_params = [{transform_indices = #map}, {transform_indices = #map1}, {transform_indices = #map}, {transform_indices = #map}, {transform_indices = #map}, {transform_indices = #map}, {transform_indices = #map}, {transform_indices = #map}]} {
    %mul3A = arith.constant 2 : i32
    %mul3A_0 = arith.muli %arg1, %mul3A : i32
    %add3A = arith.addi %mul3A_0, %arg0 : i32
    %mul3A_1 = arith.constant 32 : i32
    %mul3A_2 = arith.muli %add3A, %mul3A_1 : i32
    "tpu.region"() ({
      %run_scoped3A_1872 = tpu.sem_alloc : memref<!tpu.dma_semaphore, #tpu.memory_space<semaphore_mem>>
      %dma_start3A_1873 = tpu.memref_slice %arg3[%mul3A_2] : memref<1024xi32, #tpu.memory_space<hbm>> -> memref<32xi32, #tpu.memory_space<hbm>>
      %dma_start3A_1874 = tpu.memref_slice %arg3[%mul3A_2] : memref<1024xi32, #tpu.memory_space<hbm>> -> memref<32xi32, #tpu.memory_space<hbm>>
      tpu.enqueue_dma source(%dma_start3A_1874 : memref<32xi32, #tpu.memory_space<hbm>>) target(%arg10 : memref<32xi32, #tpu.memory_space<vmem>>) target_semaphore(%run_scoped3A_1872 : memref<!tpu.dma_semaphore, #tpu.memory_space<semaphore_mem>>)
      %dma_wait3A_1875 = tpu.memref_slice %arg3[%mul3A_2] : memref<1024xi32, #tpu.memory_space<hbm>> -> memref<32xi32, #tpu.memory_space<hbm>>
      %dma_wait3A_1876 = tpu.memref_slice %arg3[%mul3A_2] : memref<1024xi32, #tpu.memory_space<hbm>> -> memref<32xi32, #tpu.memory_space<hbm>>
      tpu.wait_dma2 semaphore(%run_scoped3A_1872 : memref<!tpu.dma_semaphore, #tpu.memory_space<semaphore_mem>>) src(%dma_wait3A_1876 : memref<32xi32, #tpu.memory_space<hbm>>) dst(%arg10 : memref<32xi32, #tpu.memory_space<vmem>>)
      tpu.yield
    }) : () -> ()
    %iota3A = tpu.iota {dimensions = array<i32: 0>} : vector<16xi32>
    %convert_element_type3A = arith.sitofp %iota3A : vector<16xi32> to vector<16xf32>
    %mul3A_3 = arith.constant 0.000000e+00 : f32
    %mul3A_4 = vector.broadcast %mul3A_3 : f32 to vector<16xf32>
    %mul3A_5 = arith.mulf %convert_element_type3A, %mul3A_4 : vector<16xf32>
    %get3A = arith.constant 0 : index
    %get3A_6 = tpu.vector_load %arg10[%get3A] {strides = array<i32>} : memref<32xi32, #tpu.memory_space<vmem>>, vector<16xi32>,
    %get3A_7 = vector.shape_cast %get3A_6 : vector<16xi32> to vector<16xi32>
    %mul3A_8 = arith.constant 2 : i32
    %mul3A_9 = vector.broadcast %mul3A_8 : i32 to vector<16xi32>
    %mul3A_10 = arith.muli %get3A_7, %mul3A_9 : vector<16xi32>
    %add3A_11 = arith.constant 10000 : i32
    %add3A_12 = vector.broadcast %add3A_11 : i32 to vector<16xi32>
    %add3A_13 = arith.addi %add3A_12, %mul3A_10 : vector<16xi32>
    %swap3A = arith.constant 0 : index
    %swap3A_14 = tpu.vector_load %arg11[%swap3A] {strides = array<i32>} : memref<32xi32, #tpu.memory_space<vmem>>, vector<16xi32>,
    %swap3A_15 = vector.shape_cast %swap3A_14 : vector<16xi32> to vector<16xi32>
    %swap3A_16 = vector.shape_cast %add3A_13 : vector<16xi32> to vector<16xi32>
    tpu.vector_store %arg11[%swap3A], %swap3A_16 {strides = array<i32>} : memref<32xi32, #tpu.memory_space<vmem>>, vector<16xi32>,
    %add3A_17 = arith.constant 10000 : i32
    %add3A_18 = vector.broadcast %add3A_17 : i32 to vector<16xi32>
    %add3A_19 = arith.addi %add3A_18, %mul3A_10 : vector<16xi32>
    %add3A_20 = arith.constant 1 : i32
    %add3A_21 = vector.broadcast %add3A_20 : i32 to vector<16xi32>
    %add3A_22 = arith.addi %add3A_19, %add3A_21 : vector<16xi32>
    %swap3A_23 = arith.constant 0 : index
    %swap3A_24 = tpu.vector_load %arg12[%swap3A_23] {strides = array<i32>} : memref<32xi32, #tpu.memory_space<vmem>>, vector<16xi32>,
    %swap3A_25 = vector.shape_cast %swap3A_24 : vector<16xi32> to vector<16xi32>
    %swap3A_26 = vector.shape_cast %add3A_22 : vector<16xi32> to vector<16xi32>
    tpu.vector_store %arg12[%swap3A_23], %swap3A_26 {strides = array<i32>} : memref<32xi32, #tpu.memory_space<vmem>>, vector<16xi32>,
    %get3A_27 = arith.constant 16 : index
    %get3A_28 = tpu.vector_load %arg10[%get3A_27] {strides = array<i32>} : memref<32xi32, #tpu.memory_space<vmem>>, vector<16xi32>,
    %get3A_29 = vector.shape_cast %get3A_28 : vector<16xi32> to vector<16xi32>
    %mul3A_30 = arith.constant 2 : i32
    %mul3A_31 = vector.broadcast %mul3A_30 : i32 to vector<16xi32>
    %mul3A_32 = arith.muli %get3A_29, %mul3A_31 : vector<16xi32>
    %add3A_33 = arith.constant 10000 : i32
    %add3A_34 = vector.broadcast %add3A_33 : i32 to vector<16xi32>
    %add3A_35 = arith.addi %add3A_34, %mul3A_32 : vector<16xi32>
    %swap3A_36 = arith.constant 16 : index
    %swap3A_37 = tpu.vector_load %arg11[%swap3A_36] {strides = array<i32>} : memref<32xi32, #tpu.memory_space<vmem>>, vector<16xi32>,
    %swap3A_38 = vector.shape_cast %swap3A_37 : vector<16xi32> to vector<16xi32>
    %swap3A_39 = vector.shape_cast %add3A_35 : vector<16xi32> to vector<16xi32>
    tpu.vector_store %arg11[%swap3A_36], %swap3A_39 {strides = array<i32>} : memref<32xi32, #tpu.memory_space<vmem>>, vector<16xi32>,
    %add3A_40 = arith.constant 10000 : i32
    %add3A_41 = vector.broadcast %add3A_40 : i32 to vector<16xi32>
    %add3A_42 = arith.addi %add3A_41, %mul3A_32 : vector<16xi32>
    %add3A_43 = arith.constant 1 : i32
    %add3A_44 = vector.broadcast %add3A_43 : i32 to vector<16xi32>
    %add3A_45 = arith.addi %add3A_42, %add3A_44 : vector<16xi32>
    %swap3A_46 = arith.constant 16 : index
    %swap3A_47 = tpu.vector_load %arg12[%swap3A_46] {strides = array<i32>} : memref<32xi32, #tpu.memory_space<vmem>>, vector<16xi32>,
    %swap3A_48 = vector.shape_cast %swap3A_47 : vector<16xi32> to vector<16xi32>
    %swap3A_49 = vector.shape_cast %add3A_45 : vector<16xi32> to vector<16xi32>
    tpu.vector_store %arg12[%swap3A_46], %swap3A_49 {strides = array<i32>} : memref<32xi32, #tpu.memory_space<vmem>>, vector<16xi32>,
    %shift_right_logical3A = arith.constant 7 : i32
    %shift_right_logical3A_50 = arith.shrui %mul3A_2, %shift_right_logical3A : i32
    %mul3A_51 = arith.constant 128 : i32
    %mul3A_52 = arith.muli %shift_right_logical3A_50, %mul3A_51 : i32
    %dma_start3A = arith.constant 0 : i32
    %dma_start3A_53 = tpu.memref_slice %arg2[%dma_start3A, %mul3A_52] : memref<30000x1024xf32, #tpu.memory_space<hbm>> -> memref<30000x128xf32, #tpu.memory_space<hbm>>
    tpu.enqueue_indirect_dma source(%dma_start3A_53 : memref<30000x128xf32, #tpu.memory_space<hbm>>) target(%arg13 : memref<32x128xf32, #tpu.memory_space<vmem>>) offsets(%arg11 : memref<32xi32, #tpu.memory_space<vmem>>) semaphore(%arg18 : memref<!tpu.dma_semaphore, #tpu.memory_space<semaphore_mem>>)
    %dma_start3A_54 = arith.constant 0 : i32
    %dma_start3A_55 = tpu.memref_slice %arg2[%dma_start3A_54, %mul3A_52] : memref<30000x1024xf32, #tpu.memory_space<hbm>> -> memref<30000x128xf32, #tpu.memory_space<hbm>>
    tpu.enqueue_indirect_dma source(%dma_start3A_55 : memref<30000x128xf32, #tpu.memory_space<hbm>>) target(%arg14 : memref<32x128xf32, #tpu.memory_space<vmem>>) offsets(%arg12 : memref<32xi32, #tpu.memory_space<vmem>>) semaphore(%arg19 : memref<!tpu.dma_semaphore, #tpu.memory_space<semaphore_mem>>)
    %dma_start3A_56 = arith.constant 0 : i32
    %dma_start3A_57 = arith.constant 0 : i32
    %dma_start3A_58 = tpu.memref_slice %arg4[%dma_start3A_56, %dma_start3A_57] : memref<10000x128xf32, #tpu.memory_space<hbm>> -> memref<10000x128xf32, #tpu.memory_space<hbm>>
    tpu.enqueue_indirect_dma source(%dma_start3A_58 : memref<10000x128xf32, #tpu.memory_space<hbm>>) target(%arg15 : memref<32x128xf32, #tpu.memory_space<vmem>>) offsets(%arg10 : memref<32xi32, #tpu.memory_space<vmem>>) semaphore(%arg20 : memref<!tpu.dma_semaphore, #tpu.memory_space<semaphore_mem>>)
    %dma_start3A_59 = arith.constant 0 : i32
    %dma_start3A_60 = arith.constant 0 : i32
    %dma_start3A_61 = tpu.memref_slice %arg5[%dma_start3A_59, %dma_start3A_60] : memref<10000x128xf32, #tpu.memory_space<hbm>> -> memref<10000x128xf32, #tpu.memory_space<hbm>>
    tpu.enqueue_indirect_dma source(%dma_start3A_61 : memref<10000x128xf32, #tpu.memory_space<hbm>>) target(%arg16 : memref<32x128xf32, #tpu.memory_space<vmem>>) offsets(%arg10 : memref<32xi32, #tpu.memory_space<vmem>>) semaphore(%arg21 : memref<!tpu.dma_semaphore, #tpu.memory_space<semaphore_mem>>)
    %dma_wait3A = arith.constant 0 : i32
    %dma_wait3A_62 = tpu.memref_slice %arg2[%dma_wait3A, %mul3A_52] : memref<30000x1024xf32, #tpu.memory_space<hbm>> -> memref<30000x128xf32, #tpu.memory_space<hbm>>
    tpu.wait_indirect_dma semaphore(%arg18 : memref<!tpu.dma_semaphore, #tpu.memory_space<semaphore_mem>>) src(%dma_wait3A_62 : memref<30000x128xf32, #tpu.memory_space<hbm>>) dst(%arg13 : memref<32x128xf32, #tpu.memory_space<vmem>>)
    %dma_wait3A_63 = arith.constant 0 : i32
    %dma_wait3A_64 = tpu.memref_slice %arg2[%dma_wait3A_63, %mul3A_52] : memref<30000x1024xf32, #tpu.memory_space<hbm>> -> memref<30000x128xf32, #tpu.memory_space<hbm>>
    tpu.wait_indirect_dma semaphore(%arg19 : memref<!tpu.dma_semaphore, #tpu.memory_space<semaphore_mem>>) src(%dma_wait3A_64 : memref<30000x128xf32, #tpu.memory_space<hbm>>) dst(%arg14 : memref<32x128xf32, #tpu.memory_space<vmem>>)
    %dma_wait3A_65 = arith.constant 0 : i32
    %dma_wait3A_66 = arith.constant 0 : i32
    %dma_wait3A_67 = tpu.memref_slice %arg4[%dma_wait3A_65, %dma_wait3A_66] : memref<10000x128xf32, #tpu.memory_space<hbm>> -> memref<10000x128xf32, #tpu.memory_space<hbm>>
    tpu.wait_indirect_dma semaphore(%arg20 : memref<!tpu.dma_semaphore, #tpu.memory_space<semaphore_mem>>) src(%dma_wait3A_67 : memref<10000x128xf32, #tpu.memory_space<hbm>>) dst(%arg15 : memref<32x128xf32, #tpu.memory_space<vmem>>)
    %dma_wait3A_68 = arith.constant 0 : i32
    %dma_wait3A_69 = arith.constant 0 : i32
    %dma_wait3A_70 = tpu.memref_slice %arg5[%dma_wait3A_68, %dma_wait3A_69] : memref<10000x128xf32, #tpu.memory_space<hbm>> -> memref<10000x128xf32, #tpu.memory_space<hbm>>
    tpu.wait_indirect_dma semaphore(%arg21 : memref<!tpu.dma_semaphore, #tpu.memory_space<semaphore_mem>>) src(%dma_wait3A_70 : memref<10000x128xf32, #tpu.memory_space<hbm>>) dst(%arg16 : memref<32x128xf32, #tpu.memory_space<vmem>>)
    %and3A = arith.constant 127 : i32
    %and3A_71 = arith.andi %mul3A_2, %and3A : i32
    %add3A_72 = arith.constant 0 : i32
    %add3A_73 = arith.addi %and3A_71, %add3A_72 : i32
    %eq3A = arith.constant 0 : i32
    %eq3A_74 = vector.broadcast %eq3A : i32 to vector<16xi32>
    %eq3A_75 = arith.cmpi eq, %iota3A, %eq3A_74 : vector<16xi32>
    %get3A_76 = arith.constant 0 : i32
    %get3A_77 = arith.index_cast %get3A_76 : i32 to index
    %get3A_78 = arith.index_cast %add3A_73 : i32 to index
    %get3A_79 = tpu.vector_load %arg13[%get3A_77, %get3A_78] {strides = array<i32>} : memref<32x128xf32, #tpu.memory_space<vmem>>, vector<1x16xf32>,
    %get3A_80 = vector.shape_cast %get3A_79 : vector<1x16xf32> to vector<16xf32>
    %slice3A = vector.extract_strided_slice %get3A_80 {offsets = [0], sizes = [1], strides = [1]} : vector<16xf32> to vector<1xf32>
    %squeeze3A = vector.extract %slice3A[0] : f32 from vector<1xf32>
    %broadcast_in_dim3A = vector.broadcast %squeeze3A : f32 to vector<16xf32>
    %select_n3A = arith.select %eq3A_75, %broadcast_in_dim3A, %mul3A_5 : vector<16xi1>, vector<16xf32>
    %get3A_81 = arith.constant 0 : i32
    %get3A_82 = arith.index_cast %get3A_81 : i32 to index
    %get3A_83 = arith.index_cast %add3A_73 : i32 to index
    %get3A_84 = tpu.vector_load %arg14[%get3A_82, %get3A_83] {strides = array<i32>} : memref<32x128xf32, #tpu.memory_space<vmem>>, vector<1x16xf32>,
    %get3A_85 = vector.shape_cast %get3A_84 : vector<1x16xf32> to vector<16xf32>
    %slice3A_86 = vector.extract_strided_slice %get3A_85 {offsets = [0], sizes = [1], strides = [1]} : vector<16xf32> to vector<1xf32>
    %squeeze3A_87 = vector.extract %slice3A_86[0] : f32 from vector<1xf32>
    %broadcast_in_dim3A_88 = vector.broadcast %squeeze3A_87 : f32 to vector<16xf32>
    %select_n3A_89 = arith.select %eq3A_75, %broadcast_in_dim3A_88, %mul3A_5 : vector<16xi1>, vector<16xf32>
    %get3A_90 = arith.constant 0 : i32
    %get3A_91 = arith.index_cast %get3A_90 : i32 to index
    %get3A_92 = arith.constant 0 : index
    %get3A_93 = tpu.vector_load %arg15[%get3A_91, %get3A_92] {strides = array<i32>} : memref<32x128xf32, #tpu.memory_space<vmem>>, vector<1x16xf32>,
    %get3A_94 = vector.shape_cast %get3A_93 : vector<1x16xf32> to vector<16xf32>
    %slice3A_95 = vector.extract_strided_slice %get3A_94 {offsets = [0], sizes = [1], strides = [1]} : vector<16xf32> to vector<1xf32>
    %squeeze3A_96 = vector.extract %slice3A_95[0] : f32 from vector<1xf32>
    %broadcast_in_dim3A_97 = vector.broadcast %squeeze3A_96 : f32 to vector<16xf32>
    %select_n3A_98 = arith.select %eq3A_75, %broadcast_in_dim3A_97, %mul3A_5 : vector<16xi1>, vector<16xf32>
    %slice3A_99 = vector.extract_strided_slice %get3A_94 {offsets = [1], sizes = [1], strides = [1]} : vector<16xf32> to vector<1xf32>
    %squeeze3A_100 = vector.extract %slice3A_99[0] : f32 from vector<1xf32>
    %broadcast_in_dim3A_101 = vector.broadcast %squeeze3A_100 : f32 to vector<16xf32>
    %select_n3A_102 = arith.select %eq3A_75, %broadcast_in_dim3A_101, %mul3A_5 : vector<16xi1>, vector<16xf32>
    %get3A_103 = arith.constant 0 : i32
    %get3A_104 = arith.index_cast %get3A_103 : i32 to index
    %get3A_105 = arith.constant 0 : index
    %get3A_106 = tpu.vector_load %arg16[%get3A_104, %get3A_105] {strides = array<i32>} : memref<32x128xf32, #tpu.memory_space<vmem>>, vector<1x16xf32>,
    %get3A_107 = vector.shape_cast %get3A_106 : vector<1x16xf32> to vector<16xf32>
    %slice3A_108 = vector.extract_strided_slice %get3A_107 {offsets = [0], sizes = [1], strides = [1]} : vector<16xf32> to vector<1xf32>
    %squeeze3A_109 = vector.extract %slice3A_108[0] : f32 from vector<1xf32>
    %broadcast_in_dim3A_110 = vector.broadcast %squeeze3A_109 : f32 to vector<16xf32>
    %select_n3A_111 = arith.select %eq3A_75, %broadcast_in_dim3A_110, %mul3A_5 : vector<16xi1>, vector<16xf32>
    %slice3A_112 = vector.extract_strided_slice %get3A_107 {offsets = [1], sizes = [1], strides = [1]} : vector<16xf32> to vector<1xf32>
    %squeeze3A_113 = vector.extract %slice3A_112[0] : f32 from vector<1xf32>
    %broadcast_in_dim3A_114 = vector.broadcast %squeeze3A_113 : f32 to vector<16xf32>
    %select_n3A_115 = arith.select %eq3A_75, %broadcast_in_dim3A_114, %mul3A_5 : vector<16xi1>, vector<16xf32>
    %add3A_116 = arith.constant 0 : i32
    %add3A_117 = arith.addi %and3A_71, %add3A_116 : i32
    %eq3A_118 = arith.constant 1 : i32
    %eq3A_119 = vector.broadcast %eq3A_118 : i32 to vector<16xi32>
    %eq3A_120 = arith.cmpi eq, %iota3A, %eq3A_119 : vector<16xi32>
    %get3A_121 = arith.constant 1 : i32
    %get3A_122 = arith.index_cast %get3A_121 : i32 to index
    %get3A_123 = arith.index_cast %add3A_117 : i32 to index
    %get3A_124 = tpu.vector_load %arg13[%get3A_122, %get3A_123] {strides = array<i32>} : memref<32x128xf32, #tpu.memory_space<vmem>>, vector<1x16xf32>,
    %get3A_125 = vector.shape_cast %get3A_124 : vector<1x16xf32> to vector<16xf32>
    %slice3A_126 = vector.extract_strided_slice %get3A_125 {offsets = [1], sizes = [1], strides = [1]} : vector<16xf32> to vector<1xf32>
    %squeeze3A_127 = vector.extract %slice3A_126[0] : f32 from vector<1xf32>
    %broadcast_in_dim3A_128 = vector.broadcast %squeeze3A_127 : f32 to vector<16xf32>
    %select_n3A_129 = arith.select %eq3A_120, %broadcast_in_dim3A_128, %select_n3A : vector<16xi1>, vector<16xf32>
    %get3A_130 = arith.constant 1 : i32
    %get3A_131 = arith.index_cast %get3A_130 : i32 to index
    %get3A_132 = arith.index_cast %add3A_117 : i32 to index
    %get3A_133 = tpu.vector_load %arg14[%get3A_131, %get3A_132] {strides = array<i32>} : memref<32x128xf32, #tpu.memory_space<vmem>>, vector<1x16xf32>,
    %get3A_134 = vector.shape_cast %get3A_133 : vector<1x16xf32> to vector<16xf32>
    %slice3A_135 = vector.extract_strided_slice %get3A_134 {offsets = [1], sizes = [1], strides = [1]} : vector<16xf32> to vector<1xf32>
    %squeeze3A_136 = vector.extract %slice3A_135[0] : f32 from vector<1xf32>
    %broadcast_in_dim3A_137 = vector.broadcast %squeeze3A_136 : f32 to vector<16xf32>
    %select_n3A_138 = arith.select %eq3A_120, %broadcast_in_dim3A_137, %select_n3A_89 : vector<16xi1>, vector<16xf32>
    %get3A_139 = arith.constant 1 : i32
    %get3A_140 = arith.index_cast %get3A_139 : i32 to index
    %get3A_141 = arith.constant 0 : index
    %get3A_142 = tpu.vector_load %arg15[%get3A_140, %get3A_141] {strides = array<i32>} : memref<32x128xf32, #tpu.memory_space<vmem>>, vector<1x16xf32>,
    %get3A_143 = vector.shape_cast %get3A_142 : vector<1x16xf32> to vector<16xf32>
    %slice3A_144 = vector.extract_strided_slice %get3A_143 {offsets = [0], sizes = [1], strides = [1]} : vector<16xf32> to vector<1xf32>
    %squeeze3A_145 = vector.extract %slice3A_144[0] : f32 from vector<1xf32>
    %broadcast_in_dim3A_146 = vector.broadcast %squeeze3A_145 : f32 to vector<16xf32>
    %select_n3A_147 = arith.select %eq3A_120, %broadcast_in_dim3A_146, %select_n3A_98 : vector<16xi1>, vector<16xf32>
    %slice3A_148 = vector.extract_strided_slice %get3A_143 {offsets = [1], sizes = [1], strides = [1]} : vector<16xf32> to vector<1xf32>
    %squeeze3A_149 = vector.extract %slice3A_148[0] : f32 from vector<1xf32>
    %broadcast_in_dim3A_150 = vector.broadcast %squeeze3A_149 : f32 to vector<16xf32>
    %select_n3A_151 = arith.select %eq3A_120, %broadcast_in_dim3A_150, %select_n3A_102 : vector<16xi1>, vector<16xf32>
    %get3A_152 = arith.constant 1 : i32
    %get3A_153 = arith.index_cast %get3A_152 : i32 to index
    %get3A_154 = arith.constant 0 : index
    %get3A_155 = tpu.vector_load %arg16[%get3A_153, %get3A_154] {strides = array<i32>} : memref<32x128xf32, #tpu.memory_space<vmem>>, vector<1x16xf32>,
    %get3A_156 = vector.shape_cast %get3A_155 : vector<1x16xf32> to vector<16xf32>
    %slice3A_157 = vector.extract_strided_slice %get3A_156 {offsets = [0], sizes = [1], strides = [1]} : vector<16xf32> to vector<1xf32>
    %squeeze3A_158 = vector.extract %slice3A_157[0] : f32 from vector<1xf32>
    %broadcast_in_dim3A_159 = vector.broadcast %squeeze3A_158 : f32 to vector<16xf32>
    %select_n3A_160 = arith.select %eq3A_120, %broadcast_in_dim3A_159, %select_n3A_111 : vector<16xi1>, vector<16xf32>
    %slice3A_161 = vector.extract_strided_slice %get3A_156 {offsets = [1], sizes = [1], strides = [1]} : vector<16xf32> to vector<1xf32>
    %squeeze3A_162 = vector.extract %slice3A_161[0] : f32 from vector<1xf32>
    %broadcast_in_dim3A_163 = vector.broadcast %squeeze3A_162 : f32 to vector<16xf32>
    %select_n3A_164 = arith.select %eq3A_120, %broadcast_in_dim3A_163, %select_n3A_115 : vector<16xi1>, vector<16xf32>
    %add3A_165 = arith.constant 0 : i32
    %add3A_166 = arith.addi %and3A_71, %add3A_165 : i32
    %eq3A_167 = arith.constant 2 : i32
    %eq3A_168 = vector.broadcast %eq3A_167 : i32 to vector<16xi32>
    %eq3A_169 = arith.cmpi eq, %iota3A, %eq3A_168 : vector<16xi32>
    %get3A_170 = arith.constant 2 : i32
    %get3A_171 = arith.index_cast %get3A_170 : i32 to index
    %get3A_172 = arith.index_cast %add3A_166 : i32 to index
    %get3A_173 = tpu.vector_load %arg13[%get3A_171, %get3A_172] {strides = array<i32>} : memref<32x128xf32, #tpu.memory_space<vmem>>, vector<1x16xf32>,
    %get3A_174 = vector.shape_cast %get3A_173 : vector<1x16xf32> to vector<16xf32>
    %slice3A_175 = vector.extract_strided_slice %get3A_174 {offsets = [2], sizes = [1], strides = [1]} : vector<16xf32> to vector<1xf32>
    %squeeze3A_176 = vector.extract %slice3A_175[0] : f32 from vector<1xf32>
    %broadcast_in_dim3A_177 = vector.broadcast %squeeze3A_176 : f32 to vector<16xf32>
    %select_n3A_178 = arith.select %eq3A_169, %broadcast_in_dim3A_177, %select_n3A_129 : vector<16xi1>, vector<16xf32>
    %get3A_179 = arith.constant 2 : i32
    %get3A_180 = arith.index_cast %get3A_179 : i32 to index
    %get3A_181 = arith.index_cast %add3A_166 : i32 to index
    %get3A_182 = tpu.vector_load %arg14[%get3A_180, %get3A_181] {strides = array<i32>} : memref<32x128xf32, #tpu.memory_space<vmem>>, vector<1x16xf32>,
    %get3A_183 = vector.shape_cast %get3A_182 : vector<1x16xf32> to vector<16xf32>
    %slice3A_184 = vector.extract_strided_slice %get3A_183 {offsets = [2], sizes = [1], strides = [1]} : vector<16xf32> to vector<1xf32>
    %squeeze3A_185 = vector.extract %slice3A_184[0] : f32 from vector<1xf32>
    %broadcast_in_dim3A_186 = vector.broadcast %squeeze3A_185 : f32 to vector<16xf32>
    %select_n3A_187 = arith.select %eq3A_169, %broadcast_in_dim3A_186, %select_n3A_138 : vector<16xi1>, vector<16xf32>
    %get3A_188 = arith.constant 2 : i32
    %get3A_189 = arith.index_cast %get3A_188 : i32 to index
    %get3A_190 = arith.constant 0 : index
    %get3A_191 = tpu.vector_load %arg15[%get3A_189, %get3A_190] {strides = array<i32>} : memref<32x128xf32, #tpu.memory_space<vmem>>, vector<1x16xf32>,
    %get3A_192 = vector.shape_cast %get3A_191 : vector<1x16xf32> to vector<16xf32>
    %slice3A_193 = vector.extract_strided_slice %get3A_192 {offsets = [0], sizes = [1], strides = [1]} : vector<16xf32> to vector<1xf32>
    %squeeze3A_194 = vector.extract %slice3A_193[0] : f32 from vector<1xf32>
    %broadcast_in_dim3A_195 = vector.broadcast %squeeze3A_194 : f32 to vector<16xf32>
    %select_n3A_196 = arith.select %eq3A_169, %broadcast_in_dim3A_195, %select_n3A_147 : vector<16xi1>, vector<16xf32>
    %slice3A_197 = vector.extract_strided_slice %get3A_192 {offsets = [1], sizes = [1], strides = [1]} : vector<16xf32> to vector<1xf32>
    %squeeze3A_198 = vector.extract %slice3A_197[0] : f32 from vector<1xf32>
    %broadcast_in_dim3A_199 = vector.broadcast %squeeze3A_198 : f32 to vector<16xf32>
    %select_n3A_200 = arith.select %eq3A_169, %broadcast_in_dim3A_199, %select_n3A_151 : vector<16xi1>, vector<16xf32>
    %get3A_201 = arith.constant 2 : i32
    %get3A_202 = arith.index_cast %get3A_201 : i32 to index
    %get3A_203 = arith.constant 0 : index
    %get3A_204 = tpu.vector_load %arg16[%get3A_202, %get3A_203] {strides = array<i32>} : memref<32x128xf32, #tpu.memory_space<vmem>>, vector<1x16xf32>,
    %get3A_205 = vector.shape_cast %get3A_204 : vector<1x16xf32> to vector<16xf32>
    %slice3A_206 = vector.extract_strided_slice %get3A_205 {offsets = [0], sizes = [1], strides = [1]} : vector<16xf32> to vector<1xf32>
    %squeeze3A_207 = vector.extract %slice3A_206[0] : f32 from vector<1xf32>
    %broadcast_in_dim3A_208 = vector.broadcast %squeeze3A_207 : f32 to vector<16xf32>
    %select_n3A_209 = arith.select %eq3A_169, %broadcast_in_dim3A_208, %select_n3A_160 : vector<16xi1>, vector<16xf32>
    %slice3A_210 = vector.extract_strided_slice %get3A_205 {offsets = [1], sizes = [1], strides = [1]} : vector<16xf32> to vector<1xf32>
    %squeeze3A_211 = vector.extract %slice3A_210[0] : f32 from vector<1xf32>
    %broadcast_in_dim3A_212 = vector.broadcast %squeeze3A_211 : f32 to vector<16xf32>
    %select_n3A_213 = arith.select %eq3A_169, %broadcast_in_dim3A_212, %select_n3A_164 : vector<16xi1>, vector<16xf32>
    %add3A_214 = arith.constant 0 : i32
    %add3A_215 = arith.addi %and3A_71, %add3A_214 : i32
    %eq3A_216 = arith.constant 3 : i32
    %eq3A_217 = vector.broadcast %eq3A_216 : i32 to vector<16xi32>
    %eq3A_218 = arith.cmpi eq, %iota3A, %eq3A_217 : vector<16xi32>
    %get3A_219 = arith.constant 3 : i32
    %get3A_220 = arith.index_cast %get3A_219 : i32 to index
    %get3A_221 = arith.index_cast %add3A_215 : i32 to index
    %get3A_222 = tpu.vector_load %arg13[%get3A_220, %get3A_221] {strides = array<i32>} : memref<32x128xf32, #tpu.memory_space<vmem>>, vector<1x16xf32>,
    %get3A_223 = vector.shape_cast %get3A_222 : vector<1x16xf32> to vector<16xf32>
    %slice3A_224 = vector.extract_strided_slice %get3A_223 {offsets = [3], sizes = [1], strides = [1]} : vector<16xf32> to vector<1xf32>
    %squeeze3A_225 = vector.extract %slice3A_224[0] : f32 from vector<1xf32>
    %broadcast_in_dim3A_226 = vector.broadcast %squeeze3A_225 : f32 to vector<16xf32>
    %select_n3A_227 = arith.select %eq3A_218, %broadcast_in_dim3A_226, %select_n3A_178 : vector<16xi1>, vector<16xf32>
    %get3A_228 = arith.constant 3 : i32
    %get3A_229 = arith.index_cast %get3A_228 : i32 to index
    %get3A_230 = arith.index_cast %add3A_215 : i32 to index
    %get3A_231 = tpu.vector_load %arg14[%get3A_229, %get3A_230] {strides = array<i32>} : memref<32x128xf32, #tpu.memory_space<vmem>>, vector<1x16xf32>,
    %get3A_232 = vector.shape_cast %get3A_231 : vector<1x16xf32> to vector<16xf32>
    %slice3A_233 = vector.extract_strided_slice %get3A_232 {offsets = [3], sizes = [1], strides = [1]} : vector<16xf32> to vector<1xf32>
    %squeeze3A_234 = vector.extract %slice3A_233[0] : f32 from vector<1xf32>
    %broadcast_in_dim3A_235 = vector.broadcast %squeeze3A_234 : f32 to vector<16xf32>
    %select_n3A_236 = arith.select %eq3A_218, %broadcast_in_dim3A_235, %select_n3A_187 : vector<16xi1>, vector<16xf32>
    %get3A_237 = arith.constant 3 : i32
    %get3A_238 = arith.index_cast %get3A_237 : i32 to index
    %get3A_239 = arith.constant 0 : index
    %get3A_240 = tpu.vector_load %arg15[%get3A_238, %get3A_239] {strides = array<i32>} : memref<32x128xf32, #tpu.memory_space<vmem>>, vector<1x16xf32>,
    %get3A_241 = vector.shape_cast %get3A_240 : vector<1x16xf32> to vector<16xf32>
    %slice3A_242 = vector.extract_strided_slice %get3A_241 {offsets = [0], sizes = [1], strides = [1]} : vector<16xf32> to vector<1xf32>
    %squeeze3A_243 = vector.extract %slice3A_242[0] : f32 from vector<1xf32>
    %broadcast_in_dim3A_244 = vector.broadcast %squeeze3A_243 : f32 to vector<16xf32>
    %select_n3A_245 = arith.select %eq3A_218, %broadcast_in_dim3A_244, %select_n3A_196 : vector<16xi1>, vector<16xf32>
    %slice3A_246 = vector.extract_strided_slice %get3A_241 {offsets = [1], sizes = [1], strides = [1]} : vector<16xf32> to vector<1xf32>
    %squeeze3A_247 = vector.extract %slice3A_246[0] : f32 from vector<1xf32>
    %broadcast_in_dim3A_248 = vector.broadcast %squeeze3A_247 : f32 to vector<16xf32>
    %select_n3A_249 = arith.select %eq3A_218, %broadcast_in_dim3A_248, %select_n3A_200 : vector<16xi1>, vector<16xf32>
    %get3A_250 = arith.constant 3 : i32
    %get3A_251 = arith.index_cast %get3A_250 : i32 to index
    %get3A_252 = arith.constant 0 : index
    %get3A_253 = tpu.vector_load %arg16[%get3A_251, %get3A_252] {strides = array<i32>} : memref<32x128xf32, #tpu.memory_space<vmem>>, vector<1x16xf32>,
    %get3A_254 = vector.shape_cast %get3A_253 : vector<1x16xf32> to vector<16xf32>
    %slice3A_255 = vector.extract_strided_slice %get3A_254 {offsets = [0], sizes = [1], strides = [1]} : vector<16xf32> to vector<1xf32>
    %squeeze3A_256 = vector.extract %slice3A_255[0] : f32 from vector<1xf32>
    %broadcast_in_dim3A_257 = vector.broadcast %squeeze3A_256 : f32 to vector<16xf32>
    %select_n3A_258 = arith.select %eq3A_218, %broadcast_in_dim3A_257, %select_n3A_209 : vector<16xi1>, vector<16xf32>
    %slice3A_259 = vector.extract_strided_slice %get3A_254 {offsets = [1], sizes = [1], strides = [1]} : vector<16xf32> to vector<1xf32>
    %squeeze3A_260 = vector.extract %slice3A_259[0] : f32 from vector<1xf32>
    %broadcast_in_dim3A_261 = vector.broadcast %squeeze3A_260 : f32 to vector<16xf32>
    %select_n3A_262 = arith.select %eq3A_218, %broadcast_in_dim3A_261, %select_n3A_213 : vector<16xi1>, vector<16xf32>
    %add3A_263 = arith.constant 0 : i32
    %add3A_264 = arith.addi %and3A_71, %add3A_263 : i32
    %eq3A_265 = arith.constant 4 : i32
    %eq3A_266 = vector.broadcast %eq3A_265 : i32 to vector<16xi32>
    %eq3A_267 = arith.cmpi eq, %iota3A, %eq3A_266 : vector<16xi32>
    %get3A_268 = arith.constant 4 : i32
    %get3A_269 = arith.index_cast %get3A_268 : i32 to index
    %get3A_270 = arith.index_cast %add3A_264 : i32 to index
    %get3A_271 = tpu.vector_load %arg13[%get3A_269, %get3A_270] {strides = array<i32>} : memref<32x128xf32, #tpu.memory_space<vmem>>, vector<1x16xf32>,
    %get3A_272 = vector.shape_cast %get3A_271 : vector<1x16xf32> to vector<16xf32>
    %slice3A_273 = vector.extract_strided_slice %get3A_272 {offsets = [4], sizes = [1], strides = [1]} : vector<16xf32> to vector<1xf32>
    %squeeze3A_274 = vector.extract %slice3A_273[0] : f32 from vector<1xf32>
    %broadcast_in_dim3A_275 = vector.broadcast %squeeze3A_274 : f32 to vector<16xf32>
    %select_n3A_276 = arith.select %eq3A_267, %broadcast_in_dim3A_275, %select_n3A_227 : vector<16xi1>, vector<16xf32>
    %get3A_277 = arith.constant 4 : i32
    %get3A_278 = arith.index_cast %get3A_277 : i32 to index
    %get3A_279 = arith.index_cast %add3A_264 : i32 to index
    %get3A_280 = tpu.vector_load %arg14[%get3A_278, %get3A_279] {strides = array<i32>} : memref<32x128xf32, #tpu.memory_space<vmem>>, vector<1x16xf32>,
    %get3A_281 = vector.shape_cast %get3A_280 : vector<1x16xf32> to vector<16xf32>
    %slice3A_282 = vector.extract_strided_slice %get3A_281 {offsets = [4], sizes = [1], strides = [1]} : vector<16xf32> to vector<1xf32>
    %squeeze3A_283 = vector.extract %slice3A_282[0] : f32 from vector<1xf32>
    %broadcast_in_dim3A_284 = vector.broadcast %squeeze3A_283 : f32 to vector<16xf32>
    %select_n3A_285 = arith.select %eq3A_267, %broadcast_in_dim3A_284, %select_n3A_236 : vector<16xi1>, vector<16xf32>
    %get3A_286 = arith.constant 4 : i32
    %get3A_287 = arith.index_cast %get3A_286 : i32 to index
    %get3A_288 = arith.constant 0 : index
    %get3A_289 = tpu.vector_load %arg15[%get3A_287, %get3A_288] {strides = array<i32>} : memref<32x128xf32, #tpu.memory_space<vmem>>, vector<1x16xf32>,
    %get3A_290 = vector.shape_cast %get3A_289 : vector<1x16xf32> to vector<16xf32>
    %slice3A_291 = vector.extract_strided_slice %get3A_290 {offsets = [0], sizes = [1], strides = [1]} : vector<16xf32> to vector<1xf32>
    %squeeze3A_292 = vector.extract %slice3A_291[0] : f32 from vector<1xf32>
    %broadcast_in_dim3A_293 = vector.broadcast %squeeze3A_292 : f32 to vector<16xf32>
    %select_n3A_294 = arith.select %eq3A_267, %broadcast_in_dim3A_293, %select_n3A_245 : vector<16xi1>, vector<16xf32>
    %slice3A_295 = vector.extract_strided_slice %get3A_290 {offsets = [1], sizes = [1], strides = [1]} : vector<16xf32> to vector<1xf32>
    %squeeze3A_296 = vector.extract %slice3A_295[0] : f32 from vector<1xf32>
    %broadcast_in_dim3A_297 = vector.broadcast %squeeze3A_296 : f32 to vector<16xf32>
    %select_n3A_298 = arith.select %eq3A_267, %broadcast_in_dim3A_297, %select_n3A_249 : vector<16xi1>, vector<16xf32>
    %get3A_299 = arith.constant 4 : i32
    %get3A_300 = arith.index_cast %get3A_299 : i32 to index
    %get3A_301 = arith.constant 0 : index
    %get3A_302 = tpu.vector_load %arg16[%get3A_300, %get3A_301] {strides = array<i32>} : memref<32x128xf32, #tpu.memory_space<vmem>>, vector<1x16xf32>,
    %get3A_303 = vector.shape_cast %get3A_302 : vector<1x16xf32> to vector<16xf32>
    %slice3A_304 = vector.extract_strided_slice %get3A_303 {offsets = [0], sizes = [1], strides = [1]} : vector<16xf32> to vector<1xf32>
    %squeeze3A_305 = vector.extract %slice3A_304[0] : f32 from vector<1xf32>
    %broadcast_in_dim3A_306 = vector.broadcast %squeeze3A_305 : f32 to vector<16xf32>
    %select_n3A_307 = arith.select %eq3A_267, %broadcast_in_dim3A_306, %select_n3A_258 : vector<16xi1>, vector<16xf32>
    %slice3A_308 = vector.extract_strided_slice %get3A_303 {offsets = [1], sizes = [1], strides = [1]} : vector<16xf32> to vector<1xf32>
    %squeeze3A_309 = vector.extract %slice3A_308[0] : f32 from vector<1xf32>
    %broadcast_in_dim3A_310 = vector.broadcast %squeeze3A_309 : f32 to vector<16xf32>
    %select_n3A_311 = arith.select %eq3A_267, %broadcast_in_dim3A_310, %select_n3A_262 : vector<16xi1>, vector<16xf32>
    %add3A_312 = arith.constant 0 : i32
    %add3A_313 = arith.addi %and3A_71, %add3A_312 : i32
    %eq3A_314 = arith.constant 5 : i32
    %eq3A_315 = vector.broadcast %eq3A_314 : i32 to vector<16xi32>
    %eq3A_316 = arith.cmpi eq, %iota3A, %eq3A_315 : vector<16xi32>
    %get3A_317 = arith.constant 5 : i32
    %get3A_318 = arith.index_cast %get3A_317 : i32 to index
    %get3A_319 = arith.index_cast %add3A_313 : i32 to index
    %get3A_320 = tpu.vector_load %arg13[%get3A_318, %get3A_319] {strides = array<i32>} : memref<32x128xf32, #tpu.memory_space<vmem>>, vector<1x16xf32>,
    %get3A_321 = vector.shape_cast %get3A_320 : vector<1x16xf32> to vector<16xf32>
    %slice3A_322 = vector.extract_strided_slice %get3A_321 {offsets = [5], sizes = [1], strides = [1]} : vector<16xf32> to vector<1xf32>
    %squeeze3A_323 = vector.extract %slice3A_322[0] : f32 from vector<1xf32>
    %broadcast_in_dim3A_324 = vector.broadcast %squeeze3A_323 : f32 to vector<16xf32>
    %select_n3A_325 = arith.select %eq3A_316, %broadcast_in_dim3A_324, %select_n3A_276 : vector<16xi1>, vector<16xf32>
    %get3A_326 = arith.constant 5 : i32
    %get3A_327 = arith.index_cast %get3A_326 : i32 to index
    %get3A_328 = arith.index_cast %add3A_313 : i32 to index
    %get3A_329 = tpu.vector_load %arg14[%get3A_327, %get3A_328] {strides = array<i32>} : memref<32x128xf32, #tpu.memory_space<vmem>>, vector<1x16xf32>,
    %get3A_330 = vector.shape_cast %get3A_329 : vector<1x16xf32> to vector<16xf32>
    %slice3A_331 = vector.extract_strided_slice %get3A_330 {offsets = [5], sizes = [1], strides = [1]} : vector<16xf32> to vector<1xf32>
    %squeeze3A_332 = vector.extract %slice3A_331[0] : f32 from vector<1xf32>
    %broadcast_in_dim3A_333 = vector.broadcast %squeeze3A_332 : f32 to vector<16xf32>
    %select_n3A_334 = arith.select %eq3A_316, %broadcast_in_dim3A_333, %select_n3A_285 : vector<16xi1>, vector<16xf32>
    %get3A_335 = arith.constant 5 : i32
    %get3A_336 = arith.index_cast %get3A_335 : i32 to index
    %get3A_337 = arith.constant 0 : index
    %get3A_338 = tpu.vector_load %arg15[%get3A_336, %get3A_337] {strides = array<i32>} : memref<32x128xf32, #tpu.memory_space<vmem>>, vector<1x16xf32>,
    %get3A_339 = vector.shape_cast %get3A_338 : vector<1x16xf32> to vector<16xf32>
    %slice3A_340 = vector.extract_strided_slice %get3A_339 {offsets = [0], sizes = [1], strides = [1]} : vector<16xf32> to vector<1xf32>
    %squeeze3A_341 = vector.extract %slice3A_340[0] : f32 from vector<1xf32>
    %broadcast_in_dim3A_342 = vector.broadcast %squeeze3A_341 : f32 to vector<16xf32>
    %select_n3A_343 = arith.select %eq3A_316, %broadcast_in_dim3A_342, %select_n3A_294 : vector<16xi1>, vector<16xf32>
    %slice3A_344 = vector.extract_strided_slice %get3A_339 {offsets = [1], sizes = [1], strides = [1]} : vector<16xf32> to vector<1xf32>
    %squeeze3A_345 = vector.extract %slice3A_344[0] : f32 from vector<1xf32>
    %broadcast_in_dim3A_346 = vector.broadcast %squeeze3A_345 : f32 to vector<16xf32>
    %select_n3A_347 = arith.select %eq3A_316, %broadcast_in_dim3A_346, %select_n3A_298 : vector<16xi1>, vector<16xf32>
    %get3A_348 = arith.constant 5 : i32
    %get3A_349 = arith.index_cast %get3A_348 : i32 to index
    %get3A_350 = arith.constant 0 : index
    %get3A_351 = tpu.vector_load %arg16[%get3A_349, %get3A_350] {strides = array<i32>} : memref<32x128xf32, #tpu.memory_space<vmem>>, vector<1x16xf32>,
    %get3A_352 = vector.shape_cast %get3A_351 : vector<1x16xf32> to vector<16xf32>
    %slice3A_353 = vector.extract_strided_slice %get3A_352 {offsets = [0], sizes = [1], strides = [1]} : vector<16xf32> to vector<1xf32>
    %squeeze3A_354 = vector.extract %slice3A_353[0] : f32 from vector<1xf32>
    %broadcast_in_dim3A_355 = vector.broadcast %squeeze3A_354 : f32 to vector<16xf32>
    %select_n3A_356 = arith.select %eq3A_316, %broadcast_in_dim3A_355, %select_n3A_307 : vector<16xi1>, vector<16xf32>
    %slice3A_357 = vector.extract_strided_slice %get3A_352 {offsets = [1], sizes = [1], strides = [1]} : vector<16xf32> to vector<1xf32>
    %squeeze3A_358 = vector.extract %slice3A_357[0] : f32 from vector<1xf32>
    %broadcast_in_dim3A_359 = vector.broadcast %squeeze3A_358 : f32 to vector<16xf32>
    %select_n3A_360 = arith.select %eq3A_316, %broadcast_in_dim3A_359, %select_n3A_311 : vector<16xi1>, vector<16xf32>
    %add3A_361 = arith.constant 0 : i32
    %add3A_362 = arith.addi %and3A_71, %add3A_361 : i32
    %eq3A_363 = arith.constant 6 : i32
    %eq3A_364 = vector.broadcast %eq3A_363 : i32 to vector<16xi32>
    %eq3A_365 = arith.cmpi eq, %iota3A, %eq3A_364 : vector<16xi32>
    %get3A_366 = arith.constant 6 : i32
    %get3A_367 = arith.index_cast %get3A_366 : i32 to index
    %get3A_368 = arith.index_cast %add3A_362 : i32 to index
    %get3A_369 = tpu.vector_load %arg13[%get3A_367, %get3A_368] {strides = array<i32>} : memref<32x128xf32, #tpu.memory_space<vmem>>, vector<1x16xf32>,
    %get3A_370 = vector.shape_cast %get3A_369 : vector<1x16xf32> to vector<16xf32>
    %slice3A_371 = vector.extract_strided_slice %get3A_370 {offsets = [6], sizes = [1], strides = [1]} : vector<16xf32> to vector<1xf32>
    %squeeze3A_372 = vector.extract %slice3A_371[0] : f32 from vector<1xf32>
    %broadcast_in_dim3A_373 = vector.broadcast %squeeze3A_372 : f32 to vector<16xf32>
    %select_n3A_374 = arith.select %eq3A_365, %broadcast_in_dim3A_373, %select_n3A_325 : vector<16xi1>, vector<16xf32>
    %get3A_375 = arith.constant 6 : i32
    %get3A_376 = arith.index_cast %get3A_375 : i32 to index
    %get3A_377 = arith.index_cast %add3A_362 : i32 to index
    %get3A_378 = tpu.vector_load %arg14[%get3A_376, %get3A_377] {strides = array<i32>} : memref<32x128xf32, #tpu.memory_space<vmem>>, vector<1x16xf32>,
    %get3A_379 = vector.shape_cast %get3A_378 : vector<1x16xf32> to vector<16xf32>
    %slice3A_380 = vector.extract_strided_slice %get3A_379 {offsets = [6], sizes = [1], strides = [1]} : vector<16xf32> to vector<1xf32>
    %squeeze3A_381 = vector.extract %slice3A_380[0] : f32 from vector<1xf32>
    %broadcast_in_dim3A_382 = vector.broadcast %squeeze3A_381 : f32 to vector<16xf32>
    %select_n3A_383 = arith.select %eq3A_365, %broadcast_in_dim3A_382, %select_n3A_334 : vector<16xi1>, vector<16xf32>
    %get3A_384 = arith.constant 6 : i32
    %get3A_385 = arith.index_cast %get3A_384 : i32 to index
    %get3A_386 = arith.constant 0 : index
    %get3A_387 = tpu.vector_load %arg15[%get3A_385, %get3A_386] {strides = array<i32>} : memref<32x128xf32, #tpu.memory_space<vmem>>, vector<1x16xf32>,
    %get3A_388 = vector.shape_cast %get3A_387 : vector<1x16xf32> to vector<16xf32>
    %slice3A_389 = vector.extract_strided_slice %get3A_388 {offsets = [0], sizes = [1], strides = [1]} : vector<16xf32> to vector<1xf32>
    %squeeze3A_390 = vector.extract %slice3A_389[0] : f32 from vector<1xf32>
    %broadcast_in_dim3A_391 = vector.broadcast %squeeze3A_390 : f32 to vector<16xf32>
    %select_n3A_392 = arith.select %eq3A_365, %broadcast_in_dim3A_391, %select_n3A_343 : vector<16xi1>, vector<16xf32>
    %slice3A_393 = vector.extract_strided_slice %get3A_388 {offsets = [1], sizes = [1], strides = [1]} : vector<16xf32> to vector<1xf32>
    %squeeze3A_394 = vector.extract %slice3A_393[0] : f32 from vector<1xf32>
    %broadcast_in_dim3A_395 = vector.broadcast %squeeze3A_394 : f32 to vector<16xf32>
    %select_n3A_396 = arith.select %eq3A_365, %broadcast_in_dim3A_395, %select_n3A_347 : vector<16xi1>, vector<16xf32>
    %get3A_397 = arith.constant 6 : i32
    %get3A_398 = arith.index_cast %get3A_397 : i32 to index
    %get3A_399 = arith.constant 0 : index
    %get3A_400 = tpu.vector_load %arg16[%get3A_398, %get3A_399] {strides = array<i32>} : memref<32x128xf32, #tpu.memory_space<vmem>>, vector<1x16xf32>,
    %get3A_401 = vector.shape_cast %get3A_400 : vector<1x16xf32> to vector<16xf32>
    %slice3A_402 = vector.extract_strided_slice %get3A_401 {offsets = [0], sizes = [1], strides = [1]} : vector<16xf32> to vector<1xf32>
    %squeeze3A_403 = vector.extract %slice3A_402[0] : f32 from vector<1xf32>
    %broadcast_in_dim3A_404 = vector.broadcast %squeeze3A_403 : f32 to vector<16xf32>
    %select_n3A_405 = arith.select %eq3A_365, %broadcast_in_dim3A_404, %select_n3A_356 : vector<16xi1>, vector<16xf32>
    %slice3A_406 = vector.extract_strided_slice %get3A_401 {offsets = [1], sizes = [1], strides = [1]} : vector<16xf32> to vector<1xf32>
    %squeeze3A_407 = vector.extract %slice3A_406[0] : f32 from vector<1xf32>
    %broadcast_in_dim3A_408 = vector.broadcast %squeeze3A_407 : f32 to vector<16xf32>
    %select_n3A_409 = arith.select %eq3A_365, %broadcast_in_dim3A_408, %select_n3A_360 : vector<16xi1>, vector<16xf32>
    %add3A_410 = arith.constant 0 : i32
    %add3A_411 = arith.addi %and3A_71, %add3A_410 : i32
    %eq3A_412 = arith.constant 7 : i32
    %eq3A_413 = vector.broadcast %eq3A_412 : i32 to vector<16xi32>
    %eq3A_414 = arith.cmpi eq, %iota3A, %eq3A_413 : vector<16xi32>
    %get3A_415 = arith.constant 7 : i32
    %get3A_416 = arith.index_cast %get3A_415 : i32 to index
    %get3A_417 = arith.index_cast %add3A_411 : i32 to index
    %get3A_418 = tpu.vector_load %arg13[%get3A_416, %get3A_417] {strides = array<i32>} : memref<32x128xf32, #tpu.memory_space<vmem>>, vector<1x16xf32>,
    %get3A_419 = vector.shape_cast %get3A_418 : vector<1x16xf32> to vector<16xf32>
    %slice3A_420 = vector.extract_strided_slice %get3A_419 {offsets = [7], sizes = [1], strides = [1]} : vector<16xf32> to vector<1xf32>
    %squeeze3A_421 = vector.extract %slice3A_420[0] : f32 from vector<1xf32>
    %broadcast_in_dim3A_422 = vector.broadcast %squeeze3A_421 : f32 to vector<16xf32>
    %select_n3A_423 = arith.select %eq3A_414, %broadcast_in_dim3A_422, %select_n3A_374 : vector<16xi1>, vector<16xf32>
    %get3A_424 = arith.constant 7 : i32
    %get3A_425 = arith.index_cast %get3A_424 : i32 to index
    %get3A_426 = arith.index_cast %add3A_411 : i32 to index
    %get3A_427 = tpu.vector_load %arg14[%get3A_425, %get3A_426] {strides = array<i32>} : memref<32x128xf32, #tpu.memory_space<vmem>>, vector<1x16xf32>,
    %get3A_428 = vector.shape_cast %get3A_427 : vector<1x16xf32> to vector<16xf32>
    %slice3A_429 = vector.extract_strided_slice %get3A_428 {offsets = [7], sizes = [1], strides = [1]} : vector<16xf32> to vector<1xf32>
    %squeeze3A_430 = vector.extract %slice3A_429[0] : f32 from vector<1xf32>
    %broadcast_in_dim3A_431 = vector.broadcast %squeeze3A_430 : f32 to vector<16xf32>
    %select_n3A_432 = arith.select %eq3A_414, %broadcast_in_dim3A_431, %select_n3A_383 : vector<16xi1>, vector<16xf32>
    %get3A_433 = arith.constant 7 : i32
    %get3A_434 = arith.index_cast %get3A_433 : i32 to index
    %get3A_435 = arith.constant 0 : index
    %get3A_436 = tpu.vector_load %arg15[%get3A_434, %get3A_435] {strides = array<i32>} : memref<32x128xf32, #tpu.memory_space<vmem>>, vector<1x16xf32>,
    %get3A_437 = vector.shape_cast %get3A_436 : vector<1x16xf32> to vector<16xf32>
    %slice3A_438 = vector.extract_strided_slice %get3A_437 {offsets = [0], sizes = [1], strides = [1]} : vector<16xf32> to vector<1xf32>
    %squeeze3A_439 = vector.extract %slice3A_438[0] : f32 from vector<1xf32>
    %broadcast_in_dim3A_440 = vector.broadcast %squeeze3A_439 : f32 to vector<16xf32>
    %select_n3A_441 = arith.select %eq3A_414, %broadcast_in_dim3A_440, %select_n3A_392 : vector<16xi1>, vector<16xf32>
    %slice3A_442 = vector.extract_strided_slice %get3A_437 {offsets = [1], sizes = [1], strides = [1]} : vector<16xf32> to vector<1xf32>
    %squeeze3A_443 = vector.extract %slice3A_442[0] : f32 from vector<1xf32>
    %broadcast_in_dim3A_444 = vector.broadcast %squeeze3A_443 : f32 to vector<16xf32>
    %select_n3A_445 = arith.select %eq3A_414, %broadcast_in_dim3A_444, %select_n3A_396 : vector<16xi1>, vector<16xf32>
    %get3A_446 = arith.constant 7 : i32
    %get3A_447 = arith.index_cast %get3A_446 : i32 to index
    %get3A_448 = arith.constant 0 : index
    %get3A_449 = tpu.vector_load %arg16[%get3A_447, %get3A_448] {strides = array<i32>} : memref<32x128xf32, #tpu.memory_space<vmem>>, vector<1x16xf32>,
    %get3A_450 = vector.shape_cast %get3A_449 : vector<1x16xf32> to vector<16xf32>
    %slice3A_451 = vector.extract_strided_slice %get3A_450 {offsets = [0], sizes = [1], strides = [1]} : vector<16xf32> to vector<1xf32>
    %squeeze3A_452 = vector.extract %slice3A_451[0] : f32 from vector<1xf32>
    %broadcast_in_dim3A_453 = vector.broadcast %squeeze3A_452 : f32 to vector<16xf32>
    %select_n3A_454 = arith.select %eq3A_414, %broadcast_in_dim3A_453, %select_n3A_405 : vector<16xi1>, vector<16xf32>
    %slice3A_455 = vector.extract_strided_slice %get3A_450 {offsets = [1], sizes = [1], strides = [1]} : vector<16xf32> to vector<1xf32>
    %squeeze3A_456 = vector.extract %slice3A_455[0] : f32 from vector<1xf32>
    %broadcast_in_dim3A_457 = vector.broadcast %squeeze3A_456 : f32 to vector<16xf32>
    %select_n3A_458 = arith.select %eq3A_414, %broadcast_in_dim3A_457, %select_n3A_409 : vector<16xi1>, vector<16xf32>
    %add3A_459 = arith.constant 0 : i32
    %add3A_460 = arith.addi %and3A_71, %add3A_459 : i32
    %eq3A_461 = arith.constant 8 : i32
    %eq3A_462 = vector.broadcast %eq3A_461 : i32 to vector<16xi32>
    %eq3A_463 = arith.cmpi eq, %iota3A, %eq3A_462 : vector<16xi32>
    %get3A_464 = arith.constant 8 : i32
    %get3A_465 = arith.index_cast %get3A_464 : i32 to index
    %get3A_466 = arith.index_cast %add3A_460 : i32 to index
    %get3A_467 = tpu.vector_load %arg13[%get3A_465, %get3A_466] {strides = array<i32>} : memref<32x128xf32, #tpu.memory_space<vmem>>, vector<1x16xf32>,
    %get3A_468 = vector.shape_cast %get3A_467 : vector<1x16xf32> to vector<16xf32>
    %slice3A_469 = vector.extract_strided_slice %get3A_468 {offsets = [8], sizes = [1], strides = [1]} : vector<16xf32> to vector<1xf32>
    %squeeze3A_470 = vector.extract %slice3A_469[0] : f32 from vector<1xf32>
    %broadcast_in_dim3A_471 = vector.broadcast %squeeze3A_470 : f32 to vector<16xf32>
    %select_n3A_472 = arith.select %eq3A_463, %broadcast_in_dim3A_471, %select_n3A_423 : vector<16xi1>, vector<16xf32>
    %get3A_473 = arith.constant 8 : i32
    %get3A_474 = arith.index_cast %get3A_473 : i32 to index
    %get3A_475 = arith.index_cast %add3A_460 : i32 to index
    %get3A_476 = tpu.vector_load %arg14[%get3A_474, %get3A_475] {strides = array<i32>} : memref<32x128xf32, #tpu.memory_space<vmem>>, vector<1x16xf32>,
    %get3A_477 = vector.shape_cast %get3A_476 : vector<1x16xf32> to vector<16xf32>
    %slice3A_478 = vector.extract_strided_slice %get3A_477 {offsets = [8], sizes = [1], strides = [1]} : vector<16xf32> to vector<1xf32>
    %squeeze3A_479 = vector.extract %slice3A_478[0] : f32 from vector<1xf32>
    %broadcast_in_dim3A_480 = vector.broadcast %squeeze3A_479 : f32 to vector<16xf32>
    %select_n3A_481 = arith.select %eq3A_463, %broadcast_in_dim3A_480, %select_n3A_432 : vector<16xi1>, vector<16xf32>
    %get3A_482 = arith.constant 8 : i32
    %get3A_483 = arith.index_cast %get3A_482 : i32 to index
    %get3A_484 = arith.constant 0 : index
    %get3A_485 = tpu.vector_load %arg15[%get3A_483, %get3A_484] {strides = array<i32>} : memref<32x128xf32, #tpu.memory_space<vmem>>, vector<1x16xf32>,
    %get3A_486 = vector.shape_cast %get3A_485 : vector<1x16xf32> to vector<16xf32>
    %slice3A_487 = vector.extract_strided_slice %get3A_486 {offsets = [0], sizes = [1], strides = [1]} : vector<16xf32> to vector<1xf32>
    %squeeze3A_488 = vector.extract %slice3A_487[0] : f32 from vector<1xf32>
    %broadcast_in_dim3A_489 = vector.broadcast %squeeze3A_488 : f32 to vector<16xf32>
    %select_n3A_490 = arith.select %eq3A_463, %broadcast_in_dim3A_489, %select_n3A_441 : vector<16xi1>, vector<16xf32>
    %slice3A_491 = vector.extract_strided_slice %get3A_486 {offsets = [1], sizes = [1], strides = [1]} : vector<16xf32> to vector<1xf32>
    %squeeze3A_492 = vector.extract %slice3A_491[0] : f32 from vector<1xf32>
    %broadcast_in_dim3A_493 = vector.broadcast %squeeze3A_492 : f32 to vector<16xf32>
    %select_n3A_494 = arith.select %eq3A_463, %broadcast_in_dim3A_493, %select_n3A_445 : vector<16xi1>, vector<16xf32>
    %get3A_495 = arith.constant 8 : i32
    %get3A_496 = arith.index_cast %get3A_495 : i32 to index
    %get3A_497 = arith.constant 0 : index
    %get3A_498 = tpu.vector_load %arg16[%get3A_496, %get3A_497] {strides = array<i32>} : memref<32x128xf32, #tpu.memory_space<vmem>>, vector<1x16xf32>,
    %get3A_499 = vector.shape_cast %get3A_498 : vector<1x16xf32> to vector<16xf32>
    %slice3A_500 = vector.extract_strided_slice %get3A_499 {offsets = [0], sizes = [1], strides = [1]} : vector<16xf32> to vector<1xf32>
    %squeeze3A_501 = vector.extract %slice3A_500[0] : f32 from vector<1xf32>
    %broadcast_in_dim3A_502 = vector.broadcast %squeeze3A_501 : f32 to vector<16xf32>
    %select_n3A_503 = arith.select %eq3A_463, %broadcast_in_dim3A_502, %select_n3A_454 : vector<16xi1>, vector<16xf32>
    %slice3A_504 = vector.extract_strided_slice %get3A_499 {offsets = [1], sizes = [1], strides = [1]} : vector<16xf32> to vector<1xf32>
    %squeeze3A_505 = vector.extract %slice3A_504[0] : f32 from vector<1xf32>
    %broadcast_in_dim3A_506 = vector.broadcast %squeeze3A_505 : f32 to vector<16xf32>
    %select_n3A_507 = arith.select %eq3A_463, %broadcast_in_dim3A_506, %select_n3A_458 : vector<16xi1>, vector<16xf32>
    %add3A_508 = arith.constant 0 : i32
    %add3A_509 = arith.addi %and3A_71, %add3A_508 : i32
    %eq3A_510 = arith.constant 9 : i32
    %eq3A_511 = vector.broadcast %eq3A_510 : i32 to vector<16xi32>
    %eq3A_512 = arith.cmpi eq, %iota3A, %eq3A_511 : vector<16xi32>
    %get3A_513 = arith.constant 9 : i32
    %get3A_514 = arith.index_cast %get3A_513 : i32 to index
    %get3A_515 = arith.index_cast %add3A_509 : i32 to index
    %get3A_516 = tpu.vector_load %arg13[%get3A_514, %get3A_515] {strides = array<i32>} : memref<32x128xf32, #tpu.memory_space<vmem>>, vector<1x16xf32>,
    %get3A_517 = vector.shape_cast %get3A_516 : vector<1x16xf32> to vector<16xf32>
    %slice3A_518 = vector.extract_strided_slice %get3A_517 {offsets = [9], sizes = [1], strides = [1]} : vector<16xf32> to vector<1xf32>
    %squeeze3A_519 = vector.extract %slice3A_518[0] : f32 from vector<1xf32>
    %broadcast_in_dim3A_520 = vector.broadcast %squeeze3A_519 : f32 to vector<16xf32>
    %select_n3A_521 = arith.select %eq3A_512, %broadcast_in_dim3A_520, %select_n3A_472 : vector<16xi1>, vector<16xf32>
    %get3A_522 = arith.constant 9 : i32
    %get3A_523 = arith.index_cast %get3A_522 : i32 to index
    %get3A_524 = arith.index_cast %add3A_509 : i32 to index
    %get3A_525 = tpu.vector_load %arg14[%get3A_523, %get3A_524] {strides = array<i32>} : memref<32x128xf32, #tpu.memory_space<vmem>>, vector<1x16xf32>,
    %get3A_526 = vector.shape_cast %get3A_525 : vector<1x16xf32> to vector<16xf32>
    %slice3A_527 = vector.extract_strided_slice %get3A_526 {offsets = [9], sizes = [1], strides = [1]} : vector<16xf32> to vector<1xf32>
    %squeeze3A_528 = vector.extract %slice3A_527[0] : f32 from vector<1xf32>
    %broadcast_in_dim3A_529 = vector.broadcast %squeeze3A_528 : f32 to vector<16xf32>
    %select_n3A_530 = arith.select %eq3A_512, %broadcast_in_dim3A_529, %select_n3A_481 : vector<16xi1>, vector<16xf32>
    %get3A_531 = arith.constant 9 : i32
    %get3A_532 = arith.index_cast %get3A_531 : i32 to index
    %get3A_533 = arith.constant 0 : index
    %get3A_534 = tpu.vector_load %arg15[%get3A_532, %get3A_533] {strides = array<i32>} : memref<32x128xf32, #tpu.memory_space<vmem>>, vector<1x16xf32>,
    %get3A_535 = vector.shape_cast %get3A_534 : vector<1x16xf32> to vector<16xf32>
    %slice3A_536 = vector.extract_strided_slice %get3A_535 {offsets = [0], sizes = [1], strides = [1]} : vector<16xf32> to vector<1xf32>
    %squeeze3A_537 = vector.extract %slice3A_536[0] : f32 from vector<1xf32>
    %broadcast_in_dim3A_538 = vector.broadcast %squeeze3A_537 : f32 to vector<16xf32>
    %select_n3A_539 = arith.select %eq3A_512, %broadcast_in_dim3A_538, %select_n3A_490 : vector<16xi1>, vector<16xf32>
    %slice3A_540 = vector.extract_strided_slice %get3A_535 {offsets = [1], sizes = [1], strides = [1]} : vector<16xf32> to vector<1xf32>
    %squeeze3A_541 = vector.extract %slice3A_540[0] : f32 from vector<1xf32>
    %broadcast_in_dim3A_542 = vector.broadcast %squeeze3A_541 : f32 to vector<16xf32>
    %select_n3A_543 = arith.select %eq3A_512, %broadcast_in_dim3A_542, %select_n3A_494 : vector<16xi1>, vector<16xf32>
    %get3A_544 = arith.constant 9 : i32
    %get3A_545 = arith.index_cast %get3A_544 : i32 to index
    %get3A_546 = arith.constant 0 : index
    %get3A_547 = tpu.vector_load %arg16[%get3A_545, %get3A_546] {strides = array<i32>} : memref<32x128xf32, #tpu.memory_space<vmem>>, vector<1x16xf32>,
    %get3A_548 = vector.shape_cast %get3A_547 : vector<1x16xf32> to vector<16xf32>
    %slice3A_549 = vector.extract_strided_slice %get3A_548 {offsets = [0], sizes = [1], strides = [1]} : vector<16xf32> to vector<1xf32>
    %squeeze3A_550 = vector.extract %slice3A_549[0] : f32 from vector<1xf32>
    %broadcast_in_dim3A_551 = vector.broadcast %squeeze3A_550 : f32 to vector<16xf32>
    %select_n3A_552 = arith.select %eq3A_512, %broadcast_in_dim3A_551, %select_n3A_503 : vector<16xi1>, vector<16xf32>
    %slice3A_553 = vector.extract_strided_slice %get3A_548 {offsets = [1], sizes = [1], strides = [1]} : vector<16xf32> to vector<1xf32>
    %squeeze3A_554 = vector.extract %slice3A_553[0] : f32 from vector<1xf32>
    %broadcast_in_dim3A_555 = vector.broadcast %squeeze3A_554 : f32 to vector<16xf32>
    %select_n3A_556 = arith.select %eq3A_512, %broadcast_in_dim3A_555, %select_n3A_507 : vector<16xi1>, vector<16xf32>
    %add3A_557 = arith.constant 0 : i32
    %add3A_558 = arith.addi %and3A_71, %add3A_557 : i32
    %eq3A_559 = arith.constant 10 : i32
    %eq3A_560 = vector.broadcast %eq3A_559 : i32 to vector<16xi32>
    %eq3A_561 = arith.cmpi eq, %iota3A, %eq3A_560 : vector<16xi32>
    %get3A_562 = arith.constant 10 : i32
    %get3A_563 = arith.index_cast %get3A_562 : i32 to index
    %get3A_564 = arith.index_cast %add3A_558 : i32 to index
    %get3A_565 = tpu.vector_load %arg13[%get3A_563, %get3A_564] {strides = array<i32>} : memref<32x128xf32, #tpu.memory_space<vmem>>, vector<1x16xf32>,
    %get3A_566 = vector.shape_cast %get3A_565 : vector<1x16xf32> to vector<16xf32>
    %slice3A_567 = vector.extract_strided_slice %get3A_566 {offsets = [10], sizes = [1], strides = [1]} : vector<16xf32> to vector<1xf32>
    %squeeze3A_568 = vector.extract %slice3A_567[0] : f32 from vector<1xf32>
    %broadcast_in_dim3A_569 = vector.broadcast %squeeze3A_568 : f32 to vector<16xf32>
    %select_n3A_570 = arith.select %eq3A_561, %broadcast_in_dim3A_569, %select_n3A_521 : vector<16xi1>, vector<16xf32>
    %get3A_571 = arith.constant 10 : i32
    %get3A_572 = arith.index_cast %get3A_571 : i32 to index
    %get3A_573 = arith.index_cast %add3A_558 : i32 to index
    %get3A_574 = tpu.vector_load %arg14[%get3A_572, %get3A_573] {strides = array<i32>} : memref<32x128xf32, #tpu.memory_space<vmem>>, vector<1x16xf32>,
    %get3A_575 = vector.shape_cast %get3A_574 : vector<1x16xf32> to vector<16xf32>
    %slice3A_576 = vector.extract_strided_slice %get3A_575 {offsets = [10], sizes = [1], strides = [1]} : vector<16xf32> to vector<1xf32>
    %squeeze3A_577 = vector.extract %slice3A_576[0] : f32 from vector<1xf32>
    %broadcast_in_dim3A_578 = vector.broadcast %squeeze3A_577 : f32 to vector<16xf32>
    %select_n3A_579 = arith.select %eq3A_561, %broadcast_in_dim3A_578, %select_n3A_530 : vector<16xi1>, vector<16xf32>
    %get3A_580 = arith.constant 10 : i32
    %get3A_581 = arith.index_cast %get3A_580 : i32 to index
    %get3A_582 = arith.constant 0 : index
    %get3A_583 = tpu.vector_load %arg15[%get3A_581, %get3A_582] {strides = array<i32>} : memref<32x128xf32, #tpu.memory_space<vmem>>, vector<1x16xf32>,
    %get3A_584 = vector.shape_cast %get3A_583 : vector<1x16xf32> to vector<16xf32>
    %slice3A_585 = vector.extract_strided_slice %get3A_584 {offsets = [0], sizes = [1], strides = [1]} : vector<16xf32> to vector<1xf32>
    %squeeze3A_586 = vector.extract %slice3A_585[0] : f32 from vector<1xf32>
    %broadcast_in_dim3A_587 = vector.broadcast %squeeze3A_586 : f32 to vector<16xf32>
    %select_n3A_588 = arith.select %eq3A_561, %broadcast_in_dim3A_587, %select_n3A_539 : vector<16xi1>, vector<16xf32>
    %slice3A_589 = vector.extract_strided_slice %get3A_584 {offsets = [1], sizes = [1], strides = [1]} : vector<16xf32> to vector<1xf32>
    %squeeze3A_590 = vector.extract %slice3A_589[0] : f32 from vector<1xf32>
    %broadcast_in_dim3A_591 = vector.broadcast %squeeze3A_590 : f32 to vector<16xf32>
    %select_n3A_592 = arith.select %eq3A_561, %broadcast_in_dim3A_591, %select_n3A_543 : vector<16xi1>, vector<16xf32>
    %get3A_593 = arith.constant 10 : i32
    %get3A_594 = arith.index_cast %get3A_593 : i32 to index
    %get3A_595 = arith.constant 0 : index
    %get3A_596 = tpu.vector_load %arg16[%get3A_594, %get3A_595] {strides = array<i32>} : memref<32x128xf32, #tpu.memory_space<vmem>>, vector<1x16xf32>,
    %get3A_597 = vector.shape_cast %get3A_596 : vector<1x16xf32> to vector<16xf32>
    %slice3A_598 = vector.extract_strided_slice %get3A_597 {offsets = [0], sizes = [1], strides = [1]} : vector<16xf32> to vector<1xf32>
    %squeeze3A_599 = vector.extract %slice3A_598[0] : f32 from vector<1xf32>
    %broadcast_in_dim3A_600 = vector.broadcast %squeeze3A_599 : f32 to vector<16xf32>
    %select_n3A_601 = arith.select %eq3A_561, %broadcast_in_dim3A_600, %select_n3A_552 : vector<16xi1>, vector<16xf32>
    %slice3A_602 = vector.extract_strided_slice %get3A_597 {offsets = [1], sizes = [1], strides = [1]} : vector<16xf32> to vector<1xf32>
    %squeeze3A_603 = vector.extract %slice3A_602[0] : f32 from vector<1xf32>
    %broadcast_in_dim3A_604 = vector.broadcast %squeeze3A_603 : f32 to vector<16xf32>
    %select_n3A_605 = arith.select %eq3A_561, %broadcast_in_dim3A_604, %select_n3A_556 : vector<16xi1>, vector<16xf32>
    %add3A_606 = arith.constant 0 : i32
    %add3A_607 = arith.addi %and3A_71, %add3A_606 : i32
    %eq3A_608 = arith.constant 11 : i32
    %eq3A_609 = vector.broadcast %eq3A_608 : i32 to vector<16xi32>
    %eq3A_610 = arith.cmpi eq, %iota3A, %eq3A_609 : vector<16xi32>
    %get3A_611 = arith.constant 11 : i32
    %get3A_612 = arith.index_cast %get3A_611 : i32 to index
    %get3A_613 = arith.index_cast %add3A_607 : i32 to index
    %get3A_614 = tpu.vector_load %arg13[%get3A_612, %get3A_613] {strides = array<i32>} : memref<32x128xf32, #tpu.memory_space<vmem>>, vector<1x16xf32>,
    %get3A_615 = vector.shape_cast %get3A_614 : vector<1x16xf32> to vector<16xf32>
    %slice3A_616 = vector.extract_strided_slice %get3A_615 {offsets = [11], sizes = [1], strides = [1]} : vector<16xf32> to vector<1xf32>
    %squeeze3A_617 = vector.extract %slice3A_616[0] : f32 from vector<1xf32>
    %broadcast_in_dim3A_618 = vector.broadcast %squeeze3A_617 : f32 to vector<16xf32>
    %select_n3A_619 = arith.select %eq3A_610, %broadcast_in_dim3A_618, %select_n3A_570 : vector<16xi1>, vector<16xf32>
    %get3A_620 = arith.constant 11 : i32
    %get3A_621 = arith.index_cast %get3A_620 : i32 to index
    %get3A_622 = arith.index_cast %add3A_607 : i32 to index
    %get3A_623 = tpu.vector_load %arg14[%get3A_621, %get3A_622] {strides = array<i32>} : memref<32x128xf32, #tpu.memory_space<vmem>>, vector<1x16xf32>,
    %get3A_624 = vector.shape_cast %get3A_623 : vector<1x16xf32> to vector<16xf32>
    %slice3A_625 = vector.extract_strided_slice %get3A_624 {offsets = [11], sizes = [1], strides = [1]} : vector<16xf32> to vector<1xf32>
    %squeeze3A_626 = vector.extract %slice3A_625[0] : f32 from vector<1xf32>
    %broadcast_in_dim3A_627 = vector.broadcast %squeeze3A_626 : f32 to vector<16xf32>
    %select_n3A_628 = arith.select %eq3A_610, %broadcast_in_dim3A_627, %select_n3A_579 : vector<16xi1>, vector<16xf32>
    %get3A_629 = arith.constant 11 : i32
    %get3A_630 = arith.index_cast %get3A_629 : i32 to index
    %get3A_631 = arith.constant 0 : index
    %get3A_632 = tpu.vector_load %arg15[%get3A_630, %get3A_631] {strides = array<i32>} : memref<32x128xf32, #tpu.memory_space<vmem>>, vector<1x16xf32>,
    %get3A_633 = vector.shape_cast %get3A_632 : vector<1x16xf32> to vector<16xf32>
    %slice3A_634 = vector.extract_strided_slice %get3A_633 {offsets = [0], sizes = [1], strides = [1]} : vector<16xf32> to vector<1xf32>
    %squeeze3A_635 = vector.extract %slice3A_634[0] : f32 from vector<1xf32>
    %broadcast_in_dim3A_636 = vector.broadcast %squeeze3A_635 : f32 to vector<16xf32>
    %select_n3A_637 = arith.select %eq3A_610, %broadcast_in_dim3A_636, %select_n3A_588 : vector<16xi1>, vector<16xf32>
    %slice3A_638 = vector.extract_strided_slice %get3A_633 {offsets = [1], sizes = [1], strides = [1]} : vector<16xf32> to vector<1xf32>
    %squeeze3A_639 = vector.extract %slice3A_638[0] : f32 from vector<1xf32>
    %broadcast_in_dim3A_640 = vector.broadcast %squeeze3A_639 : f32 to vector<16xf32>
    %select_n3A_641 = arith.select %eq3A_610, %broadcast_in_dim3A_640, %select_n3A_592 : vector<16xi1>, vector<16xf32>
    %get3A_642 = arith.constant 11 : i32
    %get3A_643 = arith.index_cast %get3A_642 : i32 to index
    %get3A_644 = arith.constant 0 : index
    %get3A_645 = tpu.vector_load %arg16[%get3A_643, %get3A_644] {strides = array<i32>} : memref<32x128xf32, #tpu.memory_space<vmem>>, vector<1x16xf32>,
    %get3A_646 = vector.shape_cast %get3A_645 : vector<1x16xf32> to vector<16xf32>
    %slice3A_647 = vector.extract_strided_slice %get3A_646 {offsets = [0], sizes = [1], strides = [1]} : vector<16xf32> to vector<1xf32>
    %squeeze3A_648 = vector.extract %slice3A_647[0] : f32 from vector<1xf32>
    %broadcast_in_dim3A_649 = vector.broadcast %squeeze3A_648 : f32 to vector<16xf32>
    %select_n3A_650 = arith.select %eq3A_610, %broadcast_in_dim3A_649, %select_n3A_601 : vector<16xi1>, vector<16xf32>
    %slice3A_651 = vector.extract_strided_slice %get3A_646 {offsets = [1], sizes = [1], strides = [1]} : vector<16xf32> to vector<1xf32>
    %squeeze3A_652 = vector.extract %slice3A_651[0] : f32 from vector<1xf32>
    %broadcast_in_dim3A_653 = vector.broadcast %squeeze3A_652 : f32 to vector<16xf32>
    %select_n3A_654 = arith.select %eq3A_610, %broadcast_in_dim3A_653, %select_n3A_605 : vector<16xi1>, vector<16xf32>
    %add3A_655 = arith.constant 0 : i32
    %add3A_656 = arith.addi %and3A_71, %add3A_655 : i32
    %eq3A_657 = arith.constant 12 : i32
    %eq3A_658 = vector.broadcast %eq3A_657 : i32 to vector<16xi32>
    %eq3A_659 = arith.cmpi eq, %iota3A, %eq3A_658 : vector<16xi32>
    %get3A_660 = arith.constant 12 : i32
    %get3A_661 = arith.index_cast %get3A_660 : i32 to index
    %get3A_662 = arith.index_cast %add3A_656 : i32 to index
    %get3A_663 = tpu.vector_load %arg13[%get3A_661, %get3A_662] {strides = array<i32>} : memref<32x128xf32, #tpu.memory_space<vmem>>, vector<1x16xf32>,
    %get3A_664 = vector.shape_cast %get3A_663 : vector<1x16xf32> to vector<16xf32>
    %slice3A_665 = vector.extract_strided_slice %get3A_664 {offsets = [12], sizes = [1], strides = [1]} : vector<16xf32> to vector<1xf32>
    %squeeze3A_666 = vector.extract %slice3A_665[0] : f32 from vector<1xf32>
    %broadcast_in_dim3A_667 = vector.broadcast %squeeze3A_666 : f32 to vector<16xf32>
    %select_n3A_668 = arith.select %eq3A_659, %broadcast_in_dim3A_667, %select_n3A_619 : vector<16xi1>, vector<16xf32>
    %get3A_669 = arith.constant 12 : i32
    %get3A_670 = arith.index_cast %get3A_669 : i32 to index
    %get3A_671 = arith.index_cast %add3A_656 : i32 to index
    %get3A_672 = tpu.vector_load %arg14[%get3A_670, %get3A_671] {strides = array<i32>} : memref<32x128xf32, #tpu.memory_space<vmem>>, vector<1x16xf32>,
    %get3A_673 = vector.shape_cast %get3A_672 : vector<1x16xf32> to vector<16xf32>
    %slice3A_674 = vector.extract_strided_slice %get3A_673 {offsets = [12], sizes = [1], strides = [1]} : vector<16xf32> to vector<1xf32>
    %squeeze3A_675 = vector.extract %slice3A_674[0] : f32 from vector<1xf32>
    %broadcast_in_dim3A_676 = vector.broadcast %squeeze3A_675 : f32 to vector<16xf32>
    %select_n3A_677 = arith.select %eq3A_659, %broadcast_in_dim3A_676, %select_n3A_628 : vector<16xi1>, vector<16xf32>
    %get3A_678 = arith.constant 12 : i32
    %get3A_679 = arith.index_cast %get3A_678 : i32 to index
    %get3A_680 = arith.constant 0 : index
    %get3A_681 = tpu.vector_load %arg15[%get3A_679, %get3A_680] {strides = array<i32>} : memref<32x128xf32, #tpu.memory_space<vmem>>, vector<1x16xf32>,
    %get3A_682 = vector.shape_cast %get3A_681 : vector<1x16xf32> to vector<16xf32>
    %slice3A_683 = vector.extract_strided_slice %get3A_682 {offsets = [0], sizes = [1], strides = [1]} : vector<16xf32> to vector<1xf32>
    %squeeze3A_684 = vector.extract %slice3A_683[0] : f32 from vector<1xf32>
    %broadcast_in_dim3A_685 = vector.broadcast %squeeze3A_684 : f32 to vector<16xf32>
    %select_n3A_686 = arith.select %eq3A_659, %broadcast_in_dim3A_685, %select_n3A_637 : vector<16xi1>, vector<16xf32>
    %slice3A_687 = vector.extract_strided_slice %get3A_682 {offsets = [1], sizes = [1], strides = [1]} : vector<16xf32> to vector<1xf32>
    %squeeze3A_688 = vector.extract %slice3A_687[0] : f32 from vector<1xf32>
    %broadcast_in_dim3A_689 = vector.broadcast %squeeze3A_688 : f32 to vector<16xf32>
    %select_n3A_690 = arith.select %eq3A_659, %broadcast_in_dim3A_689, %select_n3A_641 : vector<16xi1>, vector<16xf32>
    %get3A_691 = arith.constant 12 : i32
    %get3A_692 = arith.index_cast %get3A_691 : i32 to index
    %get3A_693 = arith.constant 0 : index
    %get3A_694 = tpu.vector_load %arg16[%get3A_692, %get3A_693] {strides = array<i32>} : memref<32x128xf32, #tpu.memory_space<vmem>>, vector<1x16xf32>,
    %get3A_695 = vector.shape_cast %get3A_694 : vector<1x16xf32> to vector<16xf32>
    %slice3A_696 = vector.extract_strided_slice %get3A_695 {offsets = [0], sizes = [1], strides = [1]} : vector<16xf32> to vector<1xf32>
    %squeeze3A_697 = vector.extract %slice3A_696[0] : f32 from vector<1xf32>
    %broadcast_in_dim3A_698 = vector.broadcast %squeeze3A_697 : f32 to vector<16xf32>
    %select_n3A_699 = arith.select %eq3A_659, %broadcast_in_dim3A_698, %select_n3A_650 : vector<16xi1>, vector<16xf32>
    %slice3A_700 = vector.extract_strided_slice %get3A_695 {offsets = [1], sizes = [1], strides = [1]} : vector<16xf32> to vector<1xf32>
    %squeeze3A_701 = vector.extract %slice3A_700[0] : f32 from vector<1xf32>
    %broadcast_in_dim3A_702 = vector.broadcast %squeeze3A_701 : f32 to vector<16xf32>
    %select_n3A_703 = arith.select %eq3A_659, %broadcast_in_dim3A_702, %select_n3A_654 : vector<16xi1>, vector<16xf32>
    %add3A_704 = arith.constant 0 : i32
    %add3A_705 = arith.addi %and3A_71, %add3A_704 : i32
    %eq3A_706 = arith.constant 13 : i32
    %eq3A_707 = vector.broadcast %eq3A_706 : i32 to vector<16xi32>
    %eq3A_708 = arith.cmpi eq, %iota3A, %eq3A_707 : vector<16xi32>
    %get3A_709 = arith.constant 13 : i32
    %get3A_710 = arith.index_cast %get3A_709 : i32 to index
    %get3A_711 = arith.index_cast %add3A_705 : i32 to index
    %get3A_712 = tpu.vector_load %arg13[%get3A_710, %get3A_711] {strides = array<i32>} : memref<32x128xf32, #tpu.memory_space<vmem>>, vector<1x16xf32>,
    %get3A_713 = vector.shape_cast %get3A_712 : vector<1x16xf32> to vector<16xf32>
    %slice3A_714 = vector.extract_strided_slice %get3A_713 {offsets = [13], sizes = [1], strides = [1]} : vector<16xf32> to vector<1xf32>
    %squeeze3A_715 = vector.extract %slice3A_714[0] : f32 from vector<1xf32>
    %broadcast_in_dim3A_716 = vector.broadcast %squeeze3A_715 : f32 to vector<16xf32>
    %select_n3A_717 = arith.select %eq3A_708, %broadcast_in_dim3A_716, %select_n3A_668 : vector<16xi1>, vector<16xf32>
    %get3A_718 = arith.constant 13 : i32
    %get3A_719 = arith.index_cast %get3A_718 : i32 to index
    %get3A_720 = arith.index_cast %add3A_705 : i32 to index
    %get3A_721 = tpu.vector_load %arg14[%get3A_719, %get3A_720] {strides = array<i32>} : memref<32x128xf32, #tpu.memory_space<vmem>>, vector<1x16xf32>,
    %get3A_722 = vector.shape_cast %get3A_721 : vector<1x16xf32> to vector<16xf32>
    %slice3A_723 = vector.extract_strided_slice %get3A_722 {offsets = [13], sizes = [1], strides = [1]} : vector<16xf32> to vector<1xf32>
    %squeeze3A_724 = vector.extract %slice3A_723[0] : f32 from vector<1xf32>
    %broadcast_in_dim3A_725 = vector.broadcast %squeeze3A_724 : f32 to vector<16xf32>
    %select_n3A_726 = arith.select %eq3A_708, %broadcast_in_dim3A_725, %select_n3A_677 : vector<16xi1>, vector<16xf32>
    %get3A_727 = arith.constant 13 : i32
    %get3A_728 = arith.index_cast %get3A_727 : i32 to index
    %get3A_729 = arith.constant 0 : index
    %get3A_730 = tpu.vector_load %arg15[%get3A_728, %get3A_729] {strides = array<i32>} : memref<32x128xf32, #tpu.memory_space<vmem>>, vector<1x16xf32>,
    %get3A_731 = vector.shape_cast %get3A_730 : vector<1x16xf32> to vector<16xf32>
    %slice3A_732 = vector.extract_strided_slice %get3A_731 {offsets = [0], sizes = [1], strides = [1]} : vector<16xf32> to vector<1xf32>
    %squeeze3A_733 = vector.extract %slice3A_732[0] : f32 from vector<1xf32>
    %broadcast_in_dim3A_734 = vector.broadcast %squeeze3A_733 : f32 to vector<16xf32>
    %select_n3A_735 = arith.select %eq3A_708, %broadcast_in_dim3A_734, %select_n3A_686 : vector<16xi1>, vector<16xf32>
    %slice3A_736 = vector.extract_strided_slice %get3A_731 {offsets = [1], sizes = [1], strides = [1]} : vector<16xf32> to vector<1xf32>
    %squeeze3A_737 = vector.extract %slice3A_736[0] : f32 from vector<1xf32>
    %broadcast_in_dim3A_738 = vector.broadcast %squeeze3A_737 : f32 to vector<16xf32>
    %select_n3A_739 = arith.select %eq3A_708, %broadcast_in_dim3A_738, %select_n3A_690 : vector<16xi1>, vector<16xf32>
    %get3A_740 = arith.constant 13 : i32
    %get3A_741 = arith.index_cast %get3A_740 : i32 to index
    %get3A_742 = arith.constant 0 : index
    %get3A_743 = tpu.vector_load %arg16[%get3A_741, %get3A_742] {strides = array<i32>} : memref<32x128xf32, #tpu.memory_space<vmem>>, vector<1x16xf32>,
    %get3A_744 = vector.shape_cast %get3A_743 : vector<1x16xf32> to vector<16xf32>
    %slice3A_745 = vector.extract_strided_slice %get3A_744 {offsets = [0], sizes = [1], strides = [1]} : vector<16xf32> to vector<1xf32>
    %squeeze3A_746 = vector.extract %slice3A_745[0] : f32 from vector<1xf32>
    %broadcast_in_dim3A_747 = vector.broadcast %squeeze3A_746 : f32 to vector<16xf32>
    %select_n3A_748 = arith.select %eq3A_708, %broadcast_in_dim3A_747, %select_n3A_699 : vector<16xi1>, vector<16xf32>
    %slice3A_749 = vector.extract_strided_slice %get3A_744 {offsets = [1], sizes = [1], strides = [1]} : vector<16xf32> to vector<1xf32>
    %squeeze3A_750 = vector.extract %slice3A_749[0] : f32 from vector<1xf32>
    %broadcast_in_dim3A_751 = vector.broadcast %squeeze3A_750 : f32 to vector<16xf32>
    %select_n3A_752 = arith.select %eq3A_708, %broadcast_in_dim3A_751, %select_n3A_703 : vector<16xi1>, vector<16xf32>
    %add3A_753 = arith.constant 0 : i32
    %add3A_754 = arith.addi %and3A_71, %add3A_753 : i32
    %eq3A_755 = arith.constant 14 : i32
    %eq3A_756 = vector.broadcast %eq3A_755 : i32 to vector<16xi32>
    %eq3A_757 = arith.cmpi eq, %iota3A, %eq3A_756 : vector<16xi32>
    %get3A_758 = arith.constant 14 : i32
    %get3A_759 = arith.index_cast %get3A_758 : i32 to index
    %get3A_760 = arith.index_cast %add3A_754 : i32 to index
    %get3A_761 = tpu.vector_load %arg13[%get3A_759, %get3A_760] {strides = array<i32>} : memref<32x128xf32, #tpu.memory_space<vmem>>, vector<1x16xf32>,
    %get3A_762 = vector.shape_cast %get3A_761 : vector<1x16xf32> to vector<16xf32>
    %slice3A_763 = vector.extract_strided_slice %get3A_762 {offsets = [14], sizes = [1], strides = [1]} : vector<16xf32> to vector<1xf32>
    %squeeze3A_764 = vector.extract %slice3A_763[0] : f32 from vector<1xf32>
    %broadcast_in_dim3A_765 = vector.broadcast %squeeze3A_764 : f32 to vector<16xf32>
    %select_n3A_766 = arith.select %eq3A_757, %broadcast_in_dim3A_765, %select_n3A_717 : vector<16xi1>, vector<16xf32>
    %get3A_767 = arith.constant 14 : i32
    %get3A_768 = arith.index_cast %get3A_767 : i32 to index
    %get3A_769 = arith.index_cast %add3A_754 : i32 to index
    %get3A_770 = tpu.vector_load %arg14[%get3A_768, %get3A_769] {strides = array<i32>} : memref<32x128xf32, #tpu.memory_space<vmem>>, vector<1x16xf32>,
    %get3A_771 = vector.shape_cast %get3A_770 : vector<1x16xf32> to vector<16xf32>
    %slice3A_772 = vector.extract_strided_slice %get3A_771 {offsets = [14], sizes = [1], strides = [1]} : vector<16xf32> to vector<1xf32>
    %squeeze3A_773 = vector.extract %slice3A_772[0] : f32 from vector<1xf32>
    %broadcast_in_dim3A_774 = vector.broadcast %squeeze3A_773 : f32 to vector<16xf32>
    %select_n3A_775 = arith.select %eq3A_757, %broadcast_in_dim3A_774, %select_n3A_726 : vector<16xi1>, vector<16xf32>
    %get3A_776 = arith.constant 14 : i32
    %get3A_777 = arith.index_cast %get3A_776 : i32 to index
    %get3A_778 = arith.constant 0 : index
    %get3A_779 = tpu.vector_load %arg15[%get3A_777, %get3A_778] {strides = array<i32>} : memref<32x128xf32, #tpu.memory_space<vmem>>, vector<1x16xf32>,
    %get3A_780 = vector.shape_cast %get3A_779 : vector<1x16xf32> to vector<16xf32>
    %slice3A_781 = vector.extract_strided_slice %get3A_780 {offsets = [0], sizes = [1], strides = [1]} : vector<16xf32> to vector<1xf32>
    %squeeze3A_782 = vector.extract %slice3A_781[0] : f32 from vector<1xf32>
    %broadcast_in_dim3A_783 = vector.broadcast %squeeze3A_782 : f32 to vector<16xf32>
    %select_n3A_784 = arith.select %eq3A_757, %broadcast_in_dim3A_783, %select_n3A_735 : vector<16xi1>, vector<16xf32>
    %slice3A_785 = vector.extract_strided_slice %get3A_780 {offsets = [1], sizes = [1], strides = [1]} : vector<16xf32> to vector<1xf32>
    %squeeze3A_786 = vector.extract %slice3A_785[0] : f32 from vector<1xf32>
    %broadcast_in_dim3A_787 = vector.broadcast %squeeze3A_786 : f32 to vector<16xf32>
    %select_n3A_788 = arith.select %eq3A_757, %broadcast_in_dim3A_787, %select_n3A_739 : vector<16xi1>, vector<16xf32>
    %get3A_789 = arith.constant 14 : i32
    %get3A_790 = arith.index_cast %get3A_789 : i32 to index
    %get3A_791 = arith.constant 0 : index
    %get3A_792 = tpu.vector_load %arg16[%get3A_790, %get3A_791] {strides = array<i32>} : memref<32x128xf32, #tpu.memory_space<vmem>>, vector<1x16xf32>,
    %get3A_793 = vector.shape_cast %get3A_792 : vector<1x16xf32> to vector<16xf32>
    %slice3A_794 = vector.extract_strided_slice %get3A_793 {offsets = [0], sizes = [1], strides = [1]} : vector<16xf32> to vector<1xf32>
    %squeeze3A_795 = vector.extract %slice3A_794[0] : f32 from vector<1xf32>
    %broadcast_in_dim3A_796 = vector.broadcast %squeeze3A_795 : f32 to vector<16xf32>
    %select_n3A_797 = arith.select %eq3A_757, %broadcast_in_dim3A_796, %select_n3A_748 : vector<16xi1>, vector<16xf32>
    %slice3A_798 = vector.extract_strided_slice %get3A_793 {offsets = [1], sizes = [1], strides = [1]} : vector<16xf32> to vector<1xf32>
    %squeeze3A_799 = vector.extract %slice3A_798[0] : f32 from vector<1xf32>
    %broadcast_in_dim3A_800 = vector.broadcast %squeeze3A_799 : f32 to vector<16xf32>
    %select_n3A_801 = arith.select %eq3A_757, %broadcast_in_dim3A_800, %select_n3A_752 : vector<16xi1>, vector<16xf32>
    %add3A_802 = arith.constant 0 : i32
    %add3A_803 = arith.addi %and3A_71, %add3A_802 : i32
    %eq3A_804 = arith.constant 15 : i32
    %eq3A_805 = vector.broadcast %eq3A_804 : i32 to vector<16xi32>
    %eq3A_806 = arith.cmpi eq, %iota3A, %eq3A_805 : vector<16xi32>
    %get3A_807 = arith.constant 15 : i32
    %get3A_808 = arith.index_cast %get3A_807 : i32 to index
    %get3A_809 = arith.index_cast %add3A_803 : i32 to index
    %get3A_810 = tpu.vector_load %arg13[%get3A_808, %get3A_809] {strides = array<i32>} : memref<32x128xf32, #tpu.memory_space<vmem>>, vector<1x16xf32>,
    %get3A_811 = vector.shape_cast %get3A_810 : vector<1x16xf32> to vector<16xf32>
    %slice3A_812 = vector.extract_strided_slice %get3A_811 {offsets = [15], sizes = [1], strides = [1]} : vector<16xf32> to vector<1xf32>
    %squeeze3A_813 = vector.extract %slice3A_812[0] : f32 from vector<1xf32>
    %broadcast_in_dim3A_814 = vector.broadcast %squeeze3A_813 : f32 to vector<16xf32>
    %select_n3A_815 = arith.select %eq3A_806, %broadcast_in_dim3A_814, %select_n3A_766 : vector<16xi1>, vector<16xf32>
    %get3A_816 = arith.constant 15 : i32
    %get3A_817 = arith.index_cast %get3A_816 : i32 to index
    %get3A_818 = arith.index_cast %add3A_803 : i32 to index
    %get3A_819 = tpu.vector_load %arg14[%get3A_817, %get3A_818] {strides = array<i32>} : memref<32x128xf32, #tpu.memory_space<vmem>>, vector<1x16xf32>,
    %get3A_820 = vector.shape_cast %get3A_819 : vector<1x16xf32> to vector<16xf32>
    %slice3A_821 = vector.extract_strided_slice %get3A_820 {offsets = [15], sizes = [1], strides = [1]} : vector<16xf32> to vector<1xf32>
    %squeeze3A_822 = vector.extract %slice3A_821[0] : f32 from vector<1xf32>
    %broadcast_in_dim3A_823 = vector.broadcast %squeeze3A_822 : f32 to vector<16xf32>
    %select_n3A_824 = arith.select %eq3A_806, %broadcast_in_dim3A_823, %select_n3A_775 : vector<16xi1>, vector<16xf32>
    %get3A_825 = arith.constant 15 : i32
    %get3A_826 = arith.index_cast %get3A_825 : i32 to index
    %get3A_827 = arith.constant 0 : index
    %get3A_828 = tpu.vector_load %arg15[%get3A_826, %get3A_827] {strides = array<i32>} : memref<32x128xf32, #tpu.memory_space<vmem>>, vector<1x16xf32>,
    %get3A_829 = vector.shape_cast %get3A_828 : vector<1x16xf32> to vector<16xf32>
    %slice3A_830 = vector.extract_strided_slice %get3A_829 {offsets = [0], sizes = [1], strides = [1]} : vector<16xf32> to vector<1xf32>
    %squeeze3A_831 = vector.extract %slice3A_830[0] : f32 from vector<1xf32>
    %broadcast_in_dim3A_832 = vector.broadcast %squeeze3A_831 : f32 to vector<16xf32>
    %select_n3A_833 = arith.select %eq3A_806, %broadcast_in_dim3A_832, %select_n3A_784 : vector<16xi1>, vector<16xf32>
    %slice3A_834 = vector.extract_strided_slice %get3A_829 {offsets = [1], sizes = [1], strides = [1]} : vector<16xf32> to vector<1xf32>
    %squeeze3A_835 = vector.extract %slice3A_834[0] : f32 from vector<1xf32>
    %broadcast_in_dim3A_836 = vector.broadcast %squeeze3A_835 : f32 to vector<16xf32>
    %select_n3A_837 = arith.select %eq3A_806, %broadcast_in_dim3A_836, %select_n3A_788 : vector<16xi1>, vector<16xf32>
    %get3A_838 = arith.constant 15 : i32
    %get3A_839 = arith.index_cast %get3A_838 : i32 to index
    %get3A_840 = arith.constant 0 : index
    %get3A_841 = tpu.vector_load %arg16[%get3A_839, %get3A_840] {strides = array<i32>} : memref<32x128xf32, #tpu.memory_space<vmem>>, vector<1x16xf32>,
    %get3A_842 = vector.shape_cast %get3A_841 : vector<1x16xf32> to vector<16xf32>
    %slice3A_843 = vector.extract_strided_slice %get3A_842 {offsets = [0], sizes = [1], strides = [1]} : vector<16xf32> to vector<1xf32>
    %squeeze3A_844 = vector.extract %slice3A_843[0] : f32 from vector<1xf32>
    %broadcast_in_dim3A_845 = vector.broadcast %squeeze3A_844 : f32 to vector<16xf32>
    %select_n3A_846 = arith.select %eq3A_806, %broadcast_in_dim3A_845, %select_n3A_797 : vector<16xi1>, vector<16xf32>
    %slice3A_847 = vector.extract_strided_slice %get3A_842 {offsets = [1], sizes = [1], strides = [1]} : vector<16xf32> to vector<1xf32>
    %squeeze3A_848 = vector.extract %slice3A_847[0] : f32 from vector<1xf32>
    %broadcast_in_dim3A_849 = vector.broadcast %squeeze3A_848 : f32 to vector<16xf32>
    %select_n3A_850 = arith.select %eq3A_806, %broadcast_in_dim3A_849, %select_n3A_801 : vector<16xi1>, vector<16xf32>
    %mul3A_851 = arith.constant 2.000000e+00 : f32
    %mul3A_852 = vector.broadcast %mul3A_851 : f32 to vector<16xf32>
    %mul3A_853 = arith.mulf %select_n3A_815, %mul3A_852 : vector<16xf32>
    %exp3A = math.exp %mul3A_853 : vector<16xf32>
    %add3A_854 = arith.constant 1.000000e+00 : f32
    %add3A_855 = vector.broadcast %add3A_854 : f32 to vector<16xf32>
    %add3A_856 = arith.addf %exp3A, %add3A_855 : vector<16xf32>
    %div3A = arith.constant 2.000000e+00 : f32
    %div3A_857 = vector.broadcast %div3A : f32 to vector<16xf32>
    %div3A_858 = arith.divf %div3A_857, %add3A_856 : vector<16xf32>
    %sub3A = arith.constant 1.000000e+00 : f32
    %sub3A_859 = vector.broadcast %sub3A : f32 to vector<16xf32>
    %sub3A_860 = arith.subf %sub3A_859, %div3A_858 : vector<16xf32>
    %mul3A_861 = arith.constant 1.200000e+00 : f32
    %mul3A_862 = vector.broadcast %mul3A_861 : f32 to vector<16xf32>
    %mul3A_863 = arith.mulf %mul3A_862, %sub3A_860 : vector<16xf32>
    %mul3A_864 = arith.constant 2.000000e+00 : f32
    %mul3A_865 = vector.broadcast %mul3A_864 : f32 to vector<16xf32>
    %mul3A_866 = arith.mulf %select_n3A_824, %mul3A_865 : vector<16xf32>
    %exp3A_867 = math.exp %mul3A_866 : vector<16xf32>
    %add3A_868 = arith.constant 1.000000e+00 : f32
    %add3A_869 = vector.broadcast %add3A_868 : f32 to vector<16xf32>
    %add3A_870 = arith.addf %exp3A_867, %add3A_869 : vector<16xf32>
    %div3A_871 = arith.constant 2.000000e+00 : f32
    %div3A_872 = vector.broadcast %div3A_871 : f32 to vector<16xf32>
    %div3A_873 = arith.divf %div3A_872, %add3A_870 : vector<16xf32>
    %sub3A_874 = arith.constant 1.000000e+00 : f32
    %sub3A_875 = vector.broadcast %sub3A_874 : f32 to vector<16xf32>
    %sub3A_876 = arith.subf %sub3A_875, %div3A_873 : vector<16xf32>
    %mul3A_877 = arith.constant 1.200000e+00 : f32
    %mul3A_878 = vector.broadcast %mul3A_877 : f32 to vector<16xf32>
    %mul3A_879 = arith.mulf %mul3A_878, %sub3A_876 : vector<16xf32>
    %mul3A_880 = arith.mulf %mul3A_863, %select_n3A_846 : vector<16xf32>
    %mul3A_881 = arith.constant 5.000000e-01 : f32
    %mul3A_882 = vector.broadcast %mul3A_881 : f32 to vector<16xf32>
    %mul3A_883 = arith.mulf %mul3A_880, %mul3A_882 : vector<16xf32>
    %add3A_884 = arith.addf %select_n3A_833, %mul3A_883 : vector<16xf32>
    %jit3A = arith.constant -1.000000e+00 : f32
    %jit3A_885 = arith.constant 1.000000e+00 : f32
    %max3A = vector.broadcast %jit3A : f32 to vector<16xf32>
    %max3A_886 = arith.maximumf %max3A, %add3A_884 : vector<16xf32>
    %min3A = vector.broadcast %jit3A_885 : f32 to vector<16xf32>
    %min3A_887 = arith.minimumf %min3A, %max3A_886 : vector<16xf32>
    %mul3A_888 = arith.constant 9.000000e+01 : f32
    %mul3A_889 = vector.broadcast %mul3A_888 : f32 to vector<16xf32>
    %mul3A_890 = arith.mulf %min3A_887, %mul3A_889 : vector<16xf32>
    %mul3A_891 = arith.mulf %mul3A_879, %select_n3A_850 : vector<16xf32>
    %mul3A_892 = arith.constant 5.000000e-01 : f32
    %mul3A_893 = vector.broadcast %mul3A_892 : f32 to vector<16xf32>
    %mul3A_894 = arith.mulf %mul3A_891, %mul3A_893 : vector<16xf32>
    %add3A_895 = arith.addf %select_n3A_837, %mul3A_894 : vector<16xf32>
    %jit3A_896 = arith.constant -1.000000e+00 : f32
    %jit3A_897 = arith.constant 1.000000e+00 : f32
    %max3A_898 = vector.broadcast %jit3A_896 : f32 to vector<16xf32>
    %max3A_899 = arith.maximumf %max3A_898, %add3A_895 : vector<16xf32>
    %min3A_900 = vector.broadcast %jit3A_897 : f32 to vector<16xf32>
    %min3A_901 = arith.minimumf %min3A_900, %max3A_899 : vector<16xf32>
    %mul3A_902 = arith.constant 1.800000e+02 : f32
    %mul3A_903 = vector.broadcast %mul3A_902 : f32 to vector<16xf32>
    %mul3A_904 = arith.mulf %min3A_901, %mul3A_903 : vector<16xf32>
    %swap3A_905 = arith.constant 0 : i32
    %swap3A_906 = arith.index_cast %swap3A_905 : i32 to index
    %swap3A_907 = arith.constant 0 : index
    %swap3A_908 = tpu.vector_load %arg17[%swap3A_906, %swap3A_907] {strides = array<i32>} : memref<8x32xf32, #tpu.memory_space<vmem>>, vector<1x16xf32>,
    %swap3A_909 = vector.shape_cast %swap3A_908 : vector<1x16xf32> to vector<16xf32>
    %swap3A_910 = vector.shape_cast %mul3A_890 : vector<16xf32> to vector<1x16xf32>
    tpu.vector_store %arg17[%swap3A_906, %swap3A_907], %swap3A_910 {strides = array<i32>} : memref<8x32xf32, #tpu.memory_space<vmem>>, vector<1x16xf32>,
    %swap3A_911 = arith.constant 1 : i32
    %swap3A_912 = arith.index_cast %swap3A_911 : i32 to index
    %swap3A_913 = arith.constant 0 : index
    %swap3A_914 = tpu.vector_load %arg17[%swap3A_912, %swap3A_913] {strides = array<i32>} : memref<8x32xf32, #tpu.memory_space<vmem>>, vector<1x16xf32>,
    %swap3A_915 = vector.shape_cast %swap3A_914 : vector<1x16xf32> to vector<16xf32>
    %swap3A_916 = vector.shape_cast %mul3A_904 : vector<16xf32> to vector<1x16xf32>
    tpu.vector_store %arg17[%swap3A_912, %swap3A_913], %swap3A_916 {strides = array<i32>} : memref<8x32xf32, #tpu.memory_space<vmem>>, vector<1x16xf32>,
    %div3A_917 = arith.constant 2.000000e+00 : f32
    %div3A_918 = vector.broadcast %div3A_917 : f32 to vector<16xf32>
    %div3A_919 = arith.divf %div3A_918, %select_n3A_846 : vector<16xf32>
    %swap3A_920 = arith.constant 2 : i32
    %swap3A_921 = arith.index_cast %swap3A_920 : i32 to index
    %swap3A_922 = arith.constant 0 : index
    %swap3A_923 = tpu.vector_load %arg17[%swap3A_921, %swap3A_922] {strides = array<i32>} : memref<8x32xf32, #tpu.memory_space<vmem>>, vector<1x16xf32>,
    %swap3A_924 = vector.shape_cast %swap3A_923 : vector<1x16xf32> to vector<16xf32>
    %swap3A_925 = vector.shape_cast %div3A_919 : vector<16xf32> to vector<1x16xf32>
    tpu.vector_store %arg17[%swap3A_921, %swap3A_922], %swap3A_925 {strides = array<i32>} : memref<8x32xf32, #tpu.memory_space<vmem>>, vector<1x16xf32>,
    %div3A_926 = arith.constant 2.000000e+00 : f32
    %div3A_927 = vector.broadcast %div3A_926 : f32 to vector<16xf32>
    %div3A_928 = arith.divf %div3A_927, %select_n3A_850 : vector<16xf32>
    %swap3A_929 = arith.constant 3 : i32
    %swap3A_930 = arith.index_cast %swap3A_929 : i32 to index
    %swap3A_931 = arith.constant 0 : index
    %swap3A_932 = tpu.vector_load %arg17[%swap3A_930, %swap3A_931] {strides = array<i32>} : memref<8x32xf32, #tpu.memory_space<vmem>>, vector<1x16xf32>,
    %swap3A_933 = vector.shape_cast %swap3A_932 : vector<1x16xf32> to vector<16xf32>
    %swap3A_934 = vector.shape_cast %div3A_928 : vector<16xf32> to vector<1x16xf32>
    tpu.vector_store %arg17[%swap3A_930, %swap3A_931], %swap3A_934 {strides = array<i32>} : memref<8x32xf32, #tpu.memory_space<vmem>>, vector<1x16xf32>,
    %swap3A_935 = arith.constant 4 : i32
    %swap3A_936 = arith.index_cast %swap3A_935 : i32 to index
    %swap3A_937 = arith.constant 0 : index
    %swap3A_938 = tpu.vector_load %arg17[%swap3A_936, %swap3A_937] {strides = array<i32>} : memref<8x32xf32, #tpu.memory_space<vmem>>, vector<1x16xf32>,
    %swap3A_939 = vector.shape_cast %swap3A_938 : vector<1x16xf32> to vector<16xf32>
    %swap3A_940 = vector.shape_cast %select_n3A_833 : vector<16xf32> to vector<1x16xf32>
    tpu.vector_store %arg17[%swap3A_936, %swap3A_937], %swap3A_940 {strides = array<i32>} : memref<8x32xf32, #tpu.memory_space<vmem>>, vector<1x16xf32>,
    %swap3A_941 = arith.constant 5 : i32
    %swap3A_942 = arith.index_cast %swap3A_941 : i32 to index
    %swap3A_943 = arith.constant 0 : index
    %swap3A_944 = tpu.vector_load %arg17[%swap3A_942, %swap3A_943] {strides = array<i32>} : memref<8x32xf32, #tpu.memory_space<vmem>>, vector<1x16xf32>,
    %swap3A_945 = vector.shape_cast %swap3A_944 : vector<1x16xf32> to vector<16xf32>
    %swap3A_946 = vector.shape_cast %select_n3A_837 : vector<16xf32> to vector<1x16xf32>
    tpu.vector_store %arg17[%swap3A_942, %swap3A_943], %swap3A_946 {strides = array<i32>} : memref<8x32xf32, #tpu.memory_space<vmem>>, vector<1x16xf32>,
    %swap3A_947 = arith.constant 6 : i32
    %swap3A_948 = arith.index_cast %swap3A_947 : i32 to index
    %swap3A_949 = arith.constant 0 : index
    %swap3A_950 = tpu.vector_load %arg17[%swap3A_948, %swap3A_949] {strides = array<i32>} : memref<8x32xf32, #tpu.memory_space<vmem>>, vector<1x16xf32>,
    %swap3A_951 = vector.shape_cast %swap3A_950 : vector<1x16xf32> to vector<16xf32>
    %swap3A_952 = vector.shape_cast %mul3A_863 : vector<16xf32> to vector<1x16xf32>
    tpu.vector_store %arg17[%swap3A_948, %swap3A_949], %swap3A_952 {strides = array<i32>} : memref<8x32xf32, #tpu.memory_space<vmem>>, vector<1x16xf32>,
    %swap3A_953 = arith.constant 7 : i32
    %swap3A_954 = arith.index_cast %swap3A_953 : i32 to index
    %swap3A_955 = arith.constant 0 : index
    %swap3A_956 = tpu.vector_load %arg17[%swap3A_954, %swap3A_955] {strides = array<i32>} : memref<8x32xf32, #tpu.memory_space<vmem>>, vector<1x16xf32>,
    %swap3A_957 = vector.shape_cast %swap3A_956 : vector<1x16xf32> to vector<16xf32>
    %swap3A_958 = vector.shape_cast %mul3A_879 : vector<16xf32> to vector<1x16xf32>
    tpu.vector_store %arg17[%swap3A_954, %swap3A_955], %swap3A_958 {strides = array<i32>} : memref<8x32xf32, #tpu.memory_space<vmem>>, vector<1x16xf32>,
    %add3A_959 = arith.constant 16 : i32
    %add3A_960 = arith.addi %and3A_71, %add3A_959 : i32
    %eq3A_961 = arith.constant 0 : i32
    %eq3A_962 = vector.broadcast %eq3A_961 : i32 to vector<16xi32>
    %eq3A_963 = arith.cmpi eq, %iota3A, %eq3A_962 : vector<16xi32>
    %get3A_964 = arith.constant 16 : i32
    %get3A_965 = arith.index_cast %get3A_964 : i32 to index
    %get3A_966 = arith.index_cast %add3A_960 : i32 to index
    %get3A_967 = tpu.vector_load %arg13[%get3A_965, %get3A_966] {strides = array<i32>} : memref<32x128xf32, #tpu.memory_space<vmem>>, vector<1x16xf32>,
    %get3A_968 = vector.shape_cast %get3A_967 : vector<1x16xf32> to vector<16xf32>
    %slice3A_969 = vector.extract_strided_slice %get3A_968 {offsets = [0], sizes = [1], strides = [1]} : vector<16xf32> to vector<1xf32>
    %squeeze3A_970 = vector.extract %slice3A_969[0] : f32 from vector<1xf32>
    %broadcast_in_dim3A_971 = vector.broadcast %squeeze3A_970 : f32 to vector<16xf32>
    %select_n3A_972 = arith.select %eq3A_963, %broadcast_in_dim3A_971, %mul3A_5 : vector<16xi1>, vector<16xf32>
    %get3A_973 = arith.constant 16 : i32
    %get3A_974 = arith.index_cast %get3A_973 : i32 to index
    %get3A_975 = arith.index_cast %add3A_960 : i32 to index
    %get3A_976 = tpu.vector_load %arg14[%get3A_974, %get3A_975] {strides = array<i32>} : memref<32x128xf32, #tpu.memory_space<vmem>>, vector<1x16xf32>,
    %get3A_977 = vector.shape_cast %get3A_976 : vector<1x16xf32> to vector<16xf32>
    %slice3A_978 = vector.extract_strided_slice %get3A_977 {offsets = [0], sizes = [1], strides = [1]} : vector<16xf32> to vector<1xf32>
    %squeeze3A_979 = vector.extract %slice3A_978[0] : f32 from vector<1xf32>
    %broadcast_in_dim3A_980 = vector.broadcast %squeeze3A_979 : f32 to vector<16xf32>
    %select_n3A_981 = arith.select %eq3A_963, %broadcast_in_dim3A_980, %mul3A_5 : vector<16xi1>, vector<16xf32>
    %get3A_982 = arith.constant 16 : i32
    %get3A_983 = arith.index_cast %get3A_982 : i32 to index
    %get3A_984 = arith.constant 0 : index
    %get3A_985 = tpu.vector_load %arg15[%get3A_983, %get3A_984] {strides = array<i32>} : memref<32x128xf32, #tpu.memory_space<vmem>>, vector<1x16xf32>,
    %get3A_986 = vector.shape_cast %get3A_985 : vector<1x16xf32> to vector<16xf32>
    %slice3A_987 = vector.extract_strided_slice %get3A_986 {offsets = [0], sizes = [1], strides = [1]} : vector<16xf32> to vector<1xf32>
    %squeeze3A_988 = vector.extract %slice3A_987[0] : f32 from vector<1xf32>
    %broadcast_in_dim3A_989 = vector.broadcast %squeeze3A_988 : f32 to vector<16xf32>
    %select_n3A_990 = arith.select %eq3A_963, %broadcast_in_dim3A_989, %mul3A_5 : vector<16xi1>, vector<16xf32>
    %slice3A_991 = vector.extract_strided_slice %get3A_986 {offsets = [1], sizes = [1], strides = [1]} : vector<16xf32> to vector<1xf32>
    %squeeze3A_992 = vector.extract %slice3A_991[0] : f32 from vector<1xf32>
    %broadcast_in_dim3A_993 = vector.broadcast %squeeze3A_992 : f32 to vector<16xf32>
    %select_n3A_994 = arith.select %eq3A_963, %broadcast_in_dim3A_993, %mul3A_5 : vector<16xi1>, vector<16xf32>
    %get3A_995 = arith.constant 16 : i32
    %get3A_996 = arith.index_cast %get3A_995 : i32 to index
    %get3A_997 = arith.constant 0 : index
    %get3A_998 = tpu.vector_load %arg16[%get3A_996, %get3A_997] {strides = array<i32>} : memref<32x128xf32, #tpu.memory_space<vmem>>, vector<1x16xf32>,
    %get3A_999 = vector.shape_cast %get3A_998 : vector<1x16xf32> to vector<16xf32>
    %slice3A_1000 = vector.extract_strided_slice %get3A_999 {offsets = [0], sizes = [1], strides = [1]} : vector<16xf32> to vector<1xf32>
    %squeeze3A_1001 = vector.extract %slice3A_1000[0] : f32 from vector<1xf32>
    %broadcast_in_dim3A_1002 = vector.broadcast %squeeze3A_1001 : f32 to vector<16xf32>
    %select_n3A_1003 = arith.select %eq3A_963, %broadcast_in_dim3A_1002, %mul3A_5 : vector<16xi1>, vector<16xf32>
    %slice3A_1004 = vector.extract_strided_slice %get3A_999 {offsets = [1], sizes = [1], strides = [1]} : vector<16xf32> to vector<1xf32>
    %squeeze3A_1005 = vector.extract %slice3A_1004[0] : f32 from vector<1xf32>
    %broadcast_in_dim3A_1006 = vector.broadcast %squeeze3A_1005 : f32 to vector<16xf32>
    %select_n3A_1007 = arith.select %eq3A_963, %broadcast_in_dim3A_1006, %mul3A_5 : vector<16xi1>, vector<16xf32>
    %add3A_1008 = arith.constant 16 : i32
    %add3A_1009 = arith.addi %and3A_71, %add3A_1008 : i32
    %eq3A_1010 = arith.constant 1 : i32
    %eq3A_1011 = vector.broadcast %eq3A_1010 : i32 to vector<16xi32>
    %eq3A_1012 = arith.cmpi eq, %iota3A, %eq3A_1011 : vector<16xi32>
    %get3A_1013 = arith.constant 17 : i32
    %get3A_1014 = arith.index_cast %get3A_1013 : i32 to index
    %get3A_1015 = arith.index_cast %add3A_1009 : i32 to index
    %get3A_1016 = tpu.vector_load %arg13[%get3A_1014, %get3A_1015] {strides = array<i32>} : memref<32x128xf32, #tpu.memory_space<vmem>>, vector<1x16xf32>,
    %get3A_1017 = vector.shape_cast %get3A_1016 : vector<1x16xf32> to vector<16xf32>
    %slice3A_1018 = vector.extract_strided_slice %get3A_1017 {offsets = [1], sizes = [1], strides = [1]} : vector<16xf32> to vector<1xf32>
    %squeeze3A_1019 = vector.extract %slice3A_1018[0] : f32 from vector<1xf32>
    %broadcast_in_dim3A_1020 = vector.broadcast %squeeze3A_1019 : f32 to vector<16xf32>
    %select_n3A_1021 = arith.select %eq3A_1012, %broadcast_in_dim3A_1020, %select_n3A_972 : vector<16xi1>, vector<16xf32>
    %get3A_1022 = arith.constant 17 : i32
    %get3A_1023 = arith.index_cast %get3A_1022 : i32 to index
    %get3A_1024 = arith.index_cast %add3A_1009 : i32 to index
    %get3A_1025 = tpu.vector_load %arg14[%get3A_1023, %get3A_1024] {strides = array<i32>} : memref<32x128xf32, #tpu.memory_space<vmem>>, vector<1x16xf32>,
    %get3A_1026 = vector.shape_cast %get3A_1025 : vector<1x16xf32> to vector<16xf32>
    %slice3A_1027 = vector.extract_strided_slice %get3A_1026 {offsets = [1], sizes = [1], strides = [1]} : vector<16xf32> to vector<1xf32>
    %squeeze3A_1028 = vector.extract %slice3A_1027[0] : f32 from vector<1xf32>
    %broadcast_in_dim3A_1029 = vector.broadcast %squeeze3A_1028 : f32 to vector<16xf32>
    %select_n3A_1030 = arith.select %eq3A_1012, %broadcast_in_dim3A_1029, %select_n3A_981 : vector<16xi1>, vector<16xf32>
    %get3A_1031 = arith.constant 17 : i32
    %get3A_1032 = arith.index_cast %get3A_1031 : i32 to index
    %get3A_1033 = arith.constant 0 : index
    %get3A_1034 = tpu.vector_load %arg15[%get3A_1032, %get3A_1033] {strides = array<i32>} : memref<32x128xf32, #tpu.memory_space<vmem>>, vector<1x16xf32>,
    %get3A_1035 = vector.shape_cast %get3A_1034 : vector<1x16xf32> to vector<16xf32>
    %slice3A_1036 = vector.extract_strided_slice %get3A_1035 {offsets = [0], sizes = [1], strides = [1]} : vector<16xf32> to vector<1xf32>
    %squeeze3A_1037 = vector.extract %slice3A_1036[0] : f32 from vector<1xf32>
    %broadcast_in_dim3A_1038 = vector.broadcast %squeeze3A_1037 : f32 to vector<16xf32>
    %select_n3A_1039 = arith.select %eq3A_1012, %broadcast_in_dim3A_1038, %select_n3A_990 : vector<16xi1>, vector<16xf32>
    %slice3A_1040 = vector.extract_strided_slice %get3A_1035 {offsets = [1], sizes = [1], strides = [1]} : vector<16xf32> to vector<1xf32>
    %squeeze3A_1041 = vector.extract %slice3A_1040[0] : f32 from vector<1xf32>
    %broadcast_in_dim3A_1042 = vector.broadcast %squeeze3A_1041 : f32 to vector<16xf32>
    %select_n3A_1043 = arith.select %eq3A_1012, %broadcast_in_dim3A_1042, %select_n3A_994 : vector<16xi1>, vector<16xf32>
    %get3A_1044 = arith.constant 17 : i32
    %get3A_1045 = arith.index_cast %get3A_1044 : i32 to index
    %get3A_1046 = arith.constant 0 : index
    %get3A_1047 = tpu.vector_load %arg16[%get3A_1045, %get3A_1046] {strides = array<i32>} : memref<32x128xf32, #tpu.memory_space<vmem>>, vector<1x16xf32>,
    %get3A_1048 = vector.shape_cast %get3A_1047 : vector<1x16xf32> to vector<16xf32>
    %slice3A_1049 = vector.extract_strided_slice %get3A_1048 {offsets = [0], sizes = [1], strides = [1]} : vector<16xf32> to vector<1xf32>
    %squeeze3A_1050 = vector.extract %slice3A_1049[0] : f32 from vector<1xf32>
    %broadcast_in_dim3A_1051 = vector.broadcast %squeeze3A_1050 : f32 to vector<16xf32>
    %select_n3A_1052 = arith.select %eq3A_1012, %broadcast_in_dim3A_1051, %select_n3A_1003 : vector<16xi1>, vector<16xf32>
    %slice3A_1053 = vector.extract_strided_slice %get3A_1048 {offsets = [1], sizes = [1], strides = [1]} : vector<16xf32> to vector<1xf32>
    %squeeze3A_1054 = vector.extract %slice3A_1053[0] : f32 from vector<1xf32>
    %broadcast_in_dim3A_1055 = vector.broadcast %squeeze3A_1054 : f32 to vector<16xf32>
    %select_n3A_1056 = arith.select %eq3A_1012, %broadcast_in_dim3A_1055, %select_n3A_1007 : vector<16xi1>, vector<16xf32>
    %add3A_1057 = arith.constant 16 : i32
    %add3A_1058 = arith.addi %and3A_71, %add3A_1057 : i32
    %eq3A_1059 = arith.constant 2 : i32
    %eq3A_1060 = vector.broadcast %eq3A_1059 : i32 to vector<16xi32>
    %eq3A_1061 = arith.cmpi eq, %iota3A, %eq3A_1060 : vector<16xi32>
    %get3A_1062 = arith.constant 18 : i32
    %get3A_1063 = arith.index_cast %get3A_1062 : i32 to index
    %get3A_1064 = arith.index_cast %add3A_1058 : i32 to index
    %get3A_1065 = tpu.vector_load %arg13[%get3A_1063, %get3A_1064] {strides = array<i32>} : memref<32x128xf32, #tpu.memory_space<vmem>>, vector<1x16xf32>,
    %get3A_1066 = vector.shape_cast %get3A_1065 : vector<1x16xf32> to vector<16xf32>
    %slice3A_1067 = vector.extract_strided_slice %get3A_1066 {offsets = [2], sizes = [1], strides = [1]} : vector<16xf32> to vector<1xf32>
    %squeeze3A_1068 = vector.extract %slice3A_1067[0] : f32 from vector<1xf32>
    %broadcast_in_dim3A_1069 = vector.broadcast %squeeze3A_1068 : f32 to vector<16xf32>
    %select_n3A_1070 = arith.select %eq3A_1061, %broadcast_in_dim3A_1069, %select_n3A_1021 : vector<16xi1>, vector<16xf32>
    %get3A_1071 = arith.constant 18 : i32
    %get3A_1072 = arith.index_cast %get3A_1071 : i32 to index
    %get3A_1073 = arith.index_cast %add3A_1058 : i32 to index
    %get3A_1074 = tpu.vector_load %arg14[%get3A_1072, %get3A_1073] {strides = array<i32>} : memref<32x128xf32, #tpu.memory_space<vmem>>, vector<1x16xf32>,
    %get3A_1075 = vector.shape_cast %get3A_1074 : vector<1x16xf32> to vector<16xf32>
    %slice3A_1076 = vector.extract_strided_slice %get3A_1075 {offsets = [2], sizes = [1], strides = [1]} : vector<16xf32> to vector<1xf32>
    %squeeze3A_1077 = vector.extract %slice3A_1076[0] : f32 from vector<1xf32>
    %broadcast_in_dim3A_1078 = vector.broadcast %squeeze3A_1077 : f32 to vector<16xf32>
    %select_n3A_1079 = arith.select %eq3A_1061, %broadcast_in_dim3A_1078, %select_n3A_1030 : vector<16xi1>, vector<16xf32>
    %get3A_1080 = arith.constant 18 : i32
    %get3A_1081 = arith.index_cast %get3A_1080 : i32 to index
    %get3A_1082 = arith.constant 0 : index
    %get3A_1083 = tpu.vector_load %arg15[%get3A_1081, %get3A_1082] {strides = array<i32>} : memref<32x128xf32, #tpu.memory_space<vmem>>, vector<1x16xf32>,
    %get3A_1084 = vector.shape_cast %get3A_1083 : vector<1x16xf32> to vector<16xf32>
    %slice3A_1085 = vector.extract_strided_slice %get3A_1084 {offsets = [0], sizes = [1], strides = [1]} : vector<16xf32> to vector<1xf32>
    %squeeze3A_1086 = vector.extract %slice3A_1085[0] : f32 from vector<1xf32>
    %broadcast_in_dim3A_1087 = vector.broadcast %squeeze3A_1086 : f32 to vector<16xf32>
    %select_n3A_1088 = arith.select %eq3A_1061, %broadcast_in_dim3A_1087, %select_n3A_1039 : vector<16xi1>, vector<16xf32>
    %slice3A_1089 = vector.extract_strided_slice %get3A_1084 {offsets = [1], sizes = [1], strides = [1]} : vector<16xf32> to vector<1xf32>
    %squeeze3A_1090 = vector.extract %slice3A_1089[0] : f32 from vector<1xf32>
    %broadcast_in_dim3A_1091 = vector.broadcast %squeeze3A_1090 : f32 to vector<16xf32>
    %select_n3A_1092 = arith.select %eq3A_1061, %broadcast_in_dim3A_1091, %select_n3A_1043 : vector<16xi1>, vector<16xf32>
    %get3A_1093 = arith.constant 18 : i32
    %get3A_1094 = arith.index_cast %get3A_1093 : i32 to index
    %get3A_1095 = arith.constant 0 : index
    %get3A_1096 = tpu.vector_load %arg16[%get3A_1094, %get3A_1095] {strides = array<i32>} : memref<32x128xf32, #tpu.memory_space<vmem>>, vector<1x16xf32>,
    %get3A_1097 = vector.shape_cast %get3A_1096 : vector<1x16xf32> to vector<16xf32>
    %slice3A_1098 = vector.extract_strided_slice %get3A_1097 {offsets = [0], sizes = [1], strides = [1]} : vector<16xf32> to vector<1xf32>
    %squeeze3A_1099 = vector.extract %slice3A_1098[0] : f32 from vector<1xf32>
    %broadcast_in_dim3A_1100 = vector.broadcast %squeeze3A_1099 : f32 to vector<16xf32>
    %select_n3A_1101 = arith.select %eq3A_1061, %broadcast_in_dim3A_1100, %select_n3A_1052 : vector<16xi1>, vector<16xf32>
    %slice3A_1102 = vector.extract_strided_slice %get3A_1097 {offsets = [1], sizes = [1], strides = [1]} : vector<16xf32> to vector<1xf32>
    %squeeze3A_1103 = vector.extract %slice3A_1102[0] : f32 from vector<1xf32>
    %broadcast_in_dim3A_1104 = vector.broadcast %squeeze3A_1103 : f32 to vector<16xf32>
    %select_n3A_1105 = arith.select %eq3A_1061, %broadcast_in_dim3A_1104, %select_n3A_1056 : vector<16xi1>, vector<16xf32>
    %add3A_1106 = arith.constant 16 : i32
    %add3A_1107 = arith.addi %and3A_71, %add3A_1106 : i32
    %eq3A_1108 = arith.constant 3 : i32
    %eq3A_1109 = vector.broadcast %eq3A_1108 : i32 to vector<16xi32>
    %eq3A_1110 = arith.cmpi eq, %iota3A, %eq3A_1109 : vector<16xi32>
    %get3A_1111 = arith.constant 19 : i32
    %get3A_1112 = arith.index_cast %get3A_1111 : i32 to index
    %get3A_1113 = arith.index_cast %add3A_1107 : i32 to index
    %get3A_1114 = tpu.vector_load %arg13[%get3A_1112, %get3A_1113] {strides = array<i32>} : memref<32x128xf32, #tpu.memory_space<vmem>>, vector<1x16xf32>,
    %get3A_1115 = vector.shape_cast %get3A_1114 : vector<1x16xf32> to vector<16xf32>
    %slice3A_1116 = vector.extract_strided_slice %get3A_1115 {offsets = [3], sizes = [1], strides = [1]} : vector<16xf32> to vector<1xf32>
    %squeeze3A_1117 = vector.extract %slice3A_1116[0] : f32 from vector<1xf32>
    %broadcast_in_dim3A_1118 = vector.broadcast %squeeze3A_1117 : f32 to vector<16xf32>
    %select_n3A_1119 = arith.select %eq3A_1110, %broadcast_in_dim3A_1118, %select_n3A_1070 : vector<16xi1>, vector<16xf32>
    %get3A_1120 = arith.constant 19 : i32
    %get3A_1121 = arith.index_cast %get3A_1120 : i32 to index
    %get3A_1122 = arith.index_cast %add3A_1107 : i32 to index
    %get3A_1123 = tpu.vector_load %arg14[%get3A_1121, %get3A_1122] {strides = array<i32>} : memref<32x128xf32, #tpu.memory_space<vmem>>, vector<1x16xf32>,
    %get3A_1124 = vector.shape_cast %get3A_1123 : vector<1x16xf32> to vector<16xf32>
    %slice3A_1125 = vector.extract_strided_slice %get3A_1124 {offsets = [3], sizes = [1], strides = [1]} : vector<16xf32> to vector<1xf32>
    %squeeze3A_1126 = vector.extract %slice3A_1125[0] : f32 from vector<1xf32>
    %broadcast_in_dim3A_1127 = vector.broadcast %squeeze3A_1126 : f32 to vector<16xf32>
    %select_n3A_1128 = arith.select %eq3A_1110, %broadcast_in_dim3A_1127, %select_n3A_1079 : vector<16xi1>, vector<16xf32>
    %get3A_1129 = arith.constant 19 : i32
    %get3A_1130 = arith.index_cast %get3A_1129 : i32 to index
    %get3A_1131 = arith.constant 0 : index
    %get3A_1132 = tpu.vector_load %arg15[%get3A_1130, %get3A_1131] {strides = array<i32>} : memref<32x128xf32, #tpu.memory_space<vmem>>, vector<1x16xf32>,
    %get3A_1133 = vector.shape_cast %get3A_1132 : vector<1x16xf32> to vector<16xf32>
    %slice3A_1134 = vector.extract_strided_slice %get3A_1133 {offsets = [0], sizes = [1], strides = [1]} : vector<16xf32> to vector<1xf32>
    %squeeze3A_1135 = vector.extract %slice3A_1134[0] : f32 from vector<1xf32>
    %broadcast_in_dim3A_1136 = vector.broadcast %squeeze3A_1135 : f32 to vector<16xf32>
    %select_n3A_1137 = arith.select %eq3A_1110, %broadcast_in_dim3A_1136, %select_n3A_1088 : vector<16xi1>, vector<16xf32>
    %slice3A_1138 = vector.extract_strided_slice %get3A_1133 {offsets = [1], sizes = [1], strides = [1]} : vector<16xf32> to vector<1xf32>
    %squeeze3A_1139 = vector.extract %slice3A_1138[0] : f32 from vector<1xf32>
    %broadcast_in_dim3A_1140 = vector.broadcast %squeeze3A_1139 : f32 to vector<16xf32>
    %select_n3A_1141 = arith.select %eq3A_1110, %broadcast_in_dim3A_1140, %select_n3A_1092 : vector<16xi1>, vector<16xf32>
    %get3A_1142 = arith.constant 19 : i32
    %get3A_1143 = arith.index_cast %get3A_1142 : i32 to index
    %get3A_1144 = arith.constant 0 : index
    %get3A_1145 = tpu.vector_load %arg16[%get3A_1143, %get3A_1144] {strides = array<i32>} : memref<32x128xf32, #tpu.memory_space<vmem>>, vector<1x16xf32>,
    %get3A_1146 = vector.shape_cast %get3A_1145 : vector<1x16xf32> to vector<16xf32>
    %slice3A_1147 = vector.extract_strided_slice %get3A_1146 {offsets = [0], sizes = [1], strides = [1]} : vector<16xf32> to vector<1xf32>
    %squeeze3A_1148 = vector.extract %slice3A_1147[0] : f32 from vector<1xf32>
    %broadcast_in_dim3A_1149 = vector.broadcast %squeeze3A_1148 : f32 to vector<16xf32>
    %select_n3A_1150 = arith.select %eq3A_1110, %broadcast_in_dim3A_1149, %select_n3A_1101 : vector<16xi1>, vector<16xf32>
    %slice3A_1151 = vector.extract_strided_slice %get3A_1146 {offsets = [1], sizes = [1], strides = [1]} : vector<16xf32> to vector<1xf32>
    %squeeze3A_1152 = vector.extract %slice3A_1151[0] : f32 from vector<1xf32>
    %broadcast_in_dim3A_1153 = vector.broadcast %squeeze3A_1152 : f32 to vector<16xf32>
    %select_n3A_1154 = arith.select %eq3A_1110, %broadcast_in_dim3A_1153, %select_n3A_1105 : vector<16xi1>, vector<16xf32>
    %add3A_1155 = arith.constant 16 : i32
    %add3A_1156 = arith.addi %and3A_71, %add3A_1155 : i32
    %eq3A_1157 = arith.constant 4 : i32
    %eq3A_1158 = vector.broadcast %eq3A_1157 : i32 to vector<16xi32>
    %eq3A_1159 = arith.cmpi eq, %iota3A, %eq3A_1158 : vector<16xi32>
    %get3A_1160 = arith.constant 20 : i32
    %get3A_1161 = arith.index_cast %get3A_1160 : i32 to index
    %get3A_1162 = arith.index_cast %add3A_1156 : i32 to index
    %get3A_1163 = tpu.vector_load %arg13[%get3A_1161, %get3A_1162] {strides = array<i32>} : memref<32x128xf32, #tpu.memory_space<vmem>>, vector<1x16xf32>,
    %get3A_1164 = vector.shape_cast %get3A_1163 : vector<1x16xf32> to vector<16xf32>
    %slice3A_1165 = vector.extract_strided_slice %get3A_1164 {offsets = [4], sizes = [1], strides = [1]} : vector<16xf32> to vector<1xf32>
    %squeeze3A_1166 = vector.extract %slice3A_1165[0] : f32 from vector<1xf32>
    %broadcast_in_dim3A_1167 = vector.broadcast %squeeze3A_1166 : f32 to vector<16xf32>
    %select_n3A_1168 = arith.select %eq3A_1159, %broadcast_in_dim3A_1167, %select_n3A_1119 : vector<16xi1>, vector<16xf32>
    %get3A_1169 = arith.constant 20 : i32
    %get3A_1170 = arith.index_cast %get3A_1169 : i32 to index
    %get3A_1171 = arith.index_cast %add3A_1156 : i32 to index
    %get3A_1172 = tpu.vector_load %arg14[%get3A_1170, %get3A_1171] {strides = array<i32>} : memref<32x128xf32, #tpu.memory_space<vmem>>, vector<1x16xf32>,
    %get3A_1173 = vector.shape_cast %get3A_1172 : vector<1x16xf32> to vector<16xf32>
    %slice3A_1174 = vector.extract_strided_slice %get3A_1173 {offsets = [4], sizes = [1], strides = [1]} : vector<16xf32> to vector<1xf32>
    %squeeze3A_1175 = vector.extract %slice3A_1174[0] : f32 from vector<1xf32>
    %broadcast_in_dim3A_1176 = vector.broadcast %squeeze3A_1175 : f32 to vector<16xf32>
    %select_n3A_1177 = arith.select %eq3A_1159, %broadcast_in_dim3A_1176, %select_n3A_1128 : vector<16xi1>, vector<16xf32>
    %get3A_1178 = arith.constant 20 : i32
    %get3A_1179 = arith.index_cast %get3A_1178 : i32 to index
    %get3A_1180 = arith.constant 0 : index
    %get3A_1181 = tpu.vector_load %arg15[%get3A_1179, %get3A_1180] {strides = array<i32>} : memref<32x128xf32, #tpu.memory_space<vmem>>, vector<1x16xf32>,
    %get3A_1182 = vector.shape_cast %get3A_1181 : vector<1x16xf32> to vector<16xf32>
    %slice3A_1183 = vector.extract_strided_slice %get3A_1182 {offsets = [0], sizes = [1], strides = [1]} : vector<16xf32> to vector<1xf32>
    %squeeze3A_1184 = vector.extract %slice3A_1183[0] : f32 from vector<1xf32>
    %broadcast_in_dim3A_1185 = vector.broadcast %squeeze3A_1184 : f32 to vector<16xf32>
    %select_n3A_1186 = arith.select %eq3A_1159, %broadcast_in_dim3A_1185, %select_n3A_1137 : vector<16xi1>, vector<16xf32>
    %slice3A_1187 = vector.extract_strided_slice %get3A_1182 {offsets = [1], sizes = [1], strides = [1]} : vector<16xf32> to vector<1xf32>
    %squeeze3A_1188 = vector.extract %slice3A_1187[0] : f32 from vector<1xf32>
    %broadcast_in_dim3A_1189 = vector.broadcast %squeeze3A_1188 : f32 to vector<16xf32>
    %select_n3A_1190 = arith.select %eq3A_1159, %broadcast_in_dim3A_1189, %select_n3A_1141 : vector<16xi1>, vector<16xf32>
    %get3A_1191 = arith.constant 20 : i32
    %get3A_1192 = arith.index_cast %get3A_1191 : i32 to index
    %get3A_1193 = arith.constant 0 : index
    %get3A_1194 = tpu.vector_load %arg16[%get3A_1192, %get3A_1193] {strides = array<i32>} : memref<32x128xf32, #tpu.memory_space<vmem>>, vector<1x16xf32>,
    %get3A_1195 = vector.shape_cast %get3A_1194 : vector<1x16xf32> to vector<16xf32>
    %slice3A_1196 = vector.extract_strided_slice %get3A_1195 {offsets = [0], sizes = [1], strides = [1]} : vector<16xf32> to vector<1xf32>
    %squeeze3A_1197 = vector.extract %slice3A_1196[0] : f32 from vector<1xf32>
    %broadcast_in_dim3A_1198 = vector.broadcast %squeeze3A_1197 : f32 to vector<16xf32>
    %select_n3A_1199 = arith.select %eq3A_1159, %broadcast_in_dim3A_1198, %select_n3A_1150 : vector<16xi1>, vector<16xf32>
    %slice3A_1200 = vector.extract_strided_slice %get3A_1195 {offsets = [1], sizes = [1], strides = [1]} : vector<16xf32> to vector<1xf32>
    %squeeze3A_1201 = vector.extract %slice3A_1200[0] : f32 from vector<1xf32>
    %broadcast_in_dim3A_1202 = vector.broadcast %squeeze3A_1201 : f32 to vector<16xf32>
    %select_n3A_1203 = arith.select %eq3A_1159, %broadcast_in_dim3A_1202, %select_n3A_1154 : vector<16xi1>, vector<16xf32>
    %add3A_1204 = arith.constant 16 : i32
    %add3A_1205 = arith.addi %and3A_71, %add3A_1204 : i32
    %eq3A_1206 = arith.constant 5 : i32
    %eq3A_1207 = vector.broadcast %eq3A_1206 : i32 to vector<16xi32>
    %eq3A_1208 = arith.cmpi eq, %iota3A, %eq3A_1207 : vector<16xi32>
    %get3A_1209 = arith.constant 21 : i32
    %get3A_1210 = arith.index_cast %get3A_1209 : i32 to index
    %get3A_1211 = arith.index_cast %add3A_1205 : i32 to index
    %get3A_1212 = tpu.vector_load %arg13[%get3A_1210, %get3A_1211] {strides = array<i32>} : memref<32x128xf32, #tpu.memory_space<vmem>>, vector<1x16xf32>,
    %get3A_1213 = vector.shape_cast %get3A_1212 : vector<1x16xf32> to vector<16xf32>
    %slice3A_1214 = vector.extract_strided_slice %get3A_1213 {offsets = [5], sizes = [1], strides = [1]} : vector<16xf32> to vector<1xf32>
    %squeeze3A_1215 = vector.extract %slice3A_1214[0] : f32 from vector<1xf32>
    %broadcast_in_dim3A_1216 = vector.broadcast %squeeze3A_1215 : f32 to vector<16xf32>
    %select_n3A_1217 = arith.select %eq3A_1208, %broadcast_in_dim3A_1216, %select_n3A_1168 : vector<16xi1>, vector<16xf32>
    %get3A_1218 = arith.constant 21 : i32
    %get3A_1219 = arith.index_cast %get3A_1218 : i32 to index
    %get3A_1220 = arith.index_cast %add3A_1205 : i32 to index
    %get3A_1221 = tpu.vector_load %arg14[%get3A_1219, %get3A_1220] {strides = array<i32>} : memref<32x128xf32, #tpu.memory_space<vmem>>, vector<1x16xf32>,
    %get3A_1222 = vector.shape_cast %get3A_1221 : vector<1x16xf32> to vector<16xf32>
    %slice3A_1223 = vector.extract_strided_slice %get3A_1222 {offsets = [5], sizes = [1], strides = [1]} : vector<16xf32> to vector<1xf32>
    %squeeze3A_1224 = vector.extract %slice3A_1223[0] : f32 from vector<1xf32>
    %broadcast_in_dim3A_1225 = vector.broadcast %squeeze3A_1224 : f32 to vector<16xf32>
    %select_n3A_1226 = arith.select %eq3A_1208, %broadcast_in_dim3A_1225, %select_n3A_1177 : vector<16xi1>, vector<16xf32>
    %get3A_1227 = arith.constant 21 : i32
    %get3A_1228 = arith.index_cast %get3A_1227 : i32 to index
    %get3A_1229 = arith.constant 0 : index
    %get3A_1230 = tpu.vector_load %arg15[%get3A_1228, %get3A_1229] {strides = array<i32>} : memref<32x128xf32, #tpu.memory_space<vmem>>, vector<1x16xf32>,
    %get3A_1231 = vector.shape_cast %get3A_1230 : vector<1x16xf32> to vector<16xf32>
    %slice3A_1232 = vector.extract_strided_slice %get3A_1231 {offsets = [0], sizes = [1], strides = [1]} : vector<16xf32> to vector<1xf32>
    %squeeze3A_1233 = vector.extract %slice3A_1232[0] : f32 from vector<1xf32>
    %broadcast_in_dim3A_1234 = vector.broadcast %squeeze3A_1233 : f32 to vector<16xf32>
    %select_n3A_1235 = arith.select %eq3A_1208, %broadcast_in_dim3A_1234, %select_n3A_1186 : vector<16xi1>, vector<16xf32>
    %slice3A_1236 = vector.extract_strided_slice %get3A_1231 {offsets = [1], sizes = [1], strides = [1]} : vector<16xf32> to vector<1xf32>
    %squeeze3A_1237 = vector.extract %slice3A_1236[0] : f32 from vector<1xf32>
    %broadcast_in_dim3A_1238 = vector.broadcast %squeeze3A_1237 : f32 to vector<16xf32>
    %select_n3A_1239 = arith.select %eq3A_1208, %broadcast_in_dim3A_1238, %select_n3A_1190 : vector<16xi1>, vector<16xf32>
    %get3A_1240 = arith.constant 21 : i32
    %get3A_1241 = arith.index_cast %get3A_1240 : i32 to index
    %get3A_1242 = arith.constant 0 : index
    %get3A_1243 = tpu.vector_load %arg16[%get3A_1241, %get3A_1242] {strides = array<i32>} : memref<32x128xf32, #tpu.memory_space<vmem>>, vector<1x16xf32>,
    %get3A_1244 = vector.shape_cast %get3A_1243 : vector<1x16xf32> to vector<16xf32>
    %slice3A_1245 = vector.extract_strided_slice %get3A_1244 {offsets = [0], sizes = [1], strides = [1]} : vector<16xf32> to vector<1xf32>
    %squeeze3A_1246 = vector.extract %slice3A_1245[0] : f32 from vector<1xf32>
    %broadcast_in_dim3A_1247 = vector.broadcast %squeeze3A_1246 : f32 to vector<16xf32>
    %select_n3A_1248 = arith.select %eq3A_1208, %broadcast_in_dim3A_1247, %select_n3A_1199 : vector<16xi1>, vector<16xf32>
    %slice3A_1249 = vector.extract_strided_slice %get3A_1244 {offsets = [1], sizes = [1], strides = [1]} : vector<16xf32> to vector<1xf32>
    %squeeze3A_1250 = vector.extract %slice3A_1249[0] : f32 from vector<1xf32>
    %broadcast_in_dim3A_1251 = vector.broadcast %squeeze3A_1250 : f32 to vector<16xf32>
    %select_n3A_1252 = arith.select %eq3A_1208, %broadcast_in_dim3A_1251, %select_n3A_1203 : vector<16xi1>, vector<16xf32>
    %add3A_1253 = arith.constant 16 : i32
    %add3A_1254 = arith.addi %and3A_71, %add3A_1253 : i32
    %eq3A_1255 = arith.constant 6 : i32
    %eq3A_1256 = vector.broadcast %eq3A_1255 : i32 to vector<16xi32>
    %eq3A_1257 = arith.cmpi eq, %iota3A, %eq3A_1256 : vector<16xi32>
    %get3A_1258 = arith.constant 22 : i32
    %get3A_1259 = arith.index_cast %get3A_1258 : i32 to index
    %get3A_1260 = arith.index_cast %add3A_1254 : i32 to index
    %get3A_1261 = tpu.vector_load %arg13[%get3A_1259, %get3A_1260] {strides = array<i32>} : memref<32x128xf32, #tpu.memory_space<vmem>>, vector<1x16xf32>,
    %get3A_1262 = vector.shape_cast %get3A_1261 : vector<1x16xf32> to vector<16xf32>
    %slice3A_1263 = vector.extract_strided_slice %get3A_1262 {offsets = [6], sizes = [1], strides = [1]} : vector<16xf32> to vector<1xf32>
    %squeeze3A_1264 = vector.extract %slice3A_1263[0] : f32 from vector<1xf32>
    %broadcast_in_dim3A_1265 = vector.broadcast %squeeze3A_1264 : f32 to vector<16xf32>
    %select_n3A_1266 = arith.select %eq3A_1257, %broadcast_in_dim3A_1265, %select_n3A_1217 : vector<16xi1>, vector<16xf32>
    %get3A_1267 = arith.constant 22 : i32
    %get3A_1268 = arith.index_cast %get3A_1267 : i32 to index
    %get3A_1269 = arith.index_cast %add3A_1254 : i32 to index
    %get3A_1270 = tpu.vector_load %arg14[%get3A_1268, %get3A_1269] {strides = array<i32>} : memref<32x128xf32, #tpu.memory_space<vmem>>, vector<1x16xf32>,
    %get3A_1271 = vector.shape_cast %get3A_1270 : vector<1x16xf32> to vector<16xf32>
    %slice3A_1272 = vector.extract_strided_slice %get3A_1271 {offsets = [6], sizes = [1], strides = [1]} : vector<16xf32> to vector<1xf32>
    %squeeze3A_1273 = vector.extract %slice3A_1272[0] : f32 from vector<1xf32>
    %broadcast_in_dim3A_1274 = vector.broadcast %squeeze3A_1273 : f32 to vector<16xf32>
    %select_n3A_1275 = arith.select %eq3A_1257, %broadcast_in_dim3A_1274, %select_n3A_1226 : vector<16xi1>, vector<16xf32>
    %get3A_1276 = arith.constant 22 : i32
    %get3A_1277 = arith.index_cast %get3A_1276 : i32 to index
    %get3A_1278 = arith.constant 0 : index
    %get3A_1279 = tpu.vector_load %arg15[%get3A_1277, %get3A_1278] {strides = array<i32>} : memref<32x128xf32, #tpu.memory_space<vmem>>, vector<1x16xf32>,
    %get3A_1280 = vector.shape_cast %get3A_1279 : vector<1x16xf32> to vector<16xf32>
    %slice3A_1281 = vector.extract_strided_slice %get3A_1280 {offsets = [0], sizes = [1], strides = [1]} : vector<16xf32> to vector<1xf32>
    %squeeze3A_1282 = vector.extract %slice3A_1281[0] : f32 from vector<1xf32>
    %broadcast_in_dim3A_1283 = vector.broadcast %squeeze3A_1282 : f32 to vector<16xf32>
    %select_n3A_1284 = arith.select %eq3A_1257, %broadcast_in_dim3A_1283, %select_n3A_1235 : vector<16xi1>, vector<16xf32>
    %slice3A_1285 = vector.extract_strided_slice %get3A_1280 {offsets = [1], sizes = [1], strides = [1]} : vector<16xf32> to vector<1xf32>
    %squeeze3A_1286 = vector.extract %slice3A_1285[0] : f32 from vector<1xf32>
    %broadcast_in_dim3A_1287 = vector.broadcast %squeeze3A_1286 : f32 to vector<16xf32>
    %select_n3A_1288 = arith.select %eq3A_1257, %broadcast_in_dim3A_1287, %select_n3A_1239 : vector<16xi1>, vector<16xf32>
    %get3A_1289 = arith.constant 22 : i32
    %get3A_1290 = arith.index_cast %get3A_1289 : i32 to index
    %get3A_1291 = arith.constant 0 : index
    %get3A_1292 = tpu.vector_load %arg16[%get3A_1290, %get3A_1291] {strides = array<i32>} : memref<32x128xf32, #tpu.memory_space<vmem>>, vector<1x16xf32>,
    %get3A_1293 = vector.shape_cast %get3A_1292 : vector<1x16xf32> to vector<16xf32>
    %slice3A_1294 = vector.extract_strided_slice %get3A_1293 {offsets = [0], sizes = [1], strides = [1]} : vector<16xf32> to vector<1xf32>
    %squeeze3A_1295 = vector.extract %slice3A_1294[0] : f32 from vector<1xf32>
    %broadcast_in_dim3A_1296 = vector.broadcast %squeeze3A_1295 : f32 to vector<16xf32>
    %select_n3A_1297 = arith.select %eq3A_1257, %broadcast_in_dim3A_1296, %select_n3A_1248 : vector<16xi1>, vector<16xf32>
    %slice3A_1298 = vector.extract_strided_slice %get3A_1293 {offsets = [1], sizes = [1], strides = [1]} : vector<16xf32> to vector<1xf32>
    %squeeze3A_1299 = vector.extract %slice3A_1298[0] : f32 from vector<1xf32>
    %broadcast_in_dim3A_1300 = vector.broadcast %squeeze3A_1299 : f32 to vector<16xf32>
    %select_n3A_1301 = arith.select %eq3A_1257, %broadcast_in_dim3A_1300, %select_n3A_1252 : vector<16xi1>, vector<16xf32>
    %add3A_1302 = arith.constant 16 : i32
    %add3A_1303 = arith.addi %and3A_71, %add3A_1302 : i32
    %eq3A_1304 = arith.constant 7 : i32
    %eq3A_1305 = vector.broadcast %eq3A_1304 : i32 to vector<16xi32>
    %eq3A_1306 = arith.cmpi eq, %iota3A, %eq3A_1305 : vector<16xi32>
    %get3A_1307 = arith.constant 23 : i32
    %get3A_1308 = arith.index_cast %get3A_1307 : i32 to index
    %get3A_1309 = arith.index_cast %add3A_1303 : i32 to index
    %get3A_1310 = tpu.vector_load %arg13[%get3A_1308, %get3A_1309] {strides = array<i32>} : memref<32x128xf32, #tpu.memory_space<vmem>>, vector<1x16xf32>,
    %get3A_1311 = vector.shape_cast %get3A_1310 : vector<1x16xf32> to vector<16xf32>
    %slice3A_1312 = vector.extract_strided_slice %get3A_1311 {offsets = [7], sizes = [1], strides = [1]} : vector<16xf32> to vector<1xf32>
    %squeeze3A_1313 = vector.extract %slice3A_1312[0] : f32 from vector<1xf32>
    %broadcast_in_dim3A_1314 = vector.broadcast %squeeze3A_1313 : f32 to vector<16xf32>
    %select_n3A_1315 = arith.select %eq3A_1306, %broadcast_in_dim3A_1314, %select_n3A_1266 : vector<16xi1>, vector<16xf32>
    %get3A_1316 = arith.constant 23 : i32
    %get3A_1317 = arith.index_cast %get3A_1316 : i32 to index
    %get3A_1318 = arith.index_cast %add3A_1303 : i32 to index
    %get3A_1319 = tpu.vector_load %arg14[%get3A_1317, %get3A_1318] {strides = array<i32>} : memref<32x128xf32, #tpu.memory_space<vmem>>, vector<1x16xf32>,
    %get3A_1320 = vector.shape_cast %get3A_1319 : vector<1x16xf32> to vector<16xf32>
    %slice3A_1321 = vector.extract_strided_slice %get3A_1320 {offsets = [7], sizes = [1], strides = [1]} : vector<16xf32> to vector<1xf32>
    %squeeze3A_1322 = vector.extract %slice3A_1321[0] : f32 from vector<1xf32>
    %broadcast_in_dim3A_1323 = vector.broadcast %squeeze3A_1322 : f32 to vector<16xf32>
    %select_n3A_1324 = arith.select %eq3A_1306, %broadcast_in_dim3A_1323, %select_n3A_1275 : vector<16xi1>, vector<16xf32>
    %get3A_1325 = arith.constant 23 : i32
    %get3A_1326 = arith.index_cast %get3A_1325 : i32 to index
    %get3A_1327 = arith.constant 0 : index
    %get3A_1328 = tpu.vector_load %arg15[%get3A_1326, %get3A_1327] {strides = array<i32>} : memref<32x128xf32, #tpu.memory_space<vmem>>, vector<1x16xf32>,
    %get3A_1329 = vector.shape_cast %get3A_1328 : vector<1x16xf32> to vector<16xf32>
    %slice3A_1330 = vector.extract_strided_slice %get3A_1329 {offsets = [0], sizes = [1], strides = [1]} : vector<16xf32> to vector<1xf32>
    %squeeze3A_1331 = vector.extract %slice3A_1330[0] : f32 from vector<1xf32>
    %broadcast_in_dim3A_1332 = vector.broadcast %squeeze3A_1331 : f32 to vector<16xf32>
    %select_n3A_1333 = arith.select %eq3A_1306, %broadcast_in_dim3A_1332, %select_n3A_1284 : vector<16xi1>, vector<16xf32>
    %slice3A_1334 = vector.extract_strided_slice %get3A_1329 {offsets = [1], sizes = [1], strides = [1]} : vector<16xf32> to vector<1xf32>
    %squeeze3A_1335 = vector.extract %slice3A_1334[0] : f32 from vector<1xf32>
    %broadcast_in_dim3A_1336 = vector.broadcast %squeeze3A_1335 : f32 to vector<16xf32>
    %select_n3A_1337 = arith.select %eq3A_1306, %broadcast_in_dim3A_1336, %select_n3A_1288 : vector<16xi1>, vector<16xf32>
    %get3A_1338 = arith.constant 23 : i32
    %get3A_1339 = arith.index_cast %get3A_1338 : i32 to index
    %get3A_1340 = arith.constant 0 : index
    %get3A_1341 = tpu.vector_load %arg16[%get3A_1339, %get3A_1340] {strides = array<i32>} : memref<32x128xf32, #tpu.memory_space<vmem>>, vector<1x16xf32>,
    %get3A_1342 = vector.shape_cast %get3A_1341 : vector<1x16xf32> to vector<16xf32>
    %slice3A_1343 = vector.extract_strided_slice %get3A_1342 {offsets = [0], sizes = [1], strides = [1]} : vector<16xf32> to vector<1xf32>
    %squeeze3A_1344 = vector.extract %slice3A_1343[0] : f32 from vector<1xf32>
    %broadcast_in_dim3A_1345 = vector.broadcast %squeeze3A_1344 : f32 to vector<16xf32>
    %select_n3A_1346 = arith.select %eq3A_1306, %broadcast_in_dim3A_1345, %select_n3A_1297 : vector<16xi1>, vector<16xf32>
    %slice3A_1347 = vector.extract_strided_slice %get3A_1342 {offsets = [1], sizes = [1], strides = [1]} : vector<16xf32> to vector<1xf32>
    %squeeze3A_1348 = vector.extract %slice3A_1347[0] : f32 from vector<1xf32>
    %broadcast_in_dim3A_1349 = vector.broadcast %squeeze3A_1348 : f32 to vector<16xf32>
    %select_n3A_1350 = arith.select %eq3A_1306, %broadcast_in_dim3A_1349, %select_n3A_1301 : vector<16xi1>, vector<16xf32>
    %add3A_1351 = arith.constant 16 : i32
    %add3A_1352 = arith.addi %and3A_71, %add3A_1351 : i32
    %eq3A_1353 = arith.constant 8 : i32
    %eq3A_1354 = vector.broadcast %eq3A_1353 : i32 to vector<16xi32>
    %eq3A_1355 = arith.cmpi eq, %iota3A, %eq3A_1354 : vector<16xi32>
    %get3A_1356 = arith.constant 24 : i32
    %get3A_1357 = arith.index_cast %get3A_1356 : i32 to index
    %get3A_1358 = arith.index_cast %add3A_1352 : i32 to index
    %get3A_1359 = tpu.vector_load %arg13[%get3A_1357, %get3A_1358] {strides = array<i32>} : memref<32x128xf32, #tpu.memory_space<vmem>>, vector<1x16xf32>,
    %get3A_1360 = vector.shape_cast %get3A_1359 : vector<1x16xf32> to vector<16xf32>
    %slice3A_1361 = vector.extract_strided_slice %get3A_1360 {offsets = [8], sizes = [1], strides = [1]} : vector<16xf32> to vector<1xf32>
    %squeeze3A_1362 = vector.extract %slice3A_1361[0] : f32 from vector<1xf32>
    %broadcast_in_dim3A_1363 = vector.broadcast %squeeze3A_1362 : f32 to vector<16xf32>
    %select_n3A_1364 = arith.select %eq3A_1355, %broadcast_in_dim3A_1363, %select_n3A_1315 : vector<16xi1>, vector<16xf32>
    %get3A_1365 = arith.constant 24 : i32
    %get3A_1366 = arith.index_cast %get3A_1365 : i32 to index
    %get3A_1367 = arith.index_cast %add3A_1352 : i32 to index
    %get3A_1368 = tpu.vector_load %arg14[%get3A_1366, %get3A_1367] {strides = array<i32>} : memref<32x128xf32, #tpu.memory_space<vmem>>, vector<1x16xf32>,
    %get3A_1369 = vector.shape_cast %get3A_1368 : vector<1x16xf32> to vector<16xf32>
    %slice3A_1370 = vector.extract_strided_slice %get3A_1369 {offsets = [8], sizes = [1], strides = [1]} : vector<16xf32> to vector<1xf32>
    %squeeze3A_1371 = vector.extract %slice3A_1370[0] : f32 from vector<1xf32>
    %broadcast_in_dim3A_1372 = vector.broadcast %squeeze3A_1371 : f32 to vector<16xf32>
    %select_n3A_1373 = arith.select %eq3A_1355, %broadcast_in_dim3A_1372, %select_n3A_1324 : vector<16xi1>, vector<16xf32>
    %get3A_1374 = arith.constant 24 : i32
    %get3A_1375 = arith.index_cast %get3A_1374 : i32 to index
    %get3A_1376 = arith.constant 0 : index
    %get3A_1377 = tpu.vector_load %arg15[%get3A_1375, %get3A_1376] {strides = array<i32>} : memref<32x128xf32, #tpu.memory_space<vmem>>, vector<1x16xf32>,
    %get3A_1378 = vector.shape_cast %get3A_1377 : vector<1x16xf32> to vector<16xf32>
    %slice3A_1379 = vector.extract_strided_slice %get3A_1378 {offsets = [0], sizes = [1], strides = [1]} : vector<16xf32> to vector<1xf32>
    %squeeze3A_1380 = vector.extract %slice3A_1379[0] : f32 from vector<1xf32>
    %broadcast_in_dim3A_1381 = vector.broadcast %squeeze3A_1380 : f32 to vector<16xf32>
    %select_n3A_1382 = arith.select %eq3A_1355, %broadcast_in_dim3A_1381, %select_n3A_1333 : vector<16xi1>, vector<16xf32>
    %slice3A_1383 = vector.extract_strided_slice %get3A_1378 {offsets = [1], sizes = [1], strides = [1]} : vector<16xf32> to vector<1xf32>
    %squeeze3A_1384 = vector.extract %slice3A_1383[0] : f32 from vector<1xf32>
    %broadcast_in_dim3A_1385 = vector.broadcast %squeeze3A_1384 : f32 to vector<16xf32>
    %select_n3A_1386 = arith.select %eq3A_1355, %broadcast_in_dim3A_1385, %select_n3A_1337 : vector<16xi1>, vector<16xf32>
    %get3A_1387 = arith.constant 24 : i32
    %get3A_1388 = arith.index_cast %get3A_1387 : i32 to index
    %get3A_1389 = arith.constant 0 : index
    %get3A_1390 = tpu.vector_load %arg16[%get3A_1388, %get3A_1389] {strides = array<i32>} : memref<32x128xf32, #tpu.memory_space<vmem>>, vector<1x16xf32>,
    %get3A_1391 = vector.shape_cast %get3A_1390 : vector<1x16xf32> to vector<16xf32>
    %slice3A_1392 = vector.extract_strided_slice %get3A_1391 {offsets = [0], sizes = [1], strides = [1]} : vector<16xf32> to vector<1xf32>
    %squeeze3A_1393 = vector.extract %slice3A_1392[0] : f32 from vector<1xf32>
    %broadcast_in_dim3A_1394 = vector.broadcast %squeeze3A_1393 : f32 to vector<16xf32>
    %select_n3A_1395 = arith.select %eq3A_1355, %broadcast_in_dim3A_1394, %select_n3A_1346 : vector<16xi1>, vector<16xf32>
    %slice3A_1396 = vector.extract_strided_slice %get3A_1391 {offsets = [1], sizes = [1], strides = [1]} : vector<16xf32> to vector<1xf32>
    %squeeze3A_1397 = vector.extract %slice3A_1396[0] : f32 from vector<1xf32>
    %broadcast_in_dim3A_1398 = vector.broadcast %squeeze3A_1397 : f32 to vector<16xf32>
    %select_n3A_1399 = arith.select %eq3A_1355, %broadcast_in_dim3A_1398, %select_n3A_1350 : vector<16xi1>, vector<16xf32>
    %add3A_1400 = arith.constant 16 : i32
    %add3A_1401 = arith.addi %and3A_71, %add3A_1400 : i32
    %eq3A_1402 = arith.constant 9 : i32
    %eq3A_1403 = vector.broadcast %eq3A_1402 : i32 to vector<16xi32>
    %eq3A_1404 = arith.cmpi eq, %iota3A, %eq3A_1403 : vector<16xi32>
    %get3A_1405 = arith.constant 25 : i32
    %get3A_1406 = arith.index_cast %get3A_1405 : i32 to index
    %get3A_1407 = arith.index_cast %add3A_1401 : i32 to index
    %get3A_1408 = tpu.vector_load %arg13[%get3A_1406, %get3A_1407] {strides = array<i32>} : memref<32x128xf32, #tpu.memory_space<vmem>>, vector<1x16xf32>,
    %get3A_1409 = vector.shape_cast %get3A_1408 : vector<1x16xf32> to vector<16xf32>
    %slice3A_1410 = vector.extract_strided_slice %get3A_1409 {offsets = [9], sizes = [1], strides = [1]} : vector<16xf32> to vector<1xf32>
    %squeeze3A_1411 = vector.extract %slice3A_1410[0] : f32 from vector<1xf32>
    %broadcast_in_dim3A_1412 = vector.broadcast %squeeze3A_1411 : f32 to vector<16xf32>
    %select_n3A_1413 = arith.select %eq3A_1404, %broadcast_in_dim3A_1412, %select_n3A_1364 : vector<16xi1>, vector<16xf32>
    %get3A_1414 = arith.constant 25 : i32
    %get3A_1415 = arith.index_cast %get3A_1414 : i32 to index
    %get3A_1416 = arith.index_cast %add3A_1401 : i32 to index
    %get3A_1417 = tpu.vector_load %arg14[%get3A_1415, %get3A_1416] {strides = array<i32>} : memref<32x128xf32, #tpu.memory_space<vmem>>, vector<1x16xf32>,
    %get3A_1418 = vector.shape_cast %get3A_1417 : vector<1x16xf32> to vector<16xf32>
    %slice3A_1419 = vector.extract_strided_slice %get3A_1418 {offsets = [9], sizes = [1], strides = [1]} : vector<16xf32> to vector<1xf32>
    %squeeze3A_1420 = vector.extract %slice3A_1419[0] : f32 from vector<1xf32>
    %broadcast_in_dim3A_1421 = vector.broadcast %squeeze3A_1420 : f32 to vector<16xf32>
    %select_n3A_1422 = arith.select %eq3A_1404, %broadcast_in_dim3A_1421, %select_n3A_1373 : vector<16xi1>, vector<16xf32>
    %get3A_1423 = arith.constant 25 : i32
    %get3A_1424 = arith.index_cast %get3A_1423 : i32 to index
    %get3A_1425 = arith.constant 0 : index
    %get3A_1426 = tpu.vector_load %arg15[%get3A_1424, %get3A_1425] {strides = array<i32>} : memref<32x128xf32, #tpu.memory_space<vmem>>, vector<1x16xf32>,
    %get3A_1427 = vector.shape_cast %get3A_1426 : vector<1x16xf32> to vector<16xf32>
    %slice3A_1428 = vector.extract_strided_slice %get3A_1427 {offsets = [0], sizes = [1], strides = [1]} : vector<16xf32> to vector<1xf32>
    %squeeze3A_1429 = vector.extract %slice3A_1428[0] : f32 from vector<1xf32>
    %broadcast_in_dim3A_1430 = vector.broadcast %squeeze3A_1429 : f32 to vector<16xf32>
    %select_n3A_1431 = arith.select %eq3A_1404, %broadcast_in_dim3A_1430, %select_n3A_1382 : vector<16xi1>, vector<16xf32>
    %slice3A_1432 = vector.extract_strided_slice %get3A_1427 {offsets = [1], sizes = [1], strides = [1]} : vector<16xf32> to vector<1xf32>
    %squeeze3A_1433 = vector.extract %slice3A_1432[0] : f32 from vector<1xf32>
    %broadcast_in_dim3A_1434 = vector.broadcast %squeeze3A_1433 : f32 to vector<16xf32>
    %select_n3A_1435 = arith.select %eq3A_1404, %broadcast_in_dim3A_1434, %select_n3A_1386 : vector<16xi1>, vector<16xf32>
    %get3A_1436 = arith.constant 25 : i32
    %get3A_1437 = arith.index_cast %get3A_1436 : i32 to index
    %get3A_1438 = arith.constant 0 : index
    %get3A_1439 = tpu.vector_load %arg16[%get3A_1437, %get3A_1438] {strides = array<i32>} : memref<32x128xf32, #tpu.memory_space<vmem>>, vector<1x16xf32>,
    %get3A_1440 = vector.shape_cast %get3A_1439 : vector<1x16xf32> to vector<16xf32>
    %slice3A_1441 = vector.extract_strided_slice %get3A_1440 {offsets = [0], sizes = [1], strides = [1]} : vector<16xf32> to vector<1xf32>
    %squeeze3A_1442 = vector.extract %slice3A_1441[0] : f32 from vector<1xf32>
    %broadcast_in_dim3A_1443 = vector.broadcast %squeeze3A_1442 : f32 to vector<16xf32>
    %select_n3A_1444 = arith.select %eq3A_1404, %broadcast_in_dim3A_1443, %select_n3A_1395 : vector<16xi1>, vector<16xf32>
    %slice3A_1445 = vector.extract_strided_slice %get3A_1440 {offsets = [1], sizes = [1], strides = [1]} : vector<16xf32> to vector<1xf32>
    %squeeze3A_1446 = vector.extract %slice3A_1445[0] : f32 from vector<1xf32>
    %broadcast_in_dim3A_1447 = vector.broadcast %squeeze3A_1446 : f32 to vector<16xf32>
    %select_n3A_1448 = arith.select %eq3A_1404, %broadcast_in_dim3A_1447, %select_n3A_1399 : vector<16xi1>, vector<16xf32>
    %add3A_1449 = arith.constant 16 : i32
    %add3A_1450 = arith.addi %and3A_71, %add3A_1449 : i32
    %eq3A_1451 = arith.constant 10 : i32
    %eq3A_1452 = vector.broadcast %eq3A_1451 : i32 to vector<16xi32>
    %eq3A_1453 = arith.cmpi eq, %iota3A, %eq3A_1452 : vector<16xi32>
    %get3A_1454 = arith.constant 26 : i32
    %get3A_1455 = arith.index_cast %get3A_1454 : i32 to index
    %get3A_1456 = arith.index_cast %add3A_1450 : i32 to index
    %get3A_1457 = tpu.vector_load %arg13[%get3A_1455, %get3A_1456] {strides = array<i32>} : memref<32x128xf32, #tpu.memory_space<vmem>>, vector<1x16xf32>,
    %get3A_1458 = vector.shape_cast %get3A_1457 : vector<1x16xf32> to vector<16xf32>
    %slice3A_1459 = vector.extract_strided_slice %get3A_1458 {offsets = [10], sizes = [1], strides = [1]} : vector<16xf32> to vector<1xf32>
    %squeeze3A_1460 = vector.extract %slice3A_1459[0] : f32 from vector<1xf32>
    %broadcast_in_dim3A_1461 = vector.broadcast %squeeze3A_1460 : f32 to vector<16xf32>
    %select_n3A_1462 = arith.select %eq3A_1453, %broadcast_in_dim3A_1461, %select_n3A_1413 : vector<16xi1>, vector<16xf32>
    %get3A_1463 = arith.constant 26 : i32
    %get3A_1464 = arith.index_cast %get3A_1463 : i32 to index
    %get3A_1465 = arith.index_cast %add3A_1450 : i32 to index
    %get3A_1466 = tpu.vector_load %arg14[%get3A_1464, %get3A_1465] {strides = array<i32>} : memref<32x128xf32, #tpu.memory_space<vmem>>, vector<1x16xf32>,
    %get3A_1467 = vector.shape_cast %get3A_1466 : vector<1x16xf32> to vector<16xf32>
    %slice3A_1468 = vector.extract_strided_slice %get3A_1467 {offsets = [10], sizes = [1], strides = [1]} : vector<16xf32> to vector<1xf32>
    %squeeze3A_1469 = vector.extract %slice3A_1468[0] : f32 from vector<1xf32>
    %broadcast_in_dim3A_1470 = vector.broadcast %squeeze3A_1469 : f32 to vector<16xf32>
    %select_n3A_1471 = arith.select %eq3A_1453, %broadcast_in_dim3A_1470, %select_n3A_1422 : vector<16xi1>, vector<16xf32>
    %get3A_1472 = arith.constant 26 : i32
    %get3A_1473 = arith.index_cast %get3A_1472 : i32 to index
    %get3A_1474 = arith.constant 0 : index
    %get3A_1475 = tpu.vector_load %arg15[%get3A_1473, %get3A_1474] {strides = array<i32>} : memref<32x128xf32, #tpu.memory_space<vmem>>, vector<1x16xf32>,
    %get3A_1476 = vector.shape_cast %get3A_1475 : vector<1x16xf32> to vector<16xf32>
    %slice3A_1477 = vector.extract_strided_slice %get3A_1476 {offsets = [0], sizes = [1], strides = [1]} : vector<16xf32> to vector<1xf32>
    %squeeze3A_1478 = vector.extract %slice3A_1477[0] : f32 from vector<1xf32>
    %broadcast_in_dim3A_1479 = vector.broadcast %squeeze3A_1478 : f32 to vector<16xf32>
    %select_n3A_1480 = arith.select %eq3A_1453, %broadcast_in_dim3A_1479, %select_n3A_1431 : vector<16xi1>, vector<16xf32>
    %slice3A_1481 = vector.extract_strided_slice %get3A_1476 {offsets = [1], sizes = [1], strides = [1]} : vector<16xf32> to vector<1xf32>
    %squeeze3A_1482 = vector.extract %slice3A_1481[0] : f32 from vector<1xf32>
    %broadcast_in_dim3A_1483 = vector.broadcast %squeeze3A_1482 : f32 to vector<16xf32>
    %select_n3A_1484 = arith.select %eq3A_1453, %broadcast_in_dim3A_1483, %select_n3A_1435 : vector<16xi1>, vector<16xf32>
    %get3A_1485 = arith.constant 26 : i32
    %get3A_1486 = arith.index_cast %get3A_1485 : i32 to index
    %get3A_1487 = arith.constant 0 : index
    %get3A_1488 = tpu.vector_load %arg16[%get3A_1486, %get3A_1487] {strides = array<i32>} : memref<32x128xf32, #tpu.memory_space<vmem>>, vector<1x16xf32>,
    %get3A_1489 = vector.shape_cast %get3A_1488 : vector<1x16xf32> to vector<16xf32>
    %slice3A_1490 = vector.extract_strided_slice %get3A_1489 {offsets = [0], sizes = [1], strides = [1]} : vector<16xf32> to vector<1xf32>
    %squeeze3A_1491 = vector.extract %slice3A_1490[0] : f32 from vector<1xf32>
    %broadcast_in_dim3A_1492 = vector.broadcast %squeeze3A_1491 : f32 to vector<16xf32>
    %select_n3A_1493 = arith.select %eq3A_1453, %broadcast_in_dim3A_1492, %select_n3A_1444 : vector<16xi1>, vector<16xf32>
    %slice3A_1494 = vector.extract_strided_slice %get3A_1489 {offsets = [1], sizes = [1], strides = [1]} : vector<16xf32> to vector<1xf32>
    %squeeze3A_1495 = vector.extract %slice3A_1494[0] : f32 from vector<1xf32>
    %broadcast_in_dim3A_1496 = vector.broadcast %squeeze3A_1495 : f32 to vector<16xf32>
    %select_n3A_1497 = arith.select %eq3A_1453, %broadcast_in_dim3A_1496, %select_n3A_1448 : vector<16xi1>, vector<16xf32>
    %add3A_1498 = arith.constant 16 : i32
    %add3A_1499 = arith.addi %and3A_71, %add3A_1498 : i32
    %eq3A_1500 = arith.constant 11 : i32
    %eq3A_1501 = vector.broadcast %eq3A_1500 : i32 to vector<16xi32>
    %eq3A_1502 = arith.cmpi eq, %iota3A, %eq3A_1501 : vector<16xi32>
    %get3A_1503 = arith.constant 27 : i32
    %get3A_1504 = arith.index_cast %get3A_1503 : i32 to index
    %get3A_1505 = arith.index_cast %add3A_1499 : i32 to index
    %get3A_1506 = tpu.vector_load %arg13[%get3A_1504, %get3A_1505] {strides = array<i32>} : memref<32x128xf32, #tpu.memory_space<vmem>>, vector<1x16xf32>,
    %get3A_1507 = vector.shape_cast %get3A_1506 : vector<1x16xf32> to vector<16xf32>
    %slice3A_1508 = vector.extract_strided_slice %get3A_1507 {offsets = [11], sizes = [1], strides = [1]} : vector<16xf32> to vector<1xf32>
    %squeeze3A_1509 = vector.extract %slice3A_1508[0] : f32 from vector<1xf32>
    %broadcast_in_dim3A_1510 = vector.broadcast %squeeze3A_1509 : f32 to vector<16xf32>
    %select_n3A_1511 = arith.select %eq3A_1502, %broadcast_in_dim3A_1510, %select_n3A_1462 : vector<16xi1>, vector<16xf32>
    %get3A_1512 = arith.constant 27 : i32
    %get3A_1513 = arith.index_cast %get3A_1512 : i32 to index
    %get3A_1514 = arith.index_cast %add3A_1499 : i32 to index
    %get3A_1515 = tpu.vector_load %arg14[%get3A_1513, %get3A_1514] {strides = array<i32>} : memref<32x128xf32, #tpu.memory_space<vmem>>, vector<1x16xf32>,
    %get3A_1516 = vector.shape_cast %get3A_1515 : vector<1x16xf32> to vector<16xf32>
    %slice3A_1517 = vector.extract_strided_slice %get3A_1516 {offsets = [11], sizes = [1], strides = [1]} : vector<16xf32> to vector<1xf32>
    %squeeze3A_1518 = vector.extract %slice3A_1517[0] : f32 from vector<1xf32>
    %broadcast_in_dim3A_1519 = vector.broadcast %squeeze3A_1518 : f32 to vector<16xf32>
    %select_n3A_1520 = arith.select %eq3A_1502, %broadcast_in_dim3A_1519, %select_n3A_1471 : vector<16xi1>, vector<16xf32>
    %get3A_1521 = arith.constant 27 : i32
    %get3A_1522 = arith.index_cast %get3A_1521 : i32 to index
    %get3A_1523 = arith.constant 0 : index
    %get3A_1524 = tpu.vector_load %arg15[%get3A_1522, %get3A_1523] {strides = array<i32>} : memref<32x128xf32, #tpu.memory_space<vmem>>, vector<1x16xf32>,
    %get3A_1525 = vector.shape_cast %get3A_1524 : vector<1x16xf32> to vector<16xf32>
    %slice3A_1526 = vector.extract_strided_slice %get3A_1525 {offsets = [0], sizes = [1], strides = [1]} : vector<16xf32> to vector<1xf32>
    %squeeze3A_1527 = vector.extract %slice3A_1526[0] : f32 from vector<1xf32>
    %broadcast_in_dim3A_1528 = vector.broadcast %squeeze3A_1527 : f32 to vector<16xf32>
    %select_n3A_1529 = arith.select %eq3A_1502, %broadcast_in_dim3A_1528, %select_n3A_1480 : vector<16xi1>, vector<16xf32>
    %slice3A_1530 = vector.extract_strided_slice %get3A_1525 {offsets = [1], sizes = [1], strides = [1]} : vector<16xf32> to vector<1xf32>
    %squeeze3A_1531 = vector.extract %slice3A_1530[0] : f32 from vector<1xf32>
    %broadcast_in_dim3A_1532 = vector.broadcast %squeeze3A_1531 : f32 to vector<16xf32>
    %select_n3A_1533 = arith.select %eq3A_1502, %broadcast_in_dim3A_1532, %select_n3A_1484 : vector<16xi1>, vector<16xf32>
    %get3A_1534 = arith.constant 27 : i32
    %get3A_1535 = arith.index_cast %get3A_1534 : i32 to index
    %get3A_1536 = arith.constant 0 : index
    %get3A_1537 = tpu.vector_load %arg16[%get3A_1535, %get3A_1536] {strides = array<i32>} : memref<32x128xf32, #tpu.memory_space<vmem>>, vector<1x16xf32>,
    %get3A_1538 = vector.shape_cast %get3A_1537 : vector<1x16xf32> to vector<16xf32>
    %slice3A_1539 = vector.extract_strided_slice %get3A_1538 {offsets = [0], sizes = [1], strides = [1]} : vector<16xf32> to vector<1xf32>
    %squeeze3A_1540 = vector.extract %slice3A_1539[0] : f32 from vector<1xf32>
    %broadcast_in_dim3A_1541 = vector.broadcast %squeeze3A_1540 : f32 to vector<16xf32>
    %select_n3A_1542 = arith.select %eq3A_1502, %broadcast_in_dim3A_1541, %select_n3A_1493 : vector<16xi1>, vector<16xf32>
    %slice3A_1543 = vector.extract_strided_slice %get3A_1538 {offsets = [1], sizes = [1], strides = [1]} : vector<16xf32> to vector<1xf32>
    %squeeze3A_1544 = vector.extract %slice3A_1543[0] : f32 from vector<1xf32>
    %broadcast_in_dim3A_1545 = vector.broadcast %squeeze3A_1544 : f32 to vector<16xf32>
    %select_n3A_1546 = arith.select %eq3A_1502, %broadcast_in_dim3A_1545, %select_n3A_1497 : vector<16xi1>, vector<16xf32>
    %add3A_1547 = arith.constant 16 : i32
    %add3A_1548 = arith.addi %and3A_71, %add3A_1547 : i32
    %eq3A_1549 = arith.constant 12 : i32
    %eq3A_1550 = vector.broadcast %eq3A_1549 : i32 to vector<16xi32>
    %eq3A_1551 = arith.cmpi eq, %iota3A, %eq3A_1550 : vector<16xi32>
    %get3A_1552 = arith.constant 28 : i32
    %get3A_1553 = arith.index_cast %get3A_1552 : i32 to index
    %get3A_1554 = arith.index_cast %add3A_1548 : i32 to index
    %get3A_1555 = tpu.vector_load %arg13[%get3A_1553, %get3A_1554] {strides = array<i32>} : memref<32x128xf32, #tpu.memory_space<vmem>>, vector<1x16xf32>,
    %get3A_1556 = vector.shape_cast %get3A_1555 : vector<1x16xf32> to vector<16xf32>
    %slice3A_1557 = vector.extract_strided_slice %get3A_1556 {offsets = [12], sizes = [1], strides = [1]} : vector<16xf32> to vector<1xf32>
    %squeeze3A_1558 = vector.extract %slice3A_1557[0] : f32 from vector<1xf32>
    %broadcast_in_dim3A_1559 = vector.broadcast %squeeze3A_1558 : f32 to vector<16xf32>
    %select_n3A_1560 = arith.select %eq3A_1551, %broadcast_in_dim3A_1559, %select_n3A_1511 : vector<16xi1>, vector<16xf32>
    %get3A_1561 = arith.constant 28 : i32
    %get3A_1562 = arith.index_cast %get3A_1561 : i32 to index
    %get3A_1563 = arith.index_cast %add3A_1548 : i32 to index
    %get3A_1564 = tpu.vector_load %arg14[%get3A_1562, %get3A_1563] {strides = array<i32>} : memref<32x128xf32, #tpu.memory_space<vmem>>, vector<1x16xf32>,
    %get3A_1565 = vector.shape_cast %get3A_1564 : vector<1x16xf32> to vector<16xf32>
    %slice3A_1566 = vector.extract_strided_slice %get3A_1565 {offsets = [12], sizes = [1], strides = [1]} : vector<16xf32> to vector<1xf32>
    %squeeze3A_1567 = vector.extract %slice3A_1566[0] : f32 from vector<1xf32>
    %broadcast_in_dim3A_1568 = vector.broadcast %squeeze3A_1567 : f32 to vector<16xf32>
    %select_n3A_1569 = arith.select %eq3A_1551, %broadcast_in_dim3A_1568, %select_n3A_1520 : vector<16xi1>, vector<16xf32>
    %get3A_1570 = arith.constant 28 : i32
    %get3A_1571 = arith.index_cast %get3A_1570 : i32 to index
    %get3A_1572 = arith.constant 0 : index
    %get3A_1573 = tpu.vector_load %arg15[%get3A_1571, %get3A_1572] {strides = array<i32>} : memref<32x128xf32, #tpu.memory_space<vmem>>, vector<1x16xf32>,
    %get3A_1574 = vector.shape_cast %get3A_1573 : vector<1x16xf32> to vector<16xf32>
    %slice3A_1575 = vector.extract_strided_slice %get3A_1574 {offsets = [0], sizes = [1], strides = [1]} : vector<16xf32> to vector<1xf32>
    %squeeze3A_1576 = vector.extract %slice3A_1575[0] : f32 from vector<1xf32>
    %broadcast_in_dim3A_1577 = vector.broadcast %squeeze3A_1576 : f32 to vector<16xf32>
    %select_n3A_1578 = arith.select %eq3A_1551, %broadcast_in_dim3A_1577, %select_n3A_1529 : vector<16xi1>, vector<16xf32>
    %slice3A_1579 = vector.extract_strided_slice %get3A_1574 {offsets = [1], sizes = [1], strides = [1]} : vector<16xf32> to vector<1xf32>
    %squeeze3A_1580 = vector.extract %slice3A_1579[0] : f32 from vector<1xf32>
    %broadcast_in_dim3A_1581 = vector.broadcast %squeeze3A_1580 : f32 to vector<16xf32>
    %select_n3A_1582 = arith.select %eq3A_1551, %broadcast_in_dim3A_1581, %select_n3A_1533 : vector<16xi1>, vector<16xf32>
    %get3A_1583 = arith.constant 28 : i32
    %get3A_1584 = arith.index_cast %get3A_1583 : i32 to index
    %get3A_1585 = arith.constant 0 : index
    %get3A_1586 = tpu.vector_load %arg16[%get3A_1584, %get3A_1585] {strides = array<i32>} : memref<32x128xf32, #tpu.memory_space<vmem>>, vector<1x16xf32>,
    %get3A_1587 = vector.shape_cast %get3A_1586 : vector<1x16xf32> to vector<16xf32>
    %slice3A_1588 = vector.extract_strided_slice %get3A_1587 {offsets = [0], sizes = [1], strides = [1]} : vector<16xf32> to vector<1xf32>
    %squeeze3A_1589 = vector.extract %slice3A_1588[0] : f32 from vector<1xf32>
    %broadcast_in_dim3A_1590 = vector.broadcast %squeeze3A_1589 : f32 to vector<16xf32>
    %select_n3A_1591 = arith.select %eq3A_1551, %broadcast_in_dim3A_1590, %select_n3A_1542 : vector<16xi1>, vector<16xf32>
    %slice3A_1592 = vector.extract_strided_slice %get3A_1587 {offsets = [1], sizes = [1], strides = [1]} : vector<16xf32> to vector<1xf32>
    %squeeze3A_1593 = vector.extract %slice3A_1592[0] : f32 from vector<1xf32>
    %broadcast_in_dim3A_1594 = vector.broadcast %squeeze3A_1593 : f32 to vector<16xf32>
    %select_n3A_1595 = arith.select %eq3A_1551, %broadcast_in_dim3A_1594, %select_n3A_1546 : vector<16xi1>, vector<16xf32>
    %add3A_1596 = arith.constant 16 : i32
    %add3A_1597 = arith.addi %and3A_71, %add3A_1596 : i32
    %eq3A_1598 = arith.constant 13 : i32
    %eq3A_1599 = vector.broadcast %eq3A_1598 : i32 to vector<16xi32>
    %eq3A_1600 = arith.cmpi eq, %iota3A, %eq3A_1599 : vector<16xi32>
    %get3A_1601 = arith.constant 29 : i32
    %get3A_1602 = arith.index_cast %get3A_1601 : i32 to index
    %get3A_1603 = arith.index_cast %add3A_1597 : i32 to index
    %get3A_1604 = tpu.vector_load %arg13[%get3A_1602, %get3A_1603] {strides = array<i32>} : memref<32x128xf32, #tpu.memory_space<vmem>>, vector<1x16xf32>,
    %get3A_1605 = vector.shape_cast %get3A_1604 : vector<1x16xf32> to vector<16xf32>
    %slice3A_1606 = vector.extract_strided_slice %get3A_1605 {offsets = [13], sizes = [1], strides = [1]} : vector<16xf32> to vector<1xf32>
    %squeeze3A_1607 = vector.extract %slice3A_1606[0] : f32 from vector<1xf32>
    %broadcast_in_dim3A_1608 = vector.broadcast %squeeze3A_1607 : f32 to vector<16xf32>
    %select_n3A_1609 = arith.select %eq3A_1600, %broadcast_in_dim3A_1608, %select_n3A_1560 : vector<16xi1>, vector<16xf32>
    %get3A_1610 = arith.constant 29 : i32
    %get3A_1611 = arith.index_cast %get3A_1610 : i32 to index
    %get3A_1612 = arith.index_cast %add3A_1597 : i32 to index
    %get3A_1613 = tpu.vector_load %arg14[%get3A_1611, %get3A_1612] {strides = array<i32>} : memref<32x128xf32, #tpu.memory_space<vmem>>, vector<1x16xf32>,
    %get3A_1614 = vector.shape_cast %get3A_1613 : vector<1x16xf32> to vector<16xf32>
    %slice3A_1615 = vector.extract_strided_slice %get3A_1614 {offsets = [13], sizes = [1], strides = [1]} : vector<16xf32> to vector<1xf32>
    %squeeze3A_1616 = vector.extract %slice3A_1615[0] : f32 from vector<1xf32>
    %broadcast_in_dim3A_1617 = vector.broadcast %squeeze3A_1616 : f32 to vector<16xf32>
    %select_n3A_1618 = arith.select %eq3A_1600, %broadcast_in_dim3A_1617, %select_n3A_1569 : vector<16xi1>, vector<16xf32>
    %get3A_1619 = arith.constant 29 : i32
    %get3A_1620 = arith.index_cast %get3A_1619 : i32 to index
    %get3A_1621 = arith.constant 0 : index
    %get3A_1622 = tpu.vector_load %arg15[%get3A_1620, %get3A_1621] {strides = array<i32>} : memref<32x128xf32, #tpu.memory_space<vmem>>, vector<1x16xf32>,
    %get3A_1623 = vector.shape_cast %get3A_1622 : vector<1x16xf32> to vector<16xf32>
    %slice3A_1624 = vector.extract_strided_slice %get3A_1623 {offsets = [0], sizes = [1], strides = [1]} : vector<16xf32> to vector<1xf32>
    %squeeze3A_1625 = vector.extract %slice3A_1624[0] : f32 from vector<1xf32>
    %broadcast_in_dim3A_1626 = vector.broadcast %squeeze3A_1625 : f32 to vector<16xf32>
    %select_n3A_1627 = arith.select %eq3A_1600, %broadcast_in_dim3A_1626, %select_n3A_1578 : vector<16xi1>, vector<16xf32>
    %slice3A_1628 = vector.extract_strided_slice %get3A_1623 {offsets = [1], sizes = [1], strides = [1]} : vector<16xf32> to vector<1xf32>
    %squeeze3A_1629 = vector.extract %slice3A_1628[0] : f32 from vector<1xf32>
    %broadcast_in_dim3A_1630 = vector.broadcast %squeeze3A_1629 : f32 to vector<16xf32>
    %select_n3A_1631 = arith.select %eq3A_1600, %broadcast_in_dim3A_1630, %select_n3A_1582 : vector<16xi1>, vector<16xf32>
    %get3A_1632 = arith.constant 29 : i32
    %get3A_1633 = arith.index_cast %get3A_1632 : i32 to index
    %get3A_1634 = arith.constant 0 : index
    %get3A_1635 = tpu.vector_load %arg16[%get3A_1633, %get3A_1634] {strides = array<i32>} : memref<32x128xf32, #tpu.memory_space<vmem>>, vector<1x16xf32>,
    %get3A_1636 = vector.shape_cast %get3A_1635 : vector<1x16xf32> to vector<16xf32>
    %slice3A_1637 = vector.extract_strided_slice %get3A_1636 {offsets = [0], sizes = [1], strides = [1]} : vector<16xf32> to vector<1xf32>
    %squeeze3A_1638 = vector.extract %slice3A_1637[0] : f32 from vector<1xf32>
    %broadcast_in_dim3A_1639 = vector.broadcast %squeeze3A_1638 : f32 to vector<16xf32>
    %select_n3A_1640 = arith.select %eq3A_1600, %broadcast_in_dim3A_1639, %select_n3A_1591 : vector<16xi1>, vector<16xf32>
    %slice3A_1641 = vector.extract_strided_slice %get3A_1636 {offsets = [1], sizes = [1], strides = [1]} : vector<16xf32> to vector<1xf32>
    %squeeze3A_1642 = vector.extract %slice3A_1641[0] : f32 from vector<1xf32>
    %broadcast_in_dim3A_1643 = vector.broadcast %squeeze3A_1642 : f32 to vector<16xf32>
    %select_n3A_1644 = arith.select %eq3A_1600, %broadcast_in_dim3A_1643, %select_n3A_1595 : vector<16xi1>, vector<16xf32>
    %add3A_1645 = arith.constant 16 : i32
    %add3A_1646 = arith.addi %and3A_71, %add3A_1645 : i32
    %eq3A_1647 = arith.constant 14 : i32
    %eq3A_1648 = vector.broadcast %eq3A_1647 : i32 to vector<16xi32>
    %eq3A_1649 = arith.cmpi eq, %iota3A, %eq3A_1648 : vector<16xi32>
    %get3A_1650 = arith.constant 30 : i32
    %get3A_1651 = arith.index_cast %get3A_1650 : i32 to index
    %get3A_1652 = arith.index_cast %add3A_1646 : i32 to index
    %get3A_1653 = tpu.vector_load %arg13[%get3A_1651, %get3A_1652] {strides = array<i32>} : memref<32x128xf32, #tpu.memory_space<vmem>>, vector<1x16xf32>,
    %get3A_1654 = vector.shape_cast %get3A_1653 : vector<1x16xf32> to vector<16xf32>
    %slice3A_1655 = vector.extract_strided_slice %get3A_1654 {offsets = [14], sizes = [1], strides = [1]} : vector<16xf32> to vector<1xf32>
    %squeeze3A_1656 = vector.extract %slice3A_1655[0] : f32 from vector<1xf32>
    %broadcast_in_dim3A_1657 = vector.broadcast %squeeze3A_1656 : f32 to vector<16xf32>
    %select_n3A_1658 = arith.select %eq3A_1649, %broadcast_in_dim3A_1657, %select_n3A_1609 : vector<16xi1>, vector<16xf32>
    %get3A_1659 = arith.constant 30 : i32
    %get3A_1660 = arith.index_cast %get3A_1659 : i32 to index
    %get3A_1661 = arith.index_cast %add3A_1646 : i32 to index
    %get3A_1662 = tpu.vector_load %arg14[%get3A_1660, %get3A_1661] {strides = array<i32>} : memref<32x128xf32, #tpu.memory_space<vmem>>, vector<1x16xf32>,
    %get3A_1663 = vector.shape_cast %get3A_1662 : vector<1x16xf32> to vector<16xf32>
    %slice3A_1664 = vector.extract_strided_slice %get3A_1663 {offsets = [14], sizes = [1], strides = [1]} : vector<16xf32> to vector<1xf32>
    %squeeze3A_1665 = vector.extract %slice3A_1664[0] : f32 from vector<1xf32>
    %broadcast_in_dim3A_1666 = vector.broadcast %squeeze3A_1665 : f32 to vector<16xf32>
    %select_n3A_1667 = arith.select %eq3A_1649, %broadcast_in_dim3A_1666, %select_n3A_1618 : vector<16xi1>, vector<16xf32>
    %get3A_1668 = arith.constant 30 : i32
    %get3A_1669 = arith.index_cast %get3A_1668 : i32 to index
    %get3A_1670 = arith.constant 0 : index
    %get3A_1671 = tpu.vector_load %arg15[%get3A_1669, %get3A_1670] {strides = array<i32>} : memref<32x128xf32, #tpu.memory_space<vmem>>, vector<1x16xf32>,
    %get3A_1672 = vector.shape_cast %get3A_1671 : vector<1x16xf32> to vector<16xf32>
    %slice3A_1673 = vector.extract_strided_slice %get3A_1672 {offsets = [0], sizes = [1], strides = [1]} : vector<16xf32> to vector<1xf32>
    %squeeze3A_1674 = vector.extract %slice3A_1673[0] : f32 from vector<1xf32>
    %broadcast_in_dim3A_1675 = vector.broadcast %squeeze3A_1674 : f32 to vector<16xf32>
    %select_n3A_1676 = arith.select %eq3A_1649, %broadcast_in_dim3A_1675, %select_n3A_1627 : vector<16xi1>, vector<16xf32>
    %slice3A_1677 = vector.extract_strided_slice %get3A_1672 {offsets = [1], sizes = [1], strides = [1]} : vector<16xf32> to vector<1xf32>
    %squeeze3A_1678 = vector.extract %slice3A_1677[0] : f32 from vector<1xf32>
    %broadcast_in_dim3A_1679 = vector.broadcast %squeeze3A_1678 : f32 to vector<16xf32>
    %select_n3A_1680 = arith.select %eq3A_1649, %broadcast_in_dim3A_1679, %select_n3A_1631 : vector<16xi1>, vector<16xf32>
    %get3A_1681 = arith.constant 30 : i32
    %get3A_1682 = arith.index_cast %get3A_1681 : i32 to index
    %get3A_1683 = arith.constant 0 : index
    %get3A_1684 = tpu.vector_load %arg16[%get3A_1682, %get3A_1683] {strides = array<i32>} : memref<32x128xf32, #tpu.memory_space<vmem>>, vector<1x16xf32>,
    %get3A_1685 = vector.shape_cast %get3A_1684 : vector<1x16xf32> to vector<16xf32>
    %slice3A_1686 = vector.extract_strided_slice %get3A_1685 {offsets = [0], sizes = [1], strides = [1]} : vector<16xf32> to vector<1xf32>
    %squeeze3A_1687 = vector.extract %slice3A_1686[0] : f32 from vector<1xf32>
    %broadcast_in_dim3A_1688 = vector.broadcast %squeeze3A_1687 : f32 to vector<16xf32>
    %select_n3A_1689 = arith.select %eq3A_1649, %broadcast_in_dim3A_1688, %select_n3A_1640 : vector<16xi1>, vector<16xf32>
    %slice3A_1690 = vector.extract_strided_slice %get3A_1685 {offsets = [1], sizes = [1], strides = [1]} : vector<16xf32> to vector<1xf32>
    %squeeze3A_1691 = vector.extract %slice3A_1690[0] : f32 from vector<1xf32>
    %broadcast_in_dim3A_1692 = vector.broadcast %squeeze3A_1691 : f32 to vector<16xf32>
    %select_n3A_1693 = arith.select %eq3A_1649, %broadcast_in_dim3A_1692, %select_n3A_1644 : vector<16xi1>, vector<16xf32>
    %add3A_1694 = arith.constant 16 : i32
    %add3A_1695 = arith.addi %and3A_71, %add3A_1694 : i32
    %eq3A_1696 = arith.constant 15 : i32
    %eq3A_1697 = vector.broadcast %eq3A_1696 : i32 to vector<16xi32>
    %eq3A_1698 = arith.cmpi eq, %iota3A, %eq3A_1697 : vector<16xi32>
    %get3A_1699 = arith.constant 31 : i32
    %get3A_1700 = arith.index_cast %get3A_1699 : i32 to index
    %get3A_1701 = arith.index_cast %add3A_1695 : i32 to index
    %get3A_1702 = tpu.vector_load %arg13[%get3A_1700, %get3A_1701] {strides = array<i32>} : memref<32x128xf32, #tpu.memory_space<vmem>>, vector<1x16xf32>,
    %get3A_1703 = vector.shape_cast %get3A_1702 : vector<1x16xf32> to vector<16xf32>
    %slice3A_1704 = vector.extract_strided_slice %get3A_1703 {offsets = [15], sizes = [1], strides = [1]} : vector<16xf32> to vector<1xf32>
    %squeeze3A_1705 = vector.extract %slice3A_1704[0] : f32 from vector<1xf32>
    %broadcast_in_dim3A_1706 = vector.broadcast %squeeze3A_1705 : f32 to vector<16xf32>
    %select_n3A_1707 = arith.select %eq3A_1698, %broadcast_in_dim3A_1706, %select_n3A_1658 : vector<16xi1>, vector<16xf32>
    %get3A_1708 = arith.constant 31 : i32
    %get3A_1709 = arith.index_cast %get3A_1708 : i32 to index
    %get3A_1710 = arith.index_cast %add3A_1695 : i32 to index
    %get3A_1711 = tpu.vector_load %arg14[%get3A_1709, %get3A_1710] {strides = array<i32>} : memref<32x128xf32, #tpu.memory_space<vmem>>, vector<1x16xf32>,
    %get3A_1712 = vector.shape_cast %get3A_1711 : vector<1x16xf32> to vector<16xf32>
    %slice3A_1713 = vector.extract_strided_slice %get3A_1712 {offsets = [15], sizes = [1], strides = [1]} : vector<16xf32> to vector<1xf32>
    %squeeze3A_1714 = vector.extract %slice3A_1713[0] : f32 from vector<1xf32>
    %broadcast_in_dim3A_1715 = vector.broadcast %squeeze3A_1714 : f32 to vector<16xf32>
    %select_n3A_1716 = arith.select %eq3A_1698, %broadcast_in_dim3A_1715, %select_n3A_1667 : vector<16xi1>, vector<16xf32>
    %get3A_1717 = arith.constant 31 : i32
    %get3A_1718 = arith.index_cast %get3A_1717 : i32 to index
    %get3A_1719 = arith.constant 0 : index
    %get3A_1720 = tpu.vector_load %arg15[%get3A_1718, %get3A_1719] {strides = array<i32>} : memref<32x128xf32, #tpu.memory_space<vmem>>, vector<1x16xf32>,
    %get3A_1721 = vector.shape_cast %get3A_1720 : vector<1x16xf32> to vector<16xf32>
    %slice3A_1722 = vector.extract_strided_slice %get3A_1721 {offsets = [0], sizes = [1], strides = [1]} : vector<16xf32> to vector<1xf32>
    %squeeze3A_1723 = vector.extract %slice3A_1722[0] : f32 from vector<1xf32>
    %broadcast_in_dim3A_1724 = vector.broadcast %squeeze3A_1723 : f32 to vector<16xf32>
    %select_n3A_1725 = arith.select %eq3A_1698, %broadcast_in_dim3A_1724, %select_n3A_1676 : vector<16xi1>, vector<16xf32>
    %slice3A_1726 = vector.extract_strided_slice %get3A_1721 {offsets = [1], sizes = [1], strides = [1]} : vector<16xf32> to vector<1xf32>
    %squeeze3A_1727 = vector.extract %slice3A_1726[0] : f32 from vector<1xf32>
    %broadcast_in_dim3A_1728 = vector.broadcast %squeeze3A_1727 : f32 to vector<16xf32>
    %select_n3A_1729 = arith.select %eq3A_1698, %broadcast_in_dim3A_1728, %select_n3A_1680 : vector<16xi1>, vector<16xf32>
    %get3A_1730 = arith.constant 31 : i32
    %get3A_1731 = arith.index_cast %get3A_1730 : i32 to index
    %get3A_1732 = arith.constant 0 : index
    %get3A_1733 = tpu.vector_load %arg16[%get3A_1731, %get3A_1732] {strides = array<i32>} : memref<32x128xf32, #tpu.memory_space<vmem>>, vector<1x16xf32>,
    %get3A_1734 = vector.shape_cast %get3A_1733 : vector<1x16xf32> to vector<16xf32>
    %slice3A_1735 = vector.extract_strided_slice %get3A_1734 {offsets = [0], sizes = [1], strides = [1]} : vector<16xf32> to vector<1xf32>
    %squeeze3A_1736 = vector.extract %slice3A_1735[0] : f32 from vector<1xf32>
    %broadcast_in_dim3A_1737 = vector.broadcast %squeeze3A_1736 : f32 to vector<16xf32>
    %select_n3A_1738 = arith.select %eq3A_1698, %broadcast_in_dim3A_1737, %select_n3A_1689 : vector<16xi1>, vector<16xf32>
    %slice3A_1739 = vector.extract_strided_slice %get3A_1734 {offsets = [1], sizes = [1], strides = [1]} : vector<16xf32> to vector<1xf32>
    %squeeze3A_1740 = vector.extract %slice3A_1739[0] : f32 from vector<1xf32>
    %broadcast_in_dim3A_1741 = vector.broadcast %squeeze3A_1740 : f32 to vector<16xf32>
    %select_n3A_1742 = arith.select %eq3A_1698, %broadcast_in_dim3A_1741, %select_n3A_1693 : vector<16xi1>, vector<16xf32>
    %mul3A_1743 = arith.constant 2.000000e+00 : f32
    %mul3A_1744 = vector.broadcast %mul3A_1743 : f32 to vector<16xf32>
    %mul3A_1745 = arith.mulf %select_n3A_1707, %mul3A_1744 : vector<16xf32>
    %exp3A_1746 = math.exp %mul3A_1745 : vector<16xf32>
    %add3A_1747 = arith.constant 1.000000e+00 : f32
    %add3A_1748 = vector.broadcast %add3A_1747 : f32 to vector<16xf32>
    %add3A_1749 = arith.addf %exp3A_1746, %add3A_1748 : vector<16xf32>
    %div3A_1750 = arith.constant 2.000000e+00 : f32
    %div3A_1751 = vector.broadcast %div3A_1750 : f32 to vector<16xf32>
    %div3A_1752 = arith.divf %div3A_1751, %add3A_1749 : vector<16xf32>
    %sub3A_1753 = arith.constant 1.000000e+00 : f32
    %sub3A_1754 = vector.broadcast %sub3A_1753 : f32 to vector<16xf32>
    %sub3A_1755 = arith.subf %sub3A_1754, %div3A_1752 : vector<16xf32>
    %mul3A_1756 = arith.constant 1.200000e+00 : f32
    %mul3A_1757 = vector.broadcast %mul3A_1756 : f32 to vector<16xf32>
    %mul3A_1758 = arith.mulf %mul3A_1757, %sub3A_1755 : vector<16xf32>
    %mul3A_1759 = arith.constant 2.000000e+00 : f32
    %mul3A_1760 = vector.broadcast %mul3A_1759 : f32 to vector<16xf32>
    %mul3A_1761 = arith.mulf %select_n3A_1716, %mul3A_1760 : vector<16xf32>
    %exp3A_1762 = math.exp %mul3A_1761 : vector<16xf32>
    %add3A_1763 = arith.constant 1.000000e+00 : f32
    %add3A_1764 = vector.broadcast %add3A_1763 : f32 to vector<16xf32>
    %add3A_1765 = arith.addf %exp3A_1762, %add3A_1764 : vector<16xf32>
    %div3A_1766 = arith.constant 2.000000e+00 : f32
    %div3A_1767 = vector.broadcast %div3A_1766 : f32 to vector<16xf32>
    %div3A_1768 = arith.divf %div3A_1767, %add3A_1765 : vector<16xf32>
    %sub3A_1769 = arith.constant 1.000000e+00 : f32
    %sub3A_1770 = vector.broadcast %sub3A_1769 : f32 to vector<16xf32>
    %sub3A_1771 = arith.subf %sub3A_1770, %div3A_1768 : vector<16xf32>
    %mul3A_1772 = arith.constant 1.200000e+00 : f32
    %mul3A_1773 = vector.broadcast %mul3A_1772 : f32 to vector<16xf32>
    %mul3A_1774 = arith.mulf %mul3A_1773, %sub3A_1771 : vector<16xf32>
    %mul3A_1775 = arith.mulf %mul3A_1758, %select_n3A_1738 : vector<16xf32>
    %mul3A_1776 = arith.constant 5.000000e-01 : f32
    %mul3A_1777 = vector.broadcast %mul3A_1776 : f32 to vector<16xf32>
    %mul3A_1778 = arith.mulf %mul3A_1775, %mul3A_1777 : vector<16xf32>
    %add3A_1779 = arith.addf %select_n3A_1725, %mul3A_1778 : vector<16xf32>
    %jit3A_1780 = arith.constant -1.000000e+00 : f32
    %jit3A_1781 = arith.constant 1.000000e+00 : f32
    %max3A_1782 = vector.broadcast %jit3A_1780 : f32 to vector<16xf32>
    %max3A_1783 = arith.maximumf %max3A_1782, %add3A_1779 : vector<16xf32>
    %min3A_1784 = vector.broadcast %jit3A_1781 : f32 to vector<16xf32>
    %min3A_1785 = arith.minimumf %min3A_1784, %max3A_1783 : vector<16xf32>
    %mul3A_1786 = arith.constant 9.000000e+01 : f32
    %mul3A_1787 = vector.broadcast %mul3A_1786 : f32 to vector<16xf32>
    %mul3A_1788 = arith.mulf %min3A_1785, %mul3A_1787 : vector<16xf32>
    %mul3A_1789 = arith.mulf %mul3A_1774, %select_n3A_1742 : vector<16xf32>
    %mul3A_1790 = arith.constant 5.000000e-01 : f32
    %mul3A_1791 = vector.broadcast %mul3A_1790 : f32 to vector<16xf32>
    %mul3A_1792 = arith.mulf %mul3A_1789, %mul3A_1791 : vector<16xf32>
    %add3A_1793 = arith.addf %select_n3A_1729, %mul3A_1792 : vector<16xf32>
    %jit3A_1794 = arith.constant -1.000000e+00 : f32
    %jit3A_1795 = arith.constant 1.000000e+00 : f32
    %max3A_1796 = vector.broadcast %jit3A_1794 : f32 to vector<16xf32>
    %max3A_1797 = arith.maximumf %max3A_1796, %add3A_1793 : vector<16xf32>
    %min3A_1798 = vector.broadcast %jit3A_1795 : f32 to vector<16xf32>
    %min3A_1799 = arith.minimumf %min3A_1798, %max3A_1797 : vector<16xf32>
    %mul3A_1800 = arith.constant 1.800000e+02 : f32
    %mul3A_1801 = vector.broadcast %mul3A_1800 : f32 to vector<16xf32>
    %mul3A_1802 = arith.mulf %min3A_1799, %mul3A_1801 : vector<16xf32>
    %swap3A_1803 = arith.constant 0 : i32
    %swap3A_1804 = arith.index_cast %swap3A_1803 : i32 to index
    %swap3A_1805 = arith.constant 16 : index
    %swap3A_1806 = tpu.vector_load %arg17[%swap3A_1804, %swap3A_1805] {strides = array<i32>} : memref<8x32xf32, #tpu.memory_space<vmem>>, vector<1x16xf32>,
    %swap3A_1807 = vector.shape_cast %swap3A_1806 : vector<1x16xf32> to vector<16xf32>
    %swap3A_1808 = vector.shape_cast %mul3A_1788 : vector<16xf32> to vector<1x16xf32>
    tpu.vector_store %arg17[%swap3A_1804, %swap3A_1805], %swap3A_1808 {strides = array<i32>} : memref<8x32xf32, #tpu.memory_space<vmem>>, vector<1x16xf32>,
    %swap3A_1809 = arith.constant 1 : i32
    %swap3A_1810 = arith.index_cast %swap3A_1809 : i32 to index
    %swap3A_1811 = arith.constant 16 : index
    %swap3A_1812 = tpu.vector_load %arg17[%swap3A_1810, %swap3A_1811] {strides = array<i32>} : memref<8x32xf32, #tpu.memory_space<vmem>>, vector<1x16xf32>,
    %swap3A_1813 = vector.shape_cast %swap3A_1812 : vector<1x16xf32> to vector<16xf32>
    %swap3A_1814 = vector.shape_cast %mul3A_1802 : vector<16xf32> to vector<1x16xf32>
    tpu.vector_store %arg17[%swap3A_1810, %swap3A_1811], %swap3A_1814 {strides = array<i32>} : memref<8x32xf32, #tpu.memory_space<vmem>>, vector<1x16xf32>,
    %div3A_1815 = arith.constant 2.000000e+00 : f32
    %div3A_1816 = vector.broadcast %div3A_1815 : f32 to vector<16xf32>
    %div3A_1817 = arith.divf %div3A_1816, %select_n3A_1738 : vector<16xf32>
    %swap3A_1818 = arith.constant 2 : i32
    %swap3A_1819 = arith.index_cast %swap3A_1818 : i32 to index
    %swap3A_1820 = arith.constant 16 : index
    %swap3A_1821 = tpu.vector_load %arg17[%swap3A_1819, %swap3A_1820] {strides = array<i32>} : memref<8x32xf32, #tpu.memory_space<vmem>>, vector<1x16xf32>,
    %swap3A_1822 = vector.shape_cast %swap3A_1821 : vector<1x16xf32> to vector<16xf32>
    %swap3A_1823 = vector.shape_cast %div3A_1817 : vector<16xf32> to vector<1x16xf32>
    tpu.vector_store %arg17[%swap3A_1819, %swap3A_1820], %swap3A_1823 {strides = array<i32>} : memref<8x32xf32, #tpu.memory_space<vmem>>, vector<1x16xf32>,
    %div3A_1824 = arith.constant 2.000000e+00 : f32
    %div3A_1825 = vector.broadcast %div3A_1824 : f32 to vector<16xf32>
    %div3A_1826 = arith.divf %div3A_1825, %select_n3A_1742 : vector<16xf32>
    %swap3A_1827 = arith.constant 3 : i32
    %swap3A_1828 = arith.index_cast %swap3A_1827 : i32 to index
    %swap3A_1829 = arith.constant 16 : index
    %swap3A_1830 = tpu.vector_load %arg17[%swap3A_1828, %swap3A_1829] {strides = array<i32>} : memref<8x32xf32, #tpu.memory_space<vmem>>, vector<1x16xf32>,
    %swap3A_1831 = vector.shape_cast %swap3A_1830 : vector<1x16xf32> to vector<16xf32>
    %swap3A_1832 = vector.shape_cast %div3A_1826 : vector<16xf32> to vector<1x16xf32>
    tpu.vector_store %arg17[%swap3A_1828, %swap3A_1829], %swap3A_1832 {strides = array<i32>} : memref<8x32xf32, #tpu.memory_space<vmem>>, vector<1x16xf32>,
    %swap3A_1833 = arith.constant 4 : i32
    %swap3A_1834 = arith.index_cast %swap3A_1833 : i32 to index
    %swap3A_1835 = arith.constant 16 : index
    %swap3A_1836 = tpu.vector_load %arg17[%swap3A_1834, %swap3A_1835] {strides = array<i32>} : memref<8x32xf32, #tpu.memory_space<vmem>>, vector<1x16xf32>,
    %swap3A_1837 = vector.shape_cast %swap3A_1836 : vector<1x16xf32> to vector<16xf32>
    %swap3A_1838 = vector.shape_cast %select_n3A_1725 : vector<16xf32> to vector<1x16xf32>
    tpu.vector_store %arg17[%swap3A_1834, %swap3A_1835], %swap3A_1838 {strides = array<i32>} : memref<8x32xf32, #tpu.memory_space<vmem>>, vector<1x16xf32>,
    %swap3A_1839 = arith.constant 5 : i32
    %swap3A_1840 = arith.index_cast %swap3A_1839 : i32 to index
    %swap3A_1841 = arith.constant 16 : index
    %swap3A_1842 = tpu.vector_load %arg17[%swap3A_1840, %swap3A_1841] {strides = array<i32>} : memref<8x32xf32, #tpu.memory_space<vmem>>, vector<1x16xf32>,
    %swap3A_1843 = vector.shape_cast %swap3A_1842 : vector<1x16xf32> to vector<16xf32>
    %swap3A_1844 = vector.shape_cast %select_n3A_1729 : vector<16xf32> to vector<1x16xf32>
    tpu.vector_store %arg17[%swap3A_1840, %swap3A_1841], %swap3A_1844 {strides = array<i32>} : memref<8x32xf32, #tpu.memory_space<vmem>>, vector<1x16xf32>,
    %swap3A_1845 = arith.constant 6 : i32
    %swap3A_1846 = arith.index_cast %swap3A_1845 : i32 to index
    %swap3A_1847 = arith.constant 16 : index
    %swap3A_1848 = tpu.vector_load %arg17[%swap3A_1846, %swap3A_1847] {strides = array<i32>} : memref<8x32xf32, #tpu.memory_space<vmem>>, vector<1x16xf32>,
    %swap3A_1849 = vector.shape_cast %swap3A_1848 : vector<1x16xf32> to vector<16xf32>
    %swap3A_1850 = vector.shape_cast %mul3A_1758 : vector<16xf32> to vector<1x16xf32>
    tpu.vector_store %arg17[%swap3A_1846, %swap3A_1847], %swap3A_1850 {strides = array<i32>} : memref<8x32xf32, #tpu.memory_space<vmem>>, vector<1x16xf32>,
    %swap3A_1851 = arith.constant 7 : i32
    %swap3A_1852 = arith.index_cast %swap3A_1851 : i32 to index
    %swap3A_1853 = arith.constant 16 : index
    %swap3A_1854 = tpu.vector_load %arg17[%swap3A_1852, %swap3A_1853] {strides = array<i32>} : memref<8x32xf32, #tpu.memory_space<vmem>>, vector<1x16xf32>,
    %swap3A_1855 = vector.shape_cast %swap3A_1854 : vector<1x16xf32> to vector<16xf32>
    %swap3A_1856 = vector.shape_cast %mul3A_1774 : vector<16xf32> to vector<1x16xf32>
    tpu.vector_store %arg17[%swap3A_1852, %swap3A_1853], %swap3A_1856 {strides = array<i32>} : memref<8x32xf32, #tpu.memory_space<vmem>>, vector<1x16xf32>,
    %run_scoped3A = arith.constant 0 : i32
    %run_scoped3A_1857 = arith.constant 0 : i32
    "tpu.region"() ({
      %run_scoped3A_1872 = tpu.sem_alloc : memref<!tpu.dma_semaphore, #tpu.memory_space<semaphore_mem>>
      %dma_start3A_1873 = arith.constant 0 : i32
      %dma_start3A_1874 = tpu.memref_slice %arg17[%run_scoped3A, %dma_start3A_1873] : memref<8x32xf32, #tpu.memory_space<vmem>> -> memref<1x32xf32, #tpu.memory_space<vmem>>
      %dma_start3A_1875 = tpu.memref_squeeze %dma_start3A_1874 : memref<1x32xf32, #tpu.memory_space<vmem>> -> memref<32xf32, #tpu.memory_space<vmem>>
      %dma_start3A_1876 = tpu.memref_slice %arg6[%run_scoped3A_1857, %mul3A_2] : memref<2x1024xf32, #tpu.memory_space<hbm>> -> memref<1x32xf32, #tpu.memory_space<hbm>>
      %dma_start3A_1877 = tpu.memref_squeeze %dma_start3A_1876 : memref<1x32xf32, #tpu.memory_space<hbm>> -> memref<32xf32, #tpu.memory_space<hbm>>
      %dma_start3A_1878 = tpu.memref_slice %arg6[%run_scoped3A_1857, %mul3A_2] : memref<2x1024xf32, #tpu.memory_space<hbm>> -> memref<1x32xf32, #tpu.memory_space<hbm>>
      %dma_start3A_1879 = tpu.memref_squeeze %dma_start3A_1878 : memref<1x32xf32, #tpu.memory_space<hbm>> -> memref<32xf32, #tpu.memory_space<hbm>>
      %dma_start3A_1880 = arith.constant 0 : i32
      %dma_start3A_1881 = tpu.memref_slice %arg17[%run_scoped3A, %dma_start3A_1880] : memref<8x32xf32, #tpu.memory_space<vmem>> -> memref<1x32xf32, #tpu.memory_space<vmem>>
      %dma_start3A_1882 = tpu.memref_squeeze %dma_start3A_1881 : memref<1x32xf32, #tpu.memory_space<vmem>> -> memref<32xf32, #tpu.memory_space<vmem>>
      tpu.enqueue_dma source(%dma_start3A_1882 : memref<32xf32, #tpu.memory_space<vmem>>) target(%dma_start3A_1879 : memref<32xf32, #tpu.memory_space<hbm>>) target_semaphore(%run_scoped3A_1872 : memref<!tpu.dma_semaphore, #tpu.memory_space<semaphore_mem>>)
      %dma_wait3A_1883 = arith.constant 0 : i32
      %dma_wait3A_1884 = tpu.memref_slice %arg17[%run_scoped3A, %dma_wait3A_1883] : memref<8x32xf32, #tpu.memory_space<vmem>> -> memref<1x32xf32, #tpu.memory_space<vmem>>
      %dma_wait3A_1885 = tpu.memref_squeeze %dma_wait3A_1884 : memref<1x32xf32, #tpu.memory_space<vmem>> -> memref<32xf32, #tpu.memory_space<vmem>>
      %dma_wait3A_1886 = tpu.memref_slice %arg6[%run_scoped3A_1857, %mul3A_2] : memref<2x1024xf32, #tpu.memory_space<hbm>> -> memref<1x32xf32, #tpu.memory_space<hbm>>
      %dma_wait3A_1887 = tpu.memref_squeeze %dma_wait3A_1886 : memref<1x32xf32, #tpu.memory_space<hbm>> -> memref<32xf32, #tpu.memory_space<hbm>>
      %dma_wait3A_1888 = tpu.memref_slice %arg6[%run_scoped3A_1857, %mul3A_2] : memref<2x1024xf32, #tpu.memory_space<hbm>> -> memref<1x32xf32, #tpu.memory_space<hbm>>
      %dma_wait3A_1889 = tpu.memref_squeeze %dma_wait3A_1888 : memref<1x32xf32, #tpu.memory_space<hbm>> -> memref<32xf32, #tpu.memory_space<hbm>>
      %dma_wait3A_1890 = arith.constant 0 : i32
      %dma_wait3A_1891 = tpu.memref_slice %arg17[%run_scoped3A, %dma_wait3A_1890] : memref<8x32xf32, #tpu.memory_space<vmem>> -> memref<1x32xf32, #tpu.memory_space<vmem>>
      %dma_wait3A_1892 = tpu.memref_squeeze %dma_wait3A_1891 : memref<1x32xf32, #tpu.memory_space<vmem>> -> memref<32xf32, #tpu.memory_space<vmem>>
      tpu.wait_dma2 semaphore(%run_scoped3A_1872 : memref<!tpu.dma_semaphore, #tpu.memory_space<semaphore_mem>>) src(%dma_wait3A_1892 : memref<32xf32, #tpu.memory_space<vmem>>) dst(%dma_wait3A_1889 : memref<32xf32, #tpu.memory_space<hbm>>)
      tpu.yield
    }) : () -> ()
    %run_scoped3A_1858 = arith.constant 1 : i32
    %run_scoped3A_1859 = arith.constant 1 : i32
    "tpu.region"() ({
      %run_scoped3A_1872 = tpu.sem_alloc : memref<!tpu.dma_semaphore, #tpu.memory_space<semaphore_mem>>
      %dma_start3A_1873 = arith.constant 0 : i32
      %dma_start3A_1874 = tpu.memref_slice %arg17[%run_scoped3A_1858, %dma_start3A_1873] : memref<8x32xf32, #tpu.memory_space<vmem>> -> memref<1x32xf32, #tpu.memory_space<vmem>>
      %dma_start3A_1875 = tpu.memref_squeeze %dma_start3A_1874 : memref<1x32xf32, #tpu.memory_space<vmem>> -> memref<32xf32, #tpu.memory_space<vmem>>
      %dma_start3A_1876 = tpu.memref_slice %arg6[%run_scoped3A_1859, %mul3A_2] : memref<2x1024xf32, #tpu.memory_space<hbm>> -> memref<1x32xf32, #tpu.memory_space<hbm>>
      %dma_start3A_1877 = tpu.memref_squeeze %dma_start3A_1876 : memref<1x32xf32, #tpu.memory_space<hbm>> -> memref<32xf32, #tpu.memory_space<hbm>>
      %dma_start3A_1878 = tpu.memref_slice %arg6[%run_scoped3A_1859, %mul3A_2] : memref<2x1024xf32, #tpu.memory_space<hbm>> -> memref<1x32xf32, #tpu.memory_space<hbm>>
      %dma_start3A_1879 = tpu.memref_squeeze %dma_start3A_1878 : memref<1x32xf32, #tpu.memory_space<hbm>> -> memref<32xf32, #tpu.memory_space<hbm>>
      %dma_start3A_1880 = arith.constant 0 : i32
      %dma_start3A_1881 = tpu.memref_slice %arg17[%run_scoped3A_1858, %dma_start3A_1880] : memref<8x32xf32, #tpu.memory_space<vmem>> -> memref<1x32xf32, #tpu.memory_space<vmem>>
      %dma_start3A_1882 = tpu.memref_squeeze %dma_start3A_1881 : memref<1x32xf32, #tpu.memory_space<vmem>> -> memref<32xf32, #tpu.memory_space<vmem>>
      tpu.enqueue_dma source(%dma_start3A_1882 : memref<32xf32, #tpu.memory_space<vmem>>) target(%dma_start3A_1879 : memref<32xf32, #tpu.memory_space<hbm>>) target_semaphore(%run_scoped3A_1872 : memref<!tpu.dma_semaphore, #tpu.memory_space<semaphore_mem>>)
      %dma_wait3A_1883 = arith.constant 0 : i32
      %dma_wait3A_1884 = tpu.memref_slice %arg17[%run_scoped3A_1858, %dma_wait3A_1883] : memref<8x32xf32, #tpu.memory_space<vmem>> -> memref<1x32xf32, #tpu.memory_space<vmem>>
      %dma_wait3A_1885 = tpu.memref_squeeze %dma_wait3A_1884 : memref<1x32xf32, #tpu.memory_space<vmem>> -> memref<32xf32, #tpu.memory_space<vmem>>
      %dma_wait3A_1886 = tpu.memref_slice %arg6[%run_scoped3A_1859, %mul3A_2] : memref<2x1024xf32, #tpu.memory_space<hbm>> -> memref<1x32xf32, #tpu.memory_space<hbm>>
      %dma_wait3A_1887 = tpu.memref_squeeze %dma_wait3A_1886 : memref<1x32xf32, #tpu.memory_space<hbm>> -> memref<32xf32, #tpu.memory_space<hbm>>
      %dma_wait3A_1888 = tpu.memref_slice %arg6[%run_scoped3A_1859, %mul3A_2] : memref<2x1024xf32, #tpu.memory_space<hbm>> -> memref<1x32xf32, #tpu.memory_space<hbm>>
      %dma_wait3A_1889 = tpu.memref_squeeze %dma_wait3A_1888 : memref<1x32xf32, #tpu.memory_space<hbm>> -> memref<32xf32, #tpu.memory_space<hbm>>
      %dma_wait3A_1890 = arith.constant 0 : i32
      %dma_wait3A_1891 = tpu.memref_slice %arg17[%run_scoped3A_1858, %dma_wait3A_1890] : memref<8x32xf32, #tpu.memory_space<vmem>> -> memref<1x32xf32, #tpu.memory_space<vmem>>
      %dma_wait3A_1892 = tpu.memref_squeeze %dma_wait3A_1891 : memref<1x32xf32, #tpu.memory_space<vmem>> -> memref<32xf32, #tpu.memory_space<vmem>>
      tpu.wait_dma2 semaphore(%run_scoped3A_1872 : memref<!tpu.dma_semaphore, #tpu.memory_space<semaphore_mem>>) src(%dma_wait3A_1892 : memref<32xf32, #tpu.memory_space<vmem>>) dst(%dma_wait3A_1889 : memref<32xf32, #tpu.memory_space<hbm>>)
      tpu.yield
    }) : () -> ()
    %run_scoped3A_1860 = arith.constant 2 : i32
    %run_scoped3A_1861 = arith.constant 0 : i32
    "tpu.region"() ({
      %run_scoped3A_1872 = tpu.sem_alloc : memref<!tpu.dma_semaphore, #tpu.memory_space<semaphore_mem>>
      %dma_start3A_1873 = arith.constant 0 : i32
      %dma_start3A_1874 = tpu.memref_slice %arg17[%run_scoped3A_1860, %dma_start3A_1873] : memref<8x32xf32, #tpu.memory_space<vmem>> -> memref<1x32xf32, #tpu.memory_space<vmem>>
      %dma_start3A_1875 = tpu.memref_squeeze %dma_start3A_1874 : memref<1x32xf32, #tpu.memory_space<vmem>> -> memref<32xf32, #tpu.memory_space<vmem>>
      %dma_start3A_1876 = tpu.memref_slice %arg7[%run_scoped3A_1861, %mul3A_2] : memref<2x1024xf32, #tpu.memory_space<hbm>> -> memref<1x32xf32, #tpu.memory_space<hbm>>
      %dma_start3A_1877 = tpu.memref_squeeze %dma_start3A_1876 : memref<1x32xf32, #tpu.memory_space<hbm>> -> memref<32xf32, #tpu.memory_space<hbm>>
      %dma_start3A_1878 = tpu.memref_slice %arg7[%run_scoped3A_1861, %mul3A_2] : memref<2x1024xf32, #tpu.memory_space<hbm>> -> memref<1x32xf32, #tpu.memory_space<hbm>>
      %dma_start3A_1879 = tpu.memref_squeeze %dma_start3A_1878 : memref<1x32xf32, #tpu.memory_space<hbm>> -> memref<32xf32, #tpu.memory_space<hbm>>
      %dma_start3A_1880 = arith.constant 0 : i32
      %dma_start3A_1881 = tpu.memref_slice %arg17[%run_scoped3A_1860, %dma_start3A_1880] : memref<8x32xf32, #tpu.memory_space<vmem>> -> memref<1x32xf32, #tpu.memory_space<vmem>>
      %dma_start3A_1882 = tpu.memref_squeeze %dma_start3A_1881 : memref<1x32xf32, #tpu.memory_space<vmem>> -> memref<32xf32, #tpu.memory_space<vmem>>
      tpu.enqueue_dma source(%dma_start3A_1882 : memref<32xf32, #tpu.memory_space<vmem>>) target(%dma_start3A_1879 : memref<32xf32, #tpu.memory_space<hbm>>) target_semaphore(%run_scoped3A_1872 : memref<!tpu.dma_semaphore, #tpu.memory_space<semaphore_mem>>)
      %dma_wait3A_1883 = arith.constant 0 : i32
      %dma_wait3A_1884 = tpu.memref_slice %arg17[%run_scoped3A_1860, %dma_wait3A_1883] : memref<8x32xf32, #tpu.memory_space<vmem>> -> memref<1x32xf32, #tpu.memory_space<vmem>>
      %dma_wait3A_1885 = tpu.memref_squeeze %dma_wait3A_1884 : memref<1x32xf32, #tpu.memory_space<vmem>> -> memref<32xf32, #tpu.memory_space<vmem>>
      %dma_wait3A_1886 = tpu.memref_slice %arg7[%run_scoped3A_1861, %mul3A_2] : memref<2x1024xf32, #tpu.memory_space<hbm>> -> memref<1x32xf32, #tpu.memory_space<hbm>>
      %dma_wait3A_1887 = tpu.memref_squeeze %dma_wait3A_1886 : memref<1x32xf32, #tpu.memory_space<hbm>> -> memref<32xf32, #tpu.memory_space<hbm>>
      %dma_wait3A_1888 = tpu.memref_slice %arg7[%run_scoped3A_1861, %mul3A_2] : memref<2x1024xf32, #tpu.memory_space<hbm>> -> memref<1x32xf32, #tpu.memory_space<hbm>>
      %dma_wait3A_1889 = tpu.memref_squeeze %dma_wait3A_1888 : memref<1x32xf32, #tpu.memory_space<hbm>> -> memref<32xf32, #tpu.memory_space<hbm>>
      %dma_wait3A_1890 = arith.constant 0 : i32
      %dma_wait3A_1891 = tpu.memref_slice %arg17[%run_scoped3A_1860, %dma_wait3A_1890] : memref<8x32xf32, #tpu.memory_space<vmem>> -> memref<1x32xf32, #tpu.memory_space<vmem>>
      %dma_wait3A_1892 = tpu.memref_squeeze %dma_wait3A_1891 : memref<1x32xf32, #tpu.memory_space<vmem>> -> memref<32xf32, #tpu.memory_space<vmem>>
      tpu.wait_dma2 semaphore(%run_scoped3A_1872 : memref<!tpu.dma_semaphore, #tpu.memory_space<semaphore_mem>>) src(%dma_wait3A_1892 : memref<32xf32, #tpu.memory_space<vmem>>) dst(%dma_wait3A_1889 : memref<32xf32, #tpu.memory_space<hbm>>)
      tpu.yield
    }) : () -> ()
    %run_scoped3A_1862 = arith.constant 3 : i32
    %run_scoped3A_1863 = arith.constant 1 : i32
    "tpu.region"() ({
      %run_scoped3A_1872 = tpu.sem_alloc : memref<!tpu.dma_semaphore, #tpu.memory_space<semaphore_mem>>
      %dma_start3A_1873 = arith.constant 0 : i32
      %dma_start3A_1874 = tpu.memref_slice %arg17[%run_scoped3A_1862, %dma_start3A_1873] : memref<8x32xf32, #tpu.memory_space<vmem>> -> memref<1x32xf32, #tpu.memory_space<vmem>>
      %dma_start3A_1875 = tpu.memref_squeeze %dma_start3A_1874 : memref<1x32xf32, #tpu.memory_space<vmem>> -> memref<32xf32, #tpu.memory_space<vmem>>
      %dma_start3A_1876 = tpu.memref_slice %arg7[%run_scoped3A_1863, %mul3A_2] : memref<2x1024xf32, #tpu.memory_space<hbm>> -> memref<1x32xf32, #tpu.memory_space<hbm>>
      %dma_start3A_1877 = tpu.memref_squeeze %dma_start3A_1876 : memref<1x32xf32, #tpu.memory_space<hbm>> -> memref<32xf32, #tpu.memory_space<hbm>>
      %dma_start3A_1878 = tpu.memref_slice %arg7[%run_scoped3A_1863, %mul3A_2] : memref<2x1024xf32, #tpu.memory_space<hbm>> -> memref<1x32xf32, #tpu.memory_space<hbm>>
      %dma_start3A_1879 = tpu.memref_squeeze %dma_start3A_1878 : memref<1x32xf32, #tpu.memory_space<hbm>> -> memref<32xf32, #tpu.memory_space<hbm>>
      %dma_start3A_1880 = arith.constant 0 : i32
      %dma_start3A_1881 = tpu.memref_slice %arg17[%run_scoped3A_1862, %dma_start3A_1880] : memref<8x32xf32, #tpu.memory_space<vmem>> -> memref<1x32xf32, #tpu.memory_space<vmem>>
      %dma_start3A_1882 = tpu.memref_squeeze %dma_start3A_1881 : memref<1x32xf32, #tpu.memory_space<vmem>> -> memref<32xf32, #tpu.memory_space<vmem>>
      tpu.enqueue_dma source(%dma_start3A_1882 : memref<32xf32, #tpu.memory_space<vmem>>) target(%dma_start3A_1879 : memref<32xf32, #tpu.memory_space<hbm>>) target_semaphore(%run_scoped3A_1872 : memref<!tpu.dma_semaphore, #tpu.memory_space<semaphore_mem>>)
      %dma_wait3A_1883 = arith.constant 0 : i32
      %dma_wait3A_1884 = tpu.memref_slice %arg17[%run_scoped3A_1862, %dma_wait3A_1883] : memref<8x32xf32, #tpu.memory_space<vmem>> -> memref<1x32xf32, #tpu.memory_space<vmem>>
      %dma_wait3A_1885 = tpu.memref_squeeze %dma_wait3A_1884 : memref<1x32xf32, #tpu.memory_space<vmem>> -> memref<32xf32, #tpu.memory_space<vmem>>
      %dma_wait3A_1886 = tpu.memref_slice %arg7[%run_scoped3A_1863, %mul3A_2] : memref<2x1024xf32, #tpu.memory_space<hbm>> -> memref<1x32xf32, #tpu.memory_space<hbm>>
      %dma_wait3A_1887 = tpu.memref_squeeze %dma_wait3A_1886 : memref<1x32xf32, #tpu.memory_space<hbm>> -> memref<32xf32, #tpu.memory_space<hbm>>
      %dma_wait3A_1888 = tpu.memref_slice %arg7[%run_scoped3A_1863, %mul3A_2] : memref<2x1024xf32, #tpu.memory_space<hbm>> -> memref<1x32xf32, #tpu.memory_space<hbm>>
      %dma_wait3A_1889 = tpu.memref_squeeze %dma_wait3A_1888 : memref<1x32xf32, #tpu.memory_space<hbm>> -> memref<32xf32, #tpu.memory_space<hbm>>
      %dma_wait3A_1890 = arith.constant 0 : i32
      %dma_wait3A_1891 = tpu.memref_slice %arg17[%run_scoped3A_1862, %dma_wait3A_1890] : memref<8x32xf32, #tpu.memory_space<vmem>> -> memref<1x32xf32, #tpu.memory_space<vmem>>
      %dma_wait3A_1892 = tpu.memref_squeeze %dma_wait3A_1891 : memref<1x32xf32, #tpu.memory_space<vmem>> -> memref<32xf32, #tpu.memory_space<vmem>>
      tpu.wait_dma2 semaphore(%run_scoped3A_1872 : memref<!tpu.dma_semaphore, #tpu.memory_space<semaphore_mem>>) src(%dma_wait3A_1892 : memref<32xf32, #tpu.memory_space<vmem>>) dst(%dma_wait3A_1889 : memref<32xf32, #tpu.memory_space<hbm>>)
      tpu.yield
    }) : () -> ()
    %run_scoped3A_1864 = arith.constant 4 : i32
    %run_scoped3A_1865 = arith.constant 0 : i32
    "tpu.region"() ({
      %run_scoped3A_1872 = tpu.sem_alloc : memref<!tpu.dma_semaphore, #tpu.memory_space<semaphore_mem>>
      %dma_start3A_1873 = arith.constant 0 : i32
      %dma_start3A_1874 = tpu.memref_slice %arg17[%run_scoped3A_1864, %dma_start3A_1873] : memref<8x32xf32, #tpu.memory_space<vmem>> -> memref<1x32xf32, #tpu.memory_space<vmem>>
      %dma_start3A_1875 = tpu.memref_squeeze %dma_start3A_1874 : memref<1x32xf32, #tpu.memory_space<vmem>> -> memref<32xf32, #tpu.memory_space<vmem>>
      %dma_start3A_1876 = tpu.memref_slice %arg8[%run_scoped3A_1865, %mul3A_2] : memref<2x1024xf32, #tpu.memory_space<hbm>> -> memref<1x32xf32, #tpu.memory_space<hbm>>
      %dma_start3A_1877 = tpu.memref_squeeze %dma_start3A_1876 : memref<1x32xf32, #tpu.memory_space<hbm>> -> memref<32xf32, #tpu.memory_space<hbm>>
      %dma_start3A_1878 = tpu.memref_slice %arg8[%run_scoped3A_1865, %mul3A_2] : memref<2x1024xf32, #tpu.memory_space<hbm>> -> memref<1x32xf32, #tpu.memory_space<hbm>>
      %dma_start3A_1879 = tpu.memref_squeeze %dma_start3A_1878 : memref<1x32xf32, #tpu.memory_space<hbm>> -> memref<32xf32, #tpu.memory_space<hbm>>
      %dma_start3A_1880 = arith.constant 0 : i32
      %dma_start3A_1881 = tpu.memref_slice %arg17[%run_scoped3A_1864, %dma_start3A_1880] : memref<8x32xf32, #tpu.memory_space<vmem>> -> memref<1x32xf32, #tpu.memory_space<vmem>>
      %dma_start3A_1882 = tpu.memref_squeeze %dma_start3A_1881 : memref<1x32xf32, #tpu.memory_space<vmem>> -> memref<32xf32, #tpu.memory_space<vmem>>
      tpu.enqueue_dma source(%dma_start3A_1882 : memref<32xf32, #tpu.memory_space<vmem>>) target(%dma_start3A_1879 : memref<32xf32, #tpu.memory_space<hbm>>) target_semaphore(%run_scoped3A_1872 : memref<!tpu.dma_semaphore, #tpu.memory_space<semaphore_mem>>)
      %dma_wait3A_1883 = arith.constant 0 : i32
      %dma_wait3A_1884 = tpu.memref_slice %arg17[%run_scoped3A_1864, %dma_wait3A_1883] : memref<8x32xf32, #tpu.memory_space<vmem>> -> memref<1x32xf32, #tpu.memory_space<vmem>>
      %dma_wait3A_1885 = tpu.memref_squeeze %dma_wait3A_1884 : memref<1x32xf32, #tpu.memory_space<vmem>> -> memref<32xf32, #tpu.memory_space<vmem>>
      %dma_wait3A_1886 = tpu.memref_slice %arg8[%run_scoped3A_1865, %mul3A_2] : memref<2x1024xf32, #tpu.memory_space<hbm>> -> memref<1x32xf32, #tpu.memory_space<hbm>>
      %dma_wait3A_1887 = tpu.memref_squeeze %dma_wait3A_1886 : memref<1x32xf32, #tpu.memory_space<hbm>> -> memref<32xf32, #tpu.memory_space<hbm>>
      %dma_wait3A_1888 = tpu.memref_slice %arg8[%run_scoped3A_1865, %mul3A_2] : memref<2x1024xf32, #tpu.memory_space<hbm>> -> memref<1x32xf32, #tpu.memory_space<hbm>>
      %dma_wait3A_1889 = tpu.memref_squeeze %dma_wait3A_1888 : memref<1x32xf32, #tpu.memory_space<hbm>> -> memref<32xf32, #tpu.memory_space<hbm>>
      %dma_wait3A_1890 = arith.constant 0 : i32
      %dma_wait3A_1891 = tpu.memref_slice %arg17[%run_scoped3A_1864, %dma_wait3A_1890] : memref<8x32xf32, #tpu.memory_space<vmem>> -> memref<1x32xf32, #tpu.memory_space<vmem>>
      %dma_wait3A_1892 = tpu.memref_squeeze %dma_wait3A_1891 : memref<1x32xf32, #tpu.memory_space<vmem>> -> memref<32xf32, #tpu.memory_space<vmem>>
      tpu.wait_dma2 semaphore(%run_scoped3A_1872 : memref<!tpu.dma_semaphore, #tpu.memory_space<semaphore_mem>>) src(%dma_wait3A_1892 : memref<32xf32, #tpu.memory_space<vmem>>) dst(%dma_wait3A_1889 : memref<32xf32, #tpu.memory_space<hbm>>)
      tpu.yield
    }) : () -> ()
    %run_scoped3A_1866 = arith.constant 5 : i32
    %run_scoped3A_1867 = arith.constant 1 : i32
    "tpu.region"() ({
      %run_scoped3A_1872 = tpu.sem_alloc : memref<!tpu.dma_semaphore, #tpu.memory_space<semaphore_mem>>
      %dma_start3A_1873 = arith.constant 0 : i32
      %dma_start3A_1874 = tpu.memref_slice %arg17[%run_scoped3A_1866, %dma_start3A_1873] : memref<8x32xf32, #tpu.memory_space<vmem>> -> memref<1x32xf32, #tpu.memory_space<vmem>>
      %dma_start3A_1875 = tpu.memref_squeeze %dma_start3A_1874 : memref<1x32xf32, #tpu.memory_space<vmem>> -> memref<32xf32, #tpu.memory_space<vmem>>
      %dma_start3A_1876 = tpu.memref_slice %arg8[%run_scoped3A_1867, %mul3A_2] : memref<2x1024xf32, #tpu.memory_space<hbm>> -> memref<1x32xf32, #tpu.memory_space<hbm>>
      %dma_start3A_1877 = tpu.memref_squeeze %dma_start3A_1876 : memref<1x32xf32, #tpu.memory_space<hbm>> -> memref<32xf32, #tpu.memory_space<hbm>>
      %dma_start3A_1878 = tpu.memref_slice %arg8[%run_scoped3A_1867, %mul3A_2] : memref<2x1024xf32, #tpu.memory_space<hbm>> -> memref<1x32xf32, #tpu.memory_space<hbm>>
      %dma_start3A_1879 = tpu.memref_squeeze %dma_start3A_1878 : memref<1x32xf32, #tpu.memory_space<hbm>> -> memref<32xf32, #tpu.memory_space<hbm>>
      %dma_start3A_1880 = arith.constant 0 : i32
      %dma_start3A_1881 = tpu.memref_slice %arg17[%run_scoped3A_1866, %dma_start3A_1880] : memref<8x32xf32, #tpu.memory_space<vmem>> -> memref<1x32xf32, #tpu.memory_space<vmem>>
      %dma_start3A_1882 = tpu.memref_squeeze %dma_start3A_1881 : memref<1x32xf32, #tpu.memory_space<vmem>> -> memref<32xf32, #tpu.memory_space<vmem>>
      tpu.enqueue_dma source(%dma_start3A_1882 : memref<32xf32, #tpu.memory_space<vmem>>) target(%dma_start3A_1879 : memref<32xf32, #tpu.memory_space<hbm>>) target_semaphore(%run_scoped3A_1872 : memref<!tpu.dma_semaphore, #tpu.memory_space<semaphore_mem>>)
      %dma_wait3A_1883 = arith.constant 0 : i32
      %dma_wait3A_1884 = tpu.memref_slice %arg17[%run_scoped3A_1866, %dma_wait3A_1883] : memref<8x32xf32, #tpu.memory_space<vmem>> -> memref<1x32xf32, #tpu.memory_space<vmem>>
      %dma_wait3A_1885 = tpu.memref_squeeze %dma_wait3A_1884 : memref<1x32xf32, #tpu.memory_space<vmem>> -> memref<32xf32, #tpu.memory_space<vmem>>
      %dma_wait3A_1886 = tpu.memref_slice %arg8[%run_scoped3A_1867, %mul3A_2] : memref<2x1024xf32, #tpu.memory_space<hbm>> -> memref<1x32xf32, #tpu.memory_space<hbm>>
      %dma_wait3A_1887 = tpu.memref_squeeze %dma_wait3A_1886 : memref<1x32xf32, #tpu.memory_space<hbm>> -> memref<32xf32, #tpu.memory_space<hbm>>
      %dma_wait3A_1888 = tpu.memref_slice %arg8[%run_scoped3A_1867, %mul3A_2] : memref<2x1024xf32, #tpu.memory_space<hbm>> -> memref<1x32xf32, #tpu.memory_space<hbm>>
      %dma_wait3A_1889 = tpu.memref_squeeze %dma_wait3A_1888 : memref<1x32xf32, #tpu.memory_space<hbm>> -> memref<32xf32, #tpu.memory_space<hbm>>
      %dma_wait3A_1890 = arith.constant 0 : i32
      %dma_wait3A_1891 = tpu.memref_slice %arg17[%run_scoped3A_1866, %dma_wait3A_1890] : memref<8x32xf32, #tpu.memory_space<vmem>> -> memref<1x32xf32, #tpu.memory_space<vmem>>
      %dma_wait3A_1892 = tpu.memref_squeeze %dma_wait3A_1891 : memref<1x32xf32, #tpu.memory_space<vmem>> -> memref<32xf32, #tpu.memory_space<vmem>>
      tpu.wait_dma2 semaphore(%run_scoped3A_1872 : memref<!tpu.dma_semaphore, #tpu.memory_space<semaphore_mem>>) src(%dma_wait3A_1892 : memref<32xf32, #tpu.memory_space<vmem>>) dst(%dma_wait3A_1889 : memref<32xf32, #tpu.memory_space<hbm>>)
      tpu.yield
    }) : () -> ()
    %run_scoped3A_1868 = arith.constant 6 : i32
    %run_scoped3A_1869 = arith.constant 0 : i32
    "tpu.region"() ({
      %run_scoped3A_1872 = tpu.sem_alloc : memref<!tpu.dma_semaphore, #tpu.memory_space<semaphore_mem>>
      %dma_start3A_1873 = arith.constant 0 : i32
      %dma_start3A_1874 = tpu.memref_slice %arg17[%run_scoped3A_1868, %dma_start3A_1873] : memref<8x32xf32, #tpu.memory_space<vmem>> -> memref<1x32xf32, #tpu.memory_space<vmem>>
      %dma_start3A_1875 = tpu.memref_squeeze %dma_start3A_1874 : memref<1x32xf32, #tpu.memory_space<vmem>> -> memref<32xf32, #tpu.memory_space<vmem>>
      %dma_start3A_1876 = tpu.memref_slice %arg9[%run_scoped3A_1869, %mul3A_2] : memref<2x1024xf32, #tpu.memory_space<hbm>> -> memref<1x32xf32, #tpu.memory_space<hbm>>
      %dma_start3A_1877 = tpu.memref_squeeze %dma_start3A_1876 : memref<1x32xf32, #tpu.memory_space<hbm>> -> memref<32xf32, #tpu.memory_space<hbm>>
      %dma_start3A_1878 = tpu.memref_slice %arg9[%run_scoped3A_1869, %mul3A_2] : memref<2x1024xf32, #tpu.memory_space<hbm>> -> memref<1x32xf32, #tpu.memory_space<hbm>>
      %dma_start3A_1879 = tpu.memref_squeeze %dma_start3A_1878 : memref<1x32xf32, #tpu.memory_space<hbm>> -> memref<32xf32, #tpu.memory_space<hbm>>
      %dma_start3A_1880 = arith.constant 0 : i32
      %dma_start3A_1881 = tpu.memref_slice %arg17[%run_scoped3A_1868, %dma_start3A_1880] : memref<8x32xf32, #tpu.memory_space<vmem>> -> memref<1x32xf32, #tpu.memory_space<vmem>>
      %dma_start3A_1882 = tpu.memref_squeeze %dma_start3A_1881 : memref<1x32xf32, #tpu.memory_space<vmem>> -> memref<32xf32, #tpu.memory_space<vmem>>
      tpu.enqueue_dma source(%dma_start3A_1882 : memref<32xf32, #tpu.memory_space<vmem>>) target(%dma_start3A_1879 : memref<32xf32, #tpu.memory_space<hbm>>) target_semaphore(%run_scoped3A_1872 : memref<!tpu.dma_semaphore, #tpu.memory_space<semaphore_mem>>)
      %dma_wait3A_1883 = arith.constant 0 : i32
      %dma_wait3A_1884 = tpu.memref_slice %arg17[%run_scoped3A_1868, %dma_wait3A_1883] : memref<8x32xf32, #tpu.memory_space<vmem>> -> memref<1x32xf32, #tpu.memory_space<vmem>>
      %dma_wait3A_1885 = tpu.memref_squeeze %dma_wait3A_1884 : memref<1x32xf32, #tpu.memory_space<vmem>> -> memref<32xf32, #tpu.memory_space<vmem>>
      %dma_wait3A_1886 = tpu.memref_slice %arg9[%run_scoped3A_1869, %mul3A_2] : memref<2x1024xf32, #tpu.memory_space<hbm>> -> memref<1x32xf32, #tpu.memory_space<hbm>>
      %dma_wait3A_1887 = tpu.memref_squeeze %dma_wait3A_1886 : memref<1x32xf32, #tpu.memory_space<hbm>> -> memref<32xf32, #tpu.memory_space<hbm>>
      %dma_wait3A_1888 = tpu.memref_slice %arg9[%run_scoped3A_1869, %mul3A_2] : memref<2x1024xf32, #tpu.memory_space<hbm>> -> memref<1x32xf32, #tpu.memory_space<hbm>>
      %dma_wait3A_1889 = tpu.memref_squeeze %dma_wait3A_1888 : memref<1x32xf32, #tpu.memory_space<hbm>> -> memref<32xf32, #tpu.memory_space<hbm>>
      %dma_wait3A_1890 = arith.constant 0 : i32
      %dma_wait3A_1891 = tpu.memref_slice %arg17[%run_scoped3A_1868, %dma_wait3A_1890] : memref<8x32xf32, #tpu.memory_space<vmem>> -> memref<1x32xf32, #tpu.memory_space<vmem>>
      %dma_wait3A_1892 = tpu.memref_squeeze %dma_wait3A_1891 : memref<1x32xf32, #tpu.memory_space<vmem>> -> memref<32xf32, #tpu.memory_space<vmem>>
      tpu.wait_dma2 semaphore(%run_scoped3A_1872 : memref<!tpu.dma_semaphore, #tpu.memory_space<semaphore_mem>>) src(%dma_wait3A_1892 : memref<32xf32, #tpu.memory_space<vmem>>) dst(%dma_wait3A_1889 : memref<32xf32, #tpu.memory_space<hbm>>)
      tpu.yield
    }) : () -> ()
    %run_scoped3A_1870 = arith.constant 7 : i32
    %run_scoped3A_1871 = arith.constant 1 : i32
    "tpu.region"() ({
      %run_scoped3A_1872 = tpu.sem_alloc : memref<!tpu.dma_semaphore, #tpu.memory_space<semaphore_mem>>
      %dma_start3A_1873 = arith.constant 0 : i32
      %dma_start3A_1874 = tpu.memref_slice %arg17[%run_scoped3A_1870, %dma_start3A_1873] : memref<8x32xf32, #tpu.memory_space<vmem>> -> memref<1x32xf32, #tpu.memory_space<vmem>>
      %dma_start3A_1875 = tpu.memref_squeeze %dma_start3A_1874 : memref<1x32xf32, #tpu.memory_space<vmem>> -> memref<32xf32, #tpu.memory_space<vmem>>
      %dma_start3A_1876 = tpu.memref_slice %arg9[%run_scoped3A_1871, %mul3A_2] : memref<2x1024xf32, #tpu.memory_space<hbm>> -> memref<1x32xf32, #tpu.memory_space<hbm>>
      %dma_start3A_1877 = tpu.memref_squeeze %dma_start3A_1876 : memref<1x32xf32, #tpu.memory_space<hbm>> -> memref<32xf32, #tpu.memory_space<hbm>>
      %dma_start3A_1878 = tpu.memref_slice %arg9[%run_scoped3A_1871, %mul3A_2] : memref<2x1024xf32, #tpu.memory_space<hbm>> -> memref<1x32xf32, #tpu.memory_space<hbm>>
      %dma_start3A_1879 = tpu.memref_squeeze %dma_start3A_1878 : memref<1x32xf32, #tpu.memory_space<hbm>> -> memref<32xf32, #tpu.memory_space<hbm>>
      %dma_start3A_1880 = arith.constant 0 : i32
      %dma_start3A_1881 = tpu.memref_slice %arg17[%run_scoped3A_1870, %dma_start3A_1880] : memref<8x32xf32, #tpu.memory_space<vmem>> -> memref<1x32xf32, #tpu.memory_space<vmem>>
      %dma_start3A_1882 = tpu.memref_squeeze %dma_start3A_1881 : memref<1x32xf32, #tpu.memory_space<vmem>> -> memref<32xf32, #tpu.memory_space<vmem>>
      tpu.enqueue_dma source(%dma_start3A_1882 : memref<32xf32, #tpu.memory_space<vmem>>) target(%dma_start3A_1879 : memref<32xf32, #tpu.memory_space<hbm>>) target_semaphore(%run_scoped3A_1872 : memref<!tpu.dma_semaphore, #tpu.memory_space<semaphore_mem>>)
      %dma_wait3A_1883 = arith.constant 0 : i32
      %dma_wait3A_1884 = tpu.memref_slice %arg17[%run_scoped3A_1870, %dma_wait3A_1883] : memref<8x32xf32, #tpu.memory_space<vmem>> -> memref<1x32xf32, #tpu.memory_space<vmem>>
      %dma_wait3A_1885 = tpu.memref_squeeze %dma_wait3A_1884 : memref<1x32xf32, #tpu.memory_space<vmem>> -> memref<32xf32, #tpu.memory_space<vmem>>
      %dma_wait3A_1886 = tpu.memref_slice %arg9[%run_scoped3A_1871, %mul3A_2] : memref<2x1024xf32, #tpu.memory_space<hbm>> -> memref<1x32xf32, #tpu.memory_space<hbm>>
      %dma_wait3A_1887 = tpu.memref_squeeze %dma_wait3A_1886 : memref<1x32xf32, #tpu.memory_space<hbm>> -> memref<32xf32, #tpu.memory_space<hbm>>
      %dma_wait3A_1888 = tpu.memref_slice %arg9[%run_scoped3A_1871, %mul3A_2] : memref<2x1024xf32, #tpu.memory_space<hbm>> -> memref<1x32xf32, #tpu.memory_space<hbm>>
      %dma_wait3A_1889 = tpu.memref_squeeze %dma_wait3A_1888 : memref<1x32xf32, #tpu.memory_space<hbm>> -> memref<32xf32, #tpu.memory_space<hbm>>
      %dma_wait3A_1890 = arith.constant 0 : i32
      %dma_wait3A_1891 = tpu.memref_slice %arg17[%run_scoped3A_1870, %dma_wait3A_1890] : memref<8x32xf32, #tpu.memory_space<vmem>> -> memref<1x32xf32, #tpu.memory_space<vmem>>
      %dma_wait3A_1892 = tpu.memref_squeeze %dma_wait3A_1891 : memref<1x32xf32, #tpu.memory_space<vmem>> -> memref<32xf32, #tpu.memory_space<vmem>>
      tpu.wait_dma2 semaphore(%run_scoped3A_1872 : memref<!tpu.dma_semaphore, #tpu.memory_space<semaphore_mem>>) src(%dma_wait3A_1892 : memref<32xf32, #tpu.memory_space<vmem>>) dst(%dma_wait3A_1889 : memref<32xf32, #tpu.memory_space<hbm>>)
      tpu.yield
    }) : () -> ()
    return
  }
}

module attributes {stable_mosaic.version = 14 : i64} {
  func.func @_copy_body(%arg0: i32, %arg1: memref<400x1024xf32, #tpu.memory_space<vmem>>, %arg2: memref<400x1024xf32, #tpu.memory_space<vmem>>) attributes {dimension_semantics = [#tpu.dimension_semantics<parallel>], iteration_bounds = array<i64: 25>, scalar_prefetch = 0 : i64, scratch_operands = 0 : i64, tpu.core_type = #tpu.core_type<tc>, window_params = [{transform_indices = @transform_0, window_bounds = array<i64: 400, 1024>}, {transform_indices = @transform_1, window_bounds = array<i64: 400, 1024>}]} {
    %get3A = arith.constant 0 : index
    %get3A_0 = arith.constant 0 : index
    %get3A_1 = vector.load %arg1[%get3A, %get3A_0] : memref<400x1024xf32, #tpu.memory_space<vmem>>, vector<400x1024xf32>
    %swap3A = arith.constant 0 : index
    %swap3A_2 = arith.constant 0 : index
    %swap3A_3 = vector.load %arg2[%swap3A, %swap3A_2] : memref<400x1024xf32, #tpu.memory_space<vmem>>, vector<400x1024xf32>
    tpu.vector_store %arg2[%swap3A, %swap3A_2], %get3A_1 {strides = array<i32>} : memref<400x1024xf32, #tpu.memory_space<vmem>>, vector<400x1024xf32>,
    return
  }
  func.func @transform_0(%arg0: i32) -> (i32, i32) {
    %c0_i32 = arith.constant 0 : i32
    %c0_i32_0 = arith.constant 0 : i32
    return %arg0, %c0_i32 : i32, i32
  }
  func.func @transform_1(%arg0: i32) -> (i32, i32) {
    %c0_i32 = arith.constant 0 : i32
    %c0_i32_0 = arith.constant 0 : i32
    return %arg0, %c0_i32 : i32, i32
  }
}

</mosaic_0001>

<sc_bundles>
// kernel: kernel.4.cloned.1.call-start
scs
__scs_entry_jumppad:
0x0: {  	(pc) =	sbr.rel $0x88, $3  }
0x1: {  	(tag) =	ssettag $0x0;
	lr =	simm.s32 $0x1  }
0x2: {  	[smem:$0x3F9D] =	sst lr;
	_ =	strace $0xD0000000  }
0x3: {  	_ = 	snop  }
0x4: {  	_ = 	snop  }
0x5: {  	_ = 	snop  }
0x6: {  	_ = 	snop  }
0x7: {  	_ = 	snop  }
__scs_overlays_trampoline_lowered:
0x8: {  	[smem:$0x3FAC] =	sst s0  }
0x9: {  	[smem:$0x3FAD] =	sst s1  }
0xa: {  	[smem:$0x3FAE] =	sst s2  }
0xb: {  	[smem:$0x3FAF] =	sst s3  }
0xc: {  	[smem:$0x3FB0] =	sst s4  }
0xd: {  	[smem:$0x3FB1] =	sst s5  }
0xe: {  	[smem:$0x3FB2] =	sst s6  }
0xf: {  	[smem:$0x3FB3] =	sst s7  }
0x10: {  	[smem:$0x3FB4] =	sst s8  }
0x11: {  	[smem:$0x3FB5] =	sst s9;
	s0 =	simm.s32 @!p0 $0x0  }
0x12: {  	s1 =	sld [smem:$0x3F9B];
	s0 =	simm.s32 @p0 $0x1  }
0x13: {  	[smem:$0x3FB6] =	sst s0;
	s0 =	simm.s32 @!p1 $0x0  }
0x14: {  	s2 =	sld [smem:$0x3F9A];
	s0 =	simm.s32 @p1 $0x1  }
0x15: {  	[smem:$0x3FB7] =	sst s0;
	s0 =	simm.s32 @!p2 $0x0  }
0x16: {  	s3 =	sld [smem:$0x3FDB];
	s0 =	simm.s32 @p2 $0x1  }
0x17: {  	s4 =	simm.s32 $0x1BF5;
	[smem:$0x3FB9] =	sst s0  }
0x18: {  	s0 =	sld [smem:$0x3F9C];
	_ =	swait.ge [sflag:s4], $0x0  }
0x19: {  	s7 =	sld [smem:$0x3F9D]  }
0x1a: {  	s8 =	sadd.s32 $0xFFFFE003, lr  }
0x1b: {  	s9 =	sadd.s32 $0xFFFFFEF7, lr;
	s5 =	simm.s32 $0xFFFFFFFF;
	p2 =	slt.u32 s8, $0xFFFFF086  }
0x1c: {  	p1 =	slt.u32 s9, $0xF7A;
	s5 =	simm.s32 @!p2 $0x0  }
0x1d: {  	s5 =	simm.s32 @p1 $0x1;
	p0 =	seq.s32 s7, s2  }
0x1e: {  	s7 =	smul.u32 @!p0 $0xF7A, s2;
	p2 =	seq.s32 @!p0 s5, $0x0  }
0x1f: {  	s9 =	smul.u32 $0xF7A, s1;
	s8 =	simm.s32 @!p0 $0x1BF5;
	p2 =	por !p2, p0  }
0x20: {  	[sflag:s8] =	ssyncset.s32 @!p0 $0xFFFFF086;
	s6 =	sadd.s32 @!p0 s3, s7;
	s7 =	simm.s32 @!p0 $0x108  }
0x21: {  	s3 =	sadd.s32 s3, s9;
	s6 =	sadd.s32 @!p0 $0x88, s6;
	s7 =	simm.s32 @p2 $0x1082  }
0x22: {  	[simem:s7], [sflag:s8] =	dma.local @!p0 [hbm:s6], $0xF7A  }
0x23: {  	s9 =	sor.u32 $0xD0000000, s2;
	s6 =	simm.s32 $0x108;
	_ =	swait.ge @!p0 [sflag:s8], $0x0  }
0x24: {  	s3 =	sadd.s32 $0x88, s3;
	s6 =	simm.s32 @!p1 $0x1082;
	[sflag:s4] =	ssyncset.s32 $0xFFFFF086  }
0x25: {  	[simem:s6], [sflag:s4] =	dma.local [hbm:s3], $0xF7A  }
0x26: {  	[smem:$0x3F9D] =	sst s1;
	(tag) =	ssettag s2;
	_ =	strace s9  }
0x27: {  	s1 =	sld [smem:$0x3FAD]  }
0x28: {  	s2 =	sld [smem:$0x3FAE]  }
0x29: {  	s4 =	sld [smem:$0x3FB0]  }
0x2a: {  	p0 =	seq.s32 s5, $0x0;
	s5 =	sld [smem:$0x3FB1]  }
0x2b: {  	s6 =	sld [smem:$0x3FB2]  }
0x2c: {  	s7 =	sld [smem:$0x3FB3]  }
0x2d: {  	s3 =	simm.s32 $0x108;
	s8 =	sld [smem:$0x3FB4]  }
0x2e: {  	s3 =	simm.s32 @!p0 $0x1082;
	s9 =	sld [smem:$0x3FB5]  }
0x2f: {  	lr =	sadd.s32 s0, s3;
	s0 =	sld [smem:$0x3FAC]  }
0x30: {  	s3 =	sld [smem:$0x3FAF]  }
0x31: {  	[smem:$0x3FB8] =	sst s10  }
0x32: {  	s10 =	sld [smem:$0x3FB6];
	_ =	sdelay $0x3  }
0x33: {  	p0 =	seq.s32 s10, $0x1;
	s10 =	sld [smem:$0x3FB8];
	_ =	sdelay $0x3  }
0x34: {  	[smem:$0x3FB8] =	sst s10  }
0x35: {  	s10 =	sld [smem:$0x3FB7];
	_ =	sdelay $0x3  }
0x36: {  	p1 =	seq.s32 s10, $0x1;
	s10 =	sld [smem:$0x3FB8];
	_ =	sdelay $0x3  }
0x37: {  	[smem:$0x3FB8] =	sst s10  }
0x38: {  	s10 =	sld [smem:$0x3FB9]  }
0x39: {  	_ = 	snop;
	(pc) =	sbr.ind lr, $3  }
0x3a: {  	_ = 	snop  }
0x3b: {  	_ = 	snop  }
0x3c: {  	p2 =	seq.s32 s10, $0x1;
	s10 =	sld [smem:$0x3FB8]  }
0x3d: {  	_ =	shalt  }
0x3e: {  	_ =	shalt  }
0x3f: {  	_ =	shalt  }
0x40: {  	_ =	shalt  }
0x41: {  	_ =	shalt  }
0x42: {  	_ =	shalt  }
0x43: {  	_ =	shalt  }
0x44: {  	_ =	shalt  }
0x45: {  	_ =	shalt  }
0x46: {  	_ =	shalt  }
0x47: {  	_ =	shalt  }
0x48: {  	_ =	shalt  }
0x49: {  	_ =	shalt  }
0x4a: {  	_ =	shalt  }
0x4b: {  	_ =	shalt  }
0x4c: {  	_ =	shalt  }
0x4d: {  	_ =	shalt  }
0x4e: {  	_ =	shalt  }
0x4f: {  	_ =	shalt  }
0x50: {  	_ =	shalt  }
0x51: {  	_ =	shalt  }
0x52: {  	_ =	shalt  }
0x53: {  	_ =	shalt  }
0x54: {  	_ =	shalt  }
0x55: {  	_ =	shalt  }
0x56: {  	_ =	shalt  }
0x57: {  	_ =	shalt  }
0x58: {  	_ =	shalt  }
0x59: {  	_ =	shalt  }
0x5a: {  	_ =	shalt  }
0x5b: {  	_ =	shalt  }
0x5c: {  	_ =	shalt  }
0x5d: {  	_ =	shalt  }
0x5e: {  	_ =	shalt  }
0x5f: {  	_ =	shalt  }
0x60: {  	_ =	shalt  }
0x61: {  	_ =	shalt  }
0x62: {  	_ =	shalt  }
0x63: {  	_ =	shalt  }
0x64: {  	_ =	shalt  }
0x65: {  	_ =	shalt  }
0x66: {  	_ =	shalt  }
0x67: {  	_ =	shalt  }
0x68: {  	_ =	shalt  }
0x69: {  	_ =	shalt  }
0x6a: {  	_ =	shalt  }
0x6b: {  	_ =	shalt  }
0x6c: {  	_ =	shalt  }
0x6d: {  	_ =	shalt  }
0x6e: {  	_ =	shalt  }
0x6f: {  	_ =	shalt  }
0x70: {  	_ =	shalt  }
0x71: {  	_ =	shalt  }
0x72: {  	_ =	shalt  }
0x73: {  	_ =	shalt  }
0x74: {  	_ =	shalt  }
0x75: {  	_ =	shalt  }
0x76: {  	_ =	shalt  }
0x77: {  	_ =	shalt  }
0x78: {  	_ =	shalt  }
0x79: {  	_ =	shalt  }
0x7a: {  	_ =	shalt  }
0x7b: {  	_ =	shalt  }
0x7c: {  	_ =	shalt  }
0x7d: {  	_ =	shalt  }
0x7e: {  	_ =	shalt  }
0x7f: {  	_ =	shalt  }
0x80: {  	_ =	shalt  }
0x81: {  	_ =	shalt  }
0x82: {  	_ =	shalt  }
0x83: {  	_ =	shalt  }
0x84: {  	_ =	shalt  }
0x85: {  	_ =	shalt  }
0x86: {  	_ =	shalt  }
0x87: {  	_ =	shalt  }
.Lfunc_end0:
.L_simem_size_0:
called_computation_lowered:
.L_overlay_start_0:
0x88: {  	s2 =	sld [smem:$0x3FD9]  }
0x89: {  	s3 =	sld [smem:$0x3FFE];
	_ =	sdelay $0x1  }
0x8a: {  	s1 =	srdreg.scid  }
0x8b: {  	s0 =	sand.u32 $0x1, s1  }
0x8c: {  	s14 =	sshll.u32 s0, $0xA;
	s2 =	sadd.s32 s3, s2  }
0x8d: {  	s2 =	sadd.s32 s2, s14  }
0x8e: {  	[smem:$0x3FC4] =	sst s2  }
0x8f: {  	_ = 	snop  }
0x90: {  	s2 =	sld [smem:$0x3FD0];
	_ =	sdelay $0x1  }
0x91: {  	s15 =	sld [smem:$0x3FC9]  }
0x92: {  	s5 =	simm.s32 $0xA;
	s6 =	simm.s32 $0x10;
	s4 =	sld [smem:$0x3FC8]  }
0x93: {  	[smem:s6], [sflag:s5] =	dma.local [hbm:s2], $0x1  }
0x94: {  	_ =	swait.eq [sflag:s5], $0x1  }
0x95: {  	s16 =	sld [smem:$0x11]  }
0x96: {  	s17 =	sld [smem:$0x12];
	[sflag:s5] =	ssyncset.done $0x0  }
0x97: {  	s7 =	sld [smem:$0x13];
	[sflag:s5] =	ssyncadd.s32 $0xFFFFFFFF  }
0x98: {  	s18 =	sld [smem:$0x14];
	(tm) =	ssettm $0x1  }
0x99: {  	s8 =	sld [smem:$0x3FFB];
	_ =	sdelay $0x3  }
0x9a: {  	_ =	strace s8  }
0x9b: {  	s8 =	sld [smem:$0x3FFC];
	_ =	sdelay $0x3  }
0x9c: {  	_ =	strace s8  }
0x9d: {  	s8 =	sld [smem:$0x3FFD];
	_ =	sdelay $0x3  }
0x9e: {  	_ =	strace s8  }
0x9f: {  	_ =	strace $0x8FFFFFFF  }
0xa0: {  	s19 =	sld [smem:$0x3FDB];
	_ =	sdelay $0x1  }
0xa1: {  	s9 =	simm.s32 $_scs_section_size  }
0xa2: {  	s10 =	simm.s32 $_size__tile_overlayer_lowered;
	s11 =	simm.s32 $_tile_overlayer_lowered  }
0xa3: {  	s22 =	simm.s32 $0x1BFF;
	s21 =	sshll.u32 s11, $0x1;
	s8 =	sadd.s32 s9, s19  }
0xa4: {  	s12 =	simm.s32 $0x0;
	s20 =	sshll.u32 s10, $0x1;
	s10 =	sadd.s32 s21, s8  }
0xa5: {  	[timem:s12], [sflag:s22] =	dma.local [hbm:s10], s20  }
0xa6: {  	_ =	swait.ge [sflag:s22], s20  }
0xa7: {  	s9 =	ssub.s32 $0x0, s20;
	[sflag:s22] =	ssyncset.done $0x0  }
0xa8: {  	[sflag:s22] =	ssyncadd.s32 s9;
	_ =	sdelay $0x1  }
0xa9: {  	s23 =	simm.s32 $0x1B8B  }
0xaa: {  	_ =	swait.ge [sflag:s23], $0x1  }
0xab: {  	[sflag:s23] =	ssyncset.done $0x0  }
0xac: {  	s25 =	simm.s32 $0x1B8E;
	s24 =	sld [smem:$0x3FFE];
	[sflag:s23] =	ssyncadd.s32 $0xFFFFFFFF  }
0xad: {  	s26 =	simm.s32 $execute0_lowered;
	[smem:$0x3FD2] =	sst s25  }
0xae: {  	s10 =	sshll.u32 s26, $0x1;
	_ =	strace $0x80000046;
	[dreg:$0x1] =	wrdreg $0xFFFFFFFF  }
0xaf: {  	s28 =	simm.s32 $_size_execute0_lowered;
	s8 =	sadd.s32 s8, s10;
	[dreg:$0x0] =	wrdreg $0x0  }
0xb0: {  	s10 =	sshll.u32 s28, $0x1;
	[dreg:$0x2] =	wrdreg s8  }
0xb1: {  	[dreg:$0x3] =	wrdreg s10  }
0xb2: {  	[dreg:$0x4] =	wrdreg $0xC0  }
0xb3: {  	_ =	task [dreg:s12], $0x5FFFF  }
0xb4: {  	[dreg:$0x1] =	wrdreg $0xFFFFFFFF  }
0xb5: {  	[dreg:$0x0] =	wrdreg $0x60  }
0xb6: {  	[dreg:$0x2] =	wrdreg s15  }
0xb7: {  	[dreg:$0x3] =	wrdreg s4  }
0xb8: {  	[dreg:$0x4] =	wrdreg s24  }
0xb9: {  	[dreg:$0x5] =	wrdreg s16  }
0xba: {  	[dreg:$0x6] =	wrdreg s17  }
0xbb: {  	[dreg:$0x7] =	wrdreg s7  }
0xbc: {  	[dreg:$0x8] =	wrdreg s18  }
0xbd: {  	[dreg:$0x9] =	wrdreg $0x9  }
0xbe: {  	_ =	task.clear_ibuf [dreg:s12], $0xAFFFF;
	_ =	strace $0x90000046  }
0xbf: {  	s29 =	simm.s32 $0x9;
	_ =	strace $0x80000048  }
0xc0: {  	_ =	swait.ge [sflag:s29], $0x1  }
0xc1: {  	[sflag:s29] =	ssyncadd.s32 $0xFFFFFFFF  }
0xc2: {  	_ =	strace $0x90000048  }
0xc3: {  	_ =	sfence  }
0xc4: {  	s30 =	sld [smem:$0x0];
	_ =	sdelay $0x2  }
0xc5: {  	s31 =	sshll.u32 s1, $0xD;
	s1 =	sshrl.u32 s1, $0x2  }
0xc6: {  	s3 =	sand.u32 $0x4000, s31;
	s1 =	sadd.s32 s1, s30  }
0xc7: {  	s0 =	sor.u32 s3, s0;
	s1 =	sshll.u32 s1, $0x11  }
0xc8: {  	s0 =	sor.u32 s1, s0  }
0xc9: {  	s0 =	sadd.s32 $0x8F2B, s0  }
0xca: {  	[sflag:s0] =	ssyncadd.remote.s32 $0x1  }
0xcb: {  	_ =	sfence.sel $0xFFFF  }
0xcc: {  	[dreg:$0x0] =	wrdreg $0xFFFFFFFF;
	(pc) =	sbr.abs _section_cstart, $3  }
0xcd: {  	[dreg:$0x1] =	wrdreg $0xFFFFFFFF  }
0xce: {  	_ =	task.clear_ibuf [dreg:s12], $0x2FFFF;
	_ =	strace $0x9FFFFFFF  }
0xcf: {  	(tm) =	ssettm $0x7FFFFFFF  }
tec
execute0_lowered:
.L_overlay_start_1:
0x0: {  	(tag) =	ssettag $0x1  }
0x1: {  	s1 =	rddreg [dreg:$0x0]  }
0x2: {  	s6 =	rddreg [dreg:$0x1]  }
0x3: {  	s7 =	rddreg [dreg:$0x2]  }
0x4: {  	s8 =	rddreg [dreg:$0x3]  }
0x5: {  	s9 =	rddreg [dreg:$0x4]  }
0x6: {  	s10 =	rddreg [dreg:$0x5]  }
0x7: {  	s11 =	rddreg [dreg:$0x6];
	s2 =	simm.s32 $0x0  }
0x8: {  	[smem:$0x7FF] =	sst s2;
	s3 =	sadd.s32 $0xA00, s7  }
0x9: {  	s7 =	sadd.s32 $0x27C00, s7;
	_ =	strace $0x80000047;
	[dreg:$0x8] =	wrdreg s3  }
0xa: {  	s16 =	simm.s32 $0x180;
	[dreg:$0x9] =	wrdreg s7  }
0xb: {  	s17 =	simm.s32 $0x200;
	[dreg:$0x13] =	wrdreg s16  }
0xc: {  	s18 =	simm.s32 $0x280;
	[dreg:$0x14] =	wrdreg s17  }
0xd: {  	s19 =	simm.s32 $0x300;
	[dreg:$0x15] =	wrdreg s18  }
0xe: {  	s20 =	simm.s32 $0x380;
	[dreg:$0x16] =	wrdreg s19  }
0xf: {  	s21 =	simm.s32 $0x400;
	[dreg:$0x17] =	wrdreg s20  }
0x10: {  	s22 =	simm.s32 $0x480;
	[dreg:$0x18] =	wrdreg s21  }
0x11: {  	[dreg:$0x19] =	wrdreg s22;
	s7 =	simm.s32 $0x700  }
0x12: {  	s16 =	simm.s32 $0xB80;
	[dreg:$0x1e] =	wrdreg s7  }
0x13: {  	s17 =	simm.s32 $0xC00;
	[smem:$0x7B8] =	sst s16  }
0x14: {  	s18 =	simm.s32 $0xC80;
	[smem:$0x7B9] =	sst s17  }
0x15: {  	s19 =	simm.s32 $0xD00;
	[smem:$0x7BA] =	sst s18  }
0x16: {  	s20 =	simm.s32 $0xD80;
	[smem:$0x7BB] =	sst s19  }
0x17: {  	s21 =	simm.s32 $0xE00;
	[smem:$0x7BC] =	sst s20  }
0x18: {  	s22 =	simm.s32 $0xE80;
	[smem:$0x7BD] =	sst s21  }
0x19: {  	[smem:$0x7BE] =	sst s22;
	s7 =	simm.s32 $0x1100  }
0x1a: {  	s16 =	simm.s32 $0x1580;
	[smem:$0x7C3] =	sst s7  }
0x1b: {  	s17 =	simm.s32 $0x1600;
	[smem:$0x7CC] =	sst s16  }
0x1c: {  	s18 =	simm.s32 $0x1680;
	[smem:$0x7CD] =	sst s17  }
0x1d: {  	s19 =	simm.s32 $0x1700;
	[smem:$0x7CE] =	sst s18  }
0x1e: {  	s20 =	simm.s32 $0x1780;
	[smem:$0x7CF] =	sst s19  }
0x1f: {  	s0 =	srdreg.scid;
	s21 =	simm.s32 $0x1800;
	[smem:$0x7D0] =	sst s20  }
0x20: {  	s12 =	stileid.u32;
	s22 =	simm.s32 $0x1880;
	[smem:$0x7D1] =	sst s21  }
0x21: {  	s5 =	sand.u32 $0x1, s0;
	[smem:$0x7D2] =	sst s22;
	s7 =	simm.s32 $0x1B00  }
0x22: {  	s4 =	sshll.u32 s12, $0x6;
	s16 =	simm.s32 $0x1E00;
	[smem:$0x7D7] =	sst s7  }
0x23: {  	s0 =	sshll.u32 s5, $0x5;
	s18 =	simm.s32 $0x1E80;
	[smem:$0x7E0] =	sst s16  }
0x24: {  	s0 =	sor.u32 s0, s4;
	s20 =	simm.s32 $0x1F00;
	[smem:$0x7E2] =	sst s18  }
0x25: {  	s13 =	sshrl.u32 s0, $0x3;
	s22 =	simm.s32 $0x1F80;
	[smem:$0x7E4] =	sst s20  }
0x26: {  	s3 =	sand.u32 $0x60, s0;
	s6 =	sadd.s32 s6, s13;
	[smem:$0x7E6] =	sst s22  }
0x27: {  	s17 =	sor.u32 $0x180, s3;
	[dreg:$0xa] =	wrdreg s6  }
0x28: {  	s19 =	sor.u32 $0x200, s3;
	[smem:$0x7DF] =	sst s17  }
0x29: {  	s21 =	sor.u32 $0x280, s3;
	[smem:$0x7E1] =	sst s19  }
0x2a: {  	s7 =	sor.u32 $0x400, s3;
	[smem:$0x7E3] =	sst s21  }
0x2b: {  	s16 =	simm.s32 $0x4200;
	[smem:$0x7E9] =	sst s7  }
0x2c: {  	s18 =	simm.s32 $0x4280;
	[smem:$0x7F4] =	sst s16  }
0x2d: {  	s20 =	simm.s32 $0x4300;
	[smem:$0x7F6] =	sst s18  }
0x2e: {  	s12 =	sshll.u32 s12, $0x7;
	s22 =	simm.s32 $0x4380;
	[smem:$0x7F8] =	sst s20  }
0x2f: {  	s12 =	sand.u32 $0x700, s12;
	s17 =	sor.u32 $0x680, s3;
	[smem:$0x7FA] =	sst s22  }
0x30: {  	s12 =	sor.u32 s12, s3;
	s19 =	sor.u32 $0x700, s3;
	[smem:$0x7F3] =	sst s17  }
0x31: {  	s23 =	sshrl.u32 s12, $0x3;
	s21 =	sor.u32 $0x780, s0;
	[smem:$0x7F5] =	sst s19  }
0x32: {  	s24 =	sadd.s32 s8, s23;
	[smem:$0x7F7] =	sst s21  }
0x33: {  	s26 =	sadd.s32 s9, s23;
	[dreg:$0xb] =	wrdreg s24  }
0x34: {  	s12 =	sor.u32 $0x10, s23;
	s14 =	sadd.s32 s11, s23;
	[dreg:$0xd] =	wrdreg s26  }
0x35: {  	s25 =	sadd.s32 s8, s12;
	[dreg:$0x11] =	wrdreg s14  }
0x36: {  	s8 =	sadd.s32 s9, s12;
	[dreg:$0xc] =	wrdreg s25  }
0x37: {  	s9 =	sadd.s32 s10, s23;
	[dreg:$0xe] =	wrdreg s8  }
0x38: {  	s13 =	sadd.s32 s10, s12;
	[dreg:$0xf] =	wrdreg s9  }
0x39: {  	s15 =	sadd.s32 s11, s12;
	[dreg:$0x10] =	wrdreg s13  }
0x3a: {  	s23 =	simm.s32 $0x500;
	[dreg:$0x12] =	wrdreg s15  }
0x3b: {  	s24 =	simm.s32 $0x580;
	[dreg:$0x1a] =	wrdreg s23  }
0x3c: {  	s26 =	simm.s32 $0x680;
	[dreg:$0x1b] =	wrdreg s24  }
0x3d: {  	s10 =	simm.s32 $0x880;
	[dreg:$0x1d] =	wrdreg s26  }
0x3e: {  	s11 =	simm.s32 $0x900;
	[smem:$0x7B2] =	sst s10  }
0x3f: {  	s12 =	simm.s32 $0x980;
	[smem:$0x7B3] =	sst s11  }
0x40: {  	s14 =	simm.s32 $0xA80;
	[smem:$0x7B4] =	sst s12  }
0x41: {  	s25 =	simm.s32 $0x600;
	[smem:$0x7B6] =	sst s14  }
0x42: {  	s8 =	simm.s32 $0x780;
	[dreg:$0x1c] =	wrdreg s25  }
0x43: {  	s9 =	simm.s32 $0x800;
	[dreg:$0x1f] =	wrdreg s8  }
0x44: {  	s13 =	simm.s32 $0xA00;
	[smem:$0x7B1] =	sst s9  }
0x45: {  	s15 =	simm.s32 $0xB00;
	[smem:$0x7B5] =	sst s13  }
0x46: {  	s23 =	simm.s32 $0xF00;
	[smem:$0x7B7] =	sst s15  }
0x47: {  	s24 =	simm.s32 $0xF80;
	[smem:$0x7BF] =	sst s23  }
0x48: {  	s26 =	simm.s32 $0x1080;
	[smem:$0x7C0] =	sst s24  }
0x49: {  	s10 =	simm.s32 $0x1280;
	[smem:$0x7C2] =	sst s26  }
0x4a: {  	s11 =	simm.s32 $0x1300;
	[smem:$0x7C6] =	sst s10  }
0x4b: {  	s12 =	simm.s32 $0x1380;
	[smem:$0x7C7] =	sst s11  }
0x4c: {  	s14 =	simm.s32 $0x1480;
	[smem:$0x7C8] =	sst s12  }
0x4d: {  	s25 =	simm.s32 $0x1000;
	[smem:$0x7CA] =	sst s14  }
0x4e: {  	s8 =	simm.s32 $0x1180;
	[smem:$0x7C1] =	sst s25  }
0x4f: {  	s9 =	simm.s32 $0x1200;
	[smem:$0x7C4] =	sst s8  }
0x50: {  	s13 =	simm.s32 $0x1400;
	[smem:$0x7C5] =	sst s9  }
0x51: {  	s15 =	simm.s32 $0x1500;
	[smem:$0x7C9] =	sst s13  }
0x52: {  	s23 =	simm.s32 $0x1900;
	[smem:$0x7CB] =	sst s15  }
0x53: {  	s24 =	simm.s32 $0x1980;
	[smem:$0x7D3] =	sst s23  }
0x54: {  	s26 =	simm.s32 $0x1A80;
	[smem:$0x7D4] =	sst s24  }
0x55: {  	s10 =	simm.s32 $0x1C00;
	[smem:$0x7D6] =	sst s26  }
0x56: {  	s11 =	simm.s32 $0x1C80;
	[smem:$0x7D9] =	sst s10  }
0x57: {  	s12 =	simm.s32 $0x1D00;
	[smem:$0x7DA] =	sst s11  }
0x58: {  	s14 =	simm.s32 $0x1D80;
	[smem:$0x7DC] =	sst s12  }
0x59: {  	s25 =	simm.s32 $0x1A00;
	[smem:$0x7DE] =	sst s14  }
0x5a: {  	s9 =	simm.s32 $0x1B80;
	[smem:$0x7D5] =	sst s25  }
0x5b: {  	s13 =	sor.u32 $0x80, s3;
	[smem:$0x7D8] =	sst s9  }
0x5c: {  	s15 =	sor.u32 $0x100, s3;
	[smem:$0x7DB] =	sst s13  }
0x5d: {  	s23 =	sor.u32 $0x300, s3;
	[smem:$0x7DD] =	sst s15  }
0x5e: {  	s24 =	simm.s32 $0x2000;
	[smem:$0x7E5] =	sst s23  }
0x5f: {  	s5 =	ssub.s32 $0x2, s5;
	s26 =	simm.s32 $0x2080;
	[smem:$0x7E8] =	sst s24  }
0x60: {  	s4 =	sand.u32 $0x380, s4;
	s11 =	sor.u32 $0x500, s3;
	[smem:$0x7EA] =	sst s26  }
0x61: {  	s4 =	sadd.s32 s1, s4;
	s10 =	simm.s32 $0x2180;
	[smem:$0x7ED] =	sst s11  }
0x62: {  	s28 =	sor.u32 $0xA10, s3;
	s12 =	simm.s32 $0x3180;
	[smem:$0x7EE] =	sst s10  }
0x63: {  	s29 =	sor.u32 $0xA90, s3;
	s14 =	simm.s32 $0x4180;
	[smem:$0x7F0] =	sst s12  }
0x64: {  	v0 =	vimm.s32 $0x1;
	s30 =	sor.u32 $0xB10, s3;
	s25 =	sor.u32 $0x380, s0;
	[smem:$0x7F2] =	sst s14  }
0x65: {  	v1 =	vimm.s32 $0x7;
	v2 =	vimm.s32 $0x3;
	v4 =	vlaneseq.u32;
	s8 =	sshrl.u32 s5, $0x1;
	s9 =	sor.u32 $0x480, s3;
	[smem:$0x7E7] =	sst s25  }
0x66: {  	v3 =	vimm.s32 $0x0;
	vm0 =	vmmov $0x1;
	v5 =	vimm.s32 $0x2;
	s5 =	ssub.s32 s5, s8;
	s8 =	simm.s32 $0x2100;
	[smem:$0x7EB] =	sst s9  }
0x67: {  	v6 =	vimm.s32 $0x4;
	v7 =	vimm.s32 $0x5;
	v8 =	vimm.s32 $0x6;
	s31 =	sor.u32 $0xC10, s3;
	s13 =	sor.u32 $0x580, s3;
	[smem:$0x7EC] =	sst s8  }
0x68: {  	v9 =	vimm.s32 $0x8;
	v10 =	vimm.s32 $0x9;
	v11 =	vimm.s32 $0xA;
	s1 =	sor.u32 $0xD10, s3;
	s15 =	sor.u32 $0x600, s3;
	[smem:$0x7EF] =	sst s13  }
0x69: {  	v12 =	vimm.s32 $0xB;
	v13 =	vimm.s32 $0xC;
	v14 =	vimm.s32 $0xD;
	s22 =	sor.u32 $0x910, s3;
	s23 =	sor.u32 $0x810, s3;
	[smem:$0x7F1] =	sst s15  }
0x6a: {  	v15 =	vimm.s32 $0xE;
	v16 =	vimm.s32 $0xF;
	vm1 =	vcmask $0x704;
	s6 =	sor.u32 $0xE10, s3;
	s24 =	simm.s32 $0x4400;
	[smem:$0x7F9] =	sst s23  }
0x6b: {  	vm2 =	vmmov $0x3;
	vm3 =	vmmov $0x7;
	vm4 =	vmmov $0xf;
	s7 =	sor.u32 $0xE90, s3;
	s26 =	simm.s32 $0x4500;
	[smem:$0x7FB] =	sst s24  }
0x6c: {  	vm5 =	vmmov $0x1f;
	vm6 =	vmmov $0x3f;
	vm7 =	vmmov $0x7f;
	s21 =	sor.u32 $0x890, s3;
	s25 =	simm.s32 $0x4480;
	[smem:$0x7FD] =	sst s26  }
0x6d: {  	vm8 =	vmmov $0xff;
	vm9 =	vmmov $0x1ff;
	vm10 =	vmmov $0x3ff;
	s23 =	sor.u32 $0xB90, s0;
	s24 =	sor.u32 $0xF90, s0;
	s26 =	sor.u32 $0x990, s3  }
0x6e: {  	vm11 =	vmmov $0x7ff;
	vm12 =	vmmov $0xfff;
	vm13 =	vmmov $0x1fff;
	s0 =	sor.u32 $0xC90, s3;
	s8 =	sor.u32 $0xF10, s3;
	s9 =	simm.s32 $0x5  }
0x6f: {  	vm14 =	vmmov $0x3fff;
	vm15 =	vmmov $0x7fff;
	v4 =	vmul.u32 $0x8, v4;
	[smem:$0x7FC] =	sst s25;
	s25 =	smax.u32 s5, $0x1;
	s5 =	sor.u32 $0xD90, s3  }
.LBB2_1:
0x70: {  	s10 =	rddreg [dreg:$0xa]  }
0x71: {  	[tilespmem:s2], [sflag:$0x5] =	stream.linear.gather [hbm4b:s10+s2], $0x20, $0x38;
	[tilespmem:$0x4580] =	vst v63  }
0x72: {  	_ =	swait.ge [sflag:s9], $0x20  }
0x73: {  	[sflag:s9] =	ssyncset.done $0x0  }
0x74: {  	[sflag:s9] =	ssyncadd.s32 $0xFFFFFFE0  }
0x75: {  	v17 =	vld [tilespmem:$0x0];
	_ =	sdelay $0x4  }
0x76: {  	v17 =	vshll.u32 v17, $0x1  }
0x77: {  	v18 =	vadd.s32 $0x2710, v17  }
0x78: {  	[tilespmem:$0x80] =	vst v18  }
0x79: {  	v18 =	vld [tilespmem:$0x80];
	_ =	sdelay $0x4  }
0x7a: {  	v19 =	vshll.u32 v18, $0x3  }
0x7b: {  	v20 =	vld [tilespmem:$0x10];
	v18 =	vand.u32 $0x7, v18;
	v19 =	vand.u32 $0xFFFFFFC0, v19  }
0x7c: {  	v18 =	vor.u32 v18, v19  }
0x7d: {  	v19 =	vperm.xlane v18, v3;
	_ =	sdelay $0x1  }
0x7e: {  	v21 =	vperm.xlane v18, v0;
	v19 =	vadd.s32 v4, v19  }
0x7f: {  	v20 =	vshll.u32 v20, $0x1;
	v17 =	vadd.s32 $0x2711, v17  }
0x80: {  	[tilespmem:$0x100] =	vst v17;
	v17 =	vadd.s32 $0x2710, v20;
	v22 =	vperm.xlane v18, v5;
	v21 =	vadd.s32 v4, v21  }
0x81: {  	s12 =	rddreg [dreg:$0x13];
	[tilespmem:$0x90] =	vst v17;
	v17 =	vadd.s32 $0x2711, v20  }
0x82: {  	s11 =	rddreg [dreg:$0x14];
	[tilespmem:$0x110] =	vst v17;
	v29 =	vperm.xlane v18, v2;
	v17 =	vadd.s32 v4, v22  }
0x83: {  	[tilespmem:s12], [sflag:$0x1] =	stream.indirect_vreg.gather [hbm4b:s4+s2], $0x80, v19, vm0, $0xb8;
	[tilespmem:$0x4580] =	vst v63  }
0x84: {  	s13 =	rddreg [dreg:$0x15];
	v30 =	vperm.xlane v18, v6;
	v19 =	vadd.s32 v4, v29  }
0x85: {  	[tilespmem:s11], [sflag:$0x1] =	stream.indirect_vreg.gather [hbm4b:s4+s2], $0x80, v21, vm0, $0xb8;
	[tilespmem:$0x4580] =	vst v63  }
0x86: {  	s14 =	rddreg [dreg:$0x16];
	v31 =	vperm.xlane v18, v7;
	v20 =	vadd.s32 v4, v30  }
0x87: {  	[tilespmem:s13], [sflag:$0x1] =	stream.indirect_vreg.gather [hbm4b:s4+s2], $0x80, v17, vm0, $0xb8;
	[tilespmem:$0x4580] =	vst v63  }
0x88: {  	s15 =	rddreg [dreg:$0x17];
	v32 =	vperm.xlane v18, v8;
	v17 =	vadd.s32 v4, v31  }
0x89: {  	[tilespmem:s14], [sflag:$0x1] =	stream.indirect_vreg.gather [hbm4b:s4+s2], $0x80, v19, vm0, $0xb8;
	[tilespmem:$0x4580] =	vst v63  }
0x8a: {  	s16 =	rddreg [dreg:$0x18];
	v33 =	vperm.xlane v18, v1;
	v19 =	vadd.s32 v4, v32  }
0x8b: {  	[tilespmem:s15], [sflag:$0x1] =	stream.indirect_vreg.gather [hbm4b:s4+s2], $0x80, v20, vm0, $0xb8;
	[tilespmem:$0x4580] =	vst v63  }
0x8c: {  	s17 =	rddreg [dreg:$0x19];
	v35 =	vperm.xlane v18, v9;
	v34 =	vadd.s32 v4, v33  }
0x8d: {  	[tilespmem:s16], [sflag:$0x1] =	stream.indirect_vreg.gather [hbm4b:s4+s2], $0x80, v17, vm0, $0xb8;
	[tilespmem:$0x4580] =	vst v63  }
0x8e: {  	s18 =	rddreg [dreg:$0x1a];
	v36 =	vperm.xlane v18, v10;
	v17 =	vadd.s32 v4, v35  }
0x8f: {  	[tilespmem:s17], [sflag:$0x1] =	stream.indirect_vreg.gather [hbm4b:s4+s2], $0x80, v19, vm0, $0xb8;
	[tilespmem:$0x4580] =	vst v63  }
0x90: {  	s19 =	rddreg [dreg:$0x1b];
	v37 =	vperm.xlane v18, v11;
	v19 =	vadd.s32 v4, v36  }
0x91: {  	[tilespmem:s18], [sflag:$0x1] =	stream.indirect_vreg.gather [hbm4b:s4+s2], $0x80, v34, vm0, $0xb8;
	[tilespmem:$0x4580] =	vst v63  }
0x92: {  	s20 =	rddreg [dreg:$0x1c];
	v39 =	vperm.xlane v18, v12;
	v38 =	vadd.s32 v4, v37  }
0x93: {  	[tilespmem:s19], [sflag:$0x1] =	stream.indirect_vreg.gather [hbm4b:s4+s2], $0x80, v17, vm0, $0xb8;
	[tilespmem:$0x4580] =	vst v63  }
0x94: {  	v40 =	vperm.xlane v18, v13;
	s12 =	rddreg [dreg:$0x1d];
	v17 =	vadd.s32 v4, v39  }
0x95: {  	[tilespmem:s20], [sflag:$0x1] =	stream.indirect_vreg.gather [hbm4b:s4+s2], $0x80, v19, vm0, $0xb8;
	[tilespmem:$0x4580] =	vst v63  }
0x96: {  	v41 =	vperm.xlane v18, v14;
	s13 =	rddreg [dreg:$0x1e];
	v19 =	vadd.s32 v4, v40  }
0x97: {  	[tilespmem:s12], [sflag:$0x1] =	stream.indirect_vreg.gather [hbm4b:s4+s2], $0x80, v38, vm0, $0xb8;
	[tilespmem:$0x4580] =	vst v63  }
0x98: {  	v43 =	vperm.xlane v18, v15;
	v42 =	vadd.s32 v4, v41;
	s14 =	rddreg [dreg:$0x1f]  }
0x99: {  	[tilespmem:s13], [sflag:$0x1] =	stream.indirect_vreg.gather [hbm4b:s4+s2], $0x80, v17, vm0, $0xb8;
	[tilespmem:$0x4580] =	vst v63  }
0x9a: {  	v18 =	vperm.xlane v18, v16;
	s15 =	sld [smem:$0x7B1];
	v17 =	vadd.s32 v4, v43  }
0x9b: {  	[tilespmem:s14], [sflag:$0x1] =	stream.indirect_vreg.gather [hbm4b:s4+s2], $0x80, v19, vm0, $0xb8;
	[tilespmem:$0x4580] =	vst v63  }
0x9c: {  	v18 =	vadd.s32 v4, v18;
	s16 =	sld [smem:$0x7B2]  }
0x9d: {  	[tilespmem:s15], [sflag:$0x1] =	stream.indirect_vreg.gather [hbm4b:s4+s2], $0x80, v42, vm0, $0xb8;
	[tilespmem:$0x4580] =	vst v63  }
0x9e: {  	s17 =	sld [smem:$0x7B3]  }
0x9f: {  	[tilespmem:s16], [sflag:$0x1] =	stream.indirect_vreg.gather [hbm4b:s4+s2], $0x80, v17, vm0, $0xb8;
	[tilespmem:$0x4580] =	vst v63  }
0xa0: {  	_ = 	snop  }
0xa1: {  	[tilespmem:s17], [sflag:$0x1] =	stream.indirect_vreg.gather [hbm4b:s4+s2], $0x80, v18, vm0, $0xb8;
	[tilespmem:$0x4580] =	vst v63  }
0xa2: {  	v17 =	vld [tilespmem:$0x90];
	_ =	sdelay $0x4  }
0xa3: {  	v18 =	vshll.u32 v17, $0x3  }
0xa4: {  	v17 =	vand.u32 $0x7, v17;
	v18 =	vand.u32 $0xFFFFFFC0, v18  }
0xa5: {  	v17 =	vor.u32 v17, v18  }
0xa6: {  	v18 =	vperm.xlane v17, v3;
	_ =	sdelay $0x1  }
0xa7: {  	v19 =	vperm.xlane v17, v0;
	v18 =	vadd.s32 v4, v18;
	_ =	sdelay $0x1  }
0xa8: {  	s18 =	sld [smem:$0x7B4];
	v44 =	vperm.xlane v17, v5;
	v19 =	vadd.s32 v4, v19;
	_ =	sdelay $0x1  }
0xa9: {  	s19 =	sld [smem:$0x7B5];
	v45 =	vperm.xlane v17, v2;
	v20 =	vadd.s32 v4, v44  }
0xaa: {  	[tilespmem:s18], [sflag:$0x1] =	stream.indirect_vreg.gather [hbm4b:s4+s2], $0x80, v18, vm0, $0xb8;
	[tilespmem:$0x4580] =	vst v63  }
0xab: {  	s20 =	sld [smem:$0x7B6];
	v46 =	vperm.xlane v17, v6;
	v18 =	vadd.s32 v4, v45  }
0xac: {  	[tilespmem:s19], [sflag:$0x1] =	stream.indirect_vreg.gather [hbm4b:s4+s2], $0x80, v19, vm0, $0xb8;
	[tilespmem:$0x4580] =	vst v63  }
0xad: {  	s12 =	sld [smem:$0x7B7];
	v47 =	vperm.xlane v17, v7;
	v19 =	vadd.s32 v4, v46  }
0xae: {  	[tilespmem:s20], [sflag:$0x1] =	stream.indirect_vreg.gather [hbm4b:s4+s2], $0x80, v20, vm0, $0xb8;
	[tilespmem:$0x4580] =	vst v63  }
0xaf: {  	s13 =	sld [smem:$0x7B8];
	v49 =	vperm.xlane v17, v8;
	v48 =	vadd.s32 v4, v47  }
0xb0: {  	[tilespmem:s12], [sflag:$0x1] =	stream.indirect_vreg.gather [hbm4b:s4+s2], $0x80, v18, vm0, $0xb8;
	[tilespmem:$0x4580] =	vst v63  }
0xb1: {  	s14 =	sld [smem:$0x7B9];
	v50 =	vperm.xlane v17, v1;
	v18 =	vadd.s32 v4, v49  }
0xb2: {  	[tilespmem:s13], [sflag:$0x1] =	stream.indirect_vreg.gather [hbm4b:s4+s2], $0x80, v19, vm0, $0xb8;
	[tilespmem:$0x4580] =	vst v63  }
0xb3: {  	s15 =	sld [smem:$0x7BA];
	v51 =	vperm.xlane v17, v9;
	v19 =	vadd.s32 v4, v50  }
0xb4: {  	[tilespmem:s14], [sflag:$0x1] =	stream.indirect_vreg.gather [hbm4b:s4+s2], $0x80, v48, vm0, $0xb8;
	[tilespmem:$0x4580] =	vst v63  }
0xb5: {  	s16 =	sld [smem:$0x7BB];
	v53 =	vperm.xlane v17, v10;
	v52 =	vadd.s32 v4, v51  }
0xb6: {  	[tilespmem:s15], [sflag:$0x1] =	stream.indirect_vreg.gather [hbm4b:s4+s2], $0x80, v18, vm0, $0xb8;
	[tilespmem:$0x4580] =	vst v63  }
0xb7: {  	s17 =	sld [smem:$0x7BC];
	v54 =	vperm.xlane v17, v11;
	v18 =	vadd.s32 v4, v53  }
0xb8: {  	[tilespmem:s16], [sflag:$0x1] =	stream.indirect_vreg.gather [hbm4b:s4+s2], $0x80, v19, vm0, $0xb8;
	[tilespmem:$0x4580] =	vst v63  }
0xb9: {  	v55 =	vperm.xlane v17, v12;
	s18 =	sld [smem:$0x7BD];
	v19 =	vadd.s32 v4, v54  }
0xba: {  	[tilespmem:s17], [sflag:$0x1] =	stream.indirect_vreg.gather [hbm4b:s4+s2], $0x80, v52, vm0, $0xb8;
	[tilespmem:$0x4580] =	vst v63  }
0xbb: {  	v57 =	vperm.xlane v17, v13;
	v56 =	vadd.s32 v4, v55;
	s19 =	sld [smem:$0x7BE]  }
0xbc: {  	[tilespmem:s18], [sflag:$0x1] =	stream.indirect_vreg.gather [hbm4b:s4+s2], $0x80, v18, vm0, $0xb8;
	[tilespmem:$0x4580] =	vst v63  }
0xbd: {  	v58 =	vperm.xlane v17, v14;
	s20 =	sld [smem:$0x7BF];
	v18 =	vadd.s32 v4, v57  }
0xbe: {  	[tilespmem:s19], [sflag:$0x1] =	stream.indirect_vreg.gather [hbm4b:s4+s2], $0x80, v19, vm0, $0xb8;
	[tilespmem:$0x4580] =	vst v63  }
0xbf: {  	v59 =	vperm.xlane v17, v15;
	s12 =	sld [smem:$0x7C0];
	v19 =	vadd.s32 v4, v58  }
0xc0: {  	[tilespmem:s20], [sflag:$0x1] =	stream.indirect_vreg.gather [hbm4b:s4+s2], $0x80, v56, vm0, $0xb8;
	[tilespmem:$0x4580] =	vst v63  }
0xc1: {  	v17 =	vperm.xlane v17, v16;
	v60 =	vadd.s32 v4, v59;
	s13 =	sld [smem:$0x7C1]  }
0xc2: {  	[tilespmem:s12], [sflag:$0x1] =	stream.indirect_vreg.gather [hbm4b:s4+s2], $0x80, v18, vm0, $0xb8;
	[tilespmem:$0x4580] =	vst v63  }
0xc3: {  	v17 =	vadd.s32 v4, v17;
	s14 =	sld [smem:$0x7C2]  }
0xc4: {  	[tilespmem:s13], [sflag:$0x1] =	stream.indirect_vreg.gather [hbm4b:s4+s2], $0x80, v19, vm0, $0xb8;
	[tilespmem:$0x4580] =	vst v63  }
0xc5: {  	s15 =	sld [smem:$0x7C3]  }
0xc6: {  	[tilespmem:s14], [sflag:$0x1] =	stream.indirect_vreg.gather [hbm4b:s4+s2], $0x80, v60, vm0, $0xb8;
	[tilespmem:$0x4580] =	vst v63  }
0xc7: {  	_ = 	snop  }
0xc8: {  	[tilespmem:s15], [sflag:$0x1] =	stream.indirect_vreg.gather [hbm4b:s4+s2], $0x80, v17, vm0, $0xb8;
	[tilespmem:$0x4580] =	vst v63  }
0xc9: {  	v17 =	vld [tilespmem:$0x100];
	_ =	sdelay $0x4  }
0xca: {  	v18 =	vshll.u32 v17, $0x3  }
0xcb: {  	v17 =	vand.u32 $0x7, v17;
	v18 =	vand.u32 $0xFFFFFFC0, v18  }
0xcc: {  	v17 =	vor.u32 v17, v18  }
0xcd: {  	v18 =	vperm.xlane v17, v3;
	_ =	sdelay $0x1  }
0xce: {  	v19 =	vperm.xlane v17, v0;
	v18 =	vadd.s32 v4, v18;
	_ =	sdelay $0x1  }
0xcf: {  	s16 =	sld [smem:$0x7C4];
	v61 =	vperm.xlane v17, v5;
	v19 =	vadd.s32 v4, v19;
	_ =	sdelay $0x1  }
0xd0: {  	s17 =	sld [smem:$0x7C5];
	v62 =	vperm.xlane v17, v2;
	v20 =	vadd.s32 v4, v61  }
0xd1: {  	[tilespmem:s16], [sflag:$0x2] =	stream.indirect_vreg.gather [hbm4b:s4+s2], $0x80, v18, vm0, $0xb8;
	[tilespmem:$0x4580] =	vst v63  }
0xd2: {  	s18 =	sld [smem:$0x7C6];
	v63 =	vperm.xlane v17, v6;
	v18 =	vadd.s32 v4, v62  }
0xd3: {  	[tilespmem:s17], [sflag:$0x2] =	stream.indirect_vreg.gather [hbm4b:s4+s2], $0x80, v19, vm0, $0xb8;
	[tilespmem:$0x4580] =	vst v63  }
0xd4: {  	s19 =	sld [smem:$0x7C7];
	v24 =	vperm.xlane v17, v7;
	v19 =	vadd.s32 v4, v63  }
0xd5: {  	[tilespmem:s18], [sflag:$0x2] =	stream.indirect_vreg.gather [hbm4b:s4+s2], $0x80, v20, vm0, $0xb8;
	[tilespmem:$0x4580] =	vst v63  }
0xd6: {  	s20 =	sld [smem:$0x7C8];
	v26 =	vperm.xlane v17, v8;
	v25 =	vadd.s32 v4, v24  }
0xd7: {  	[tilespmem:s19], [sflag:$0x2] =	stream.indirect_vreg.gather [hbm4b:s4+s2], $0x80, v18, vm0, $0xb8;
	[tilespmem:$0x4580] =	vst v63  }
0xd8: {  	s12 =	sld [smem:$0x7C9];
	v27 =	vperm.xlane v17, v1;
	v18 =	vadd.s32 v4, v26  }
0xd9: {  	[tilespmem:s20], [sflag:$0x2] =	stream.indirect_vreg.gather [hbm4b:s4+s2], $0x80, v19, vm0, $0xb8;
	[tilespmem:$0x4580] =	vst v63  }
0xda: {  	s13 =	sld [smem:$0x7CA];
	v28 =	vperm.xlane v17, v9;
	v19 =	vadd.s32 v4, v27  }
0xdb: {  	[tilespmem:s12], [sflag:$0x2] =	stream.indirect_vreg.gather [hbm4b:s4+s2], $0x80, v25, vm0, $0xb8;
	[tilespmem:$0x4580] =	vst v63  }
0xdc: {  	s14 =	sld [smem:$0x7CB];
	v30 =	vperm.xlane v17, v10;
	v29 =	vadd.s32 v4, v28  }
0xdd: {  	[tilespmem:s13], [sflag:$0x2] =	stream.indirect_vreg.gather [hbm4b:s4+s2], $0x80, v18, vm0, $0xb8;
	[tilespmem:$0x4580] =	vst v63  }
0xde: {  	s15 =	sld [smem:$0x7CC];
	v31 =	vperm.xlane v17, v11;
	v18 =	vadd.s32 v4, v30  }
0xdf: {  	[tilespmem:s14], [sflag:$0x2] =	stream.indirect_vreg.gather [hbm4b:s4+s2], $0x80, v19, vm0, $0xb8;
	[tilespmem:$0x4580] =	vst v63  }
0xe0: {  	v32 =	vperm.xlane v17, v12;
	s16 =	sld [smem:$0x7CD];
	v19 =	vadd.s32 v4, v31  }
0xe1: {  	[tilespmem:s15], [sflag:$0x2] =	stream.indirect_vreg.gather [hbm4b:s4+s2], $0x80, v29, vm0, $0xb8;
	[tilespmem:$0x4580] =	vst v63  }
0xe2: {  	v34 =	vperm.xlane v17, v13;
	v33 =	vadd.s32 v4, v32;
	s17 =	sld [smem:$0x7CE]  }
0xe3: {  	[tilespmem:s16], [sflag:$0x2] =	stream.indirect_vreg.gather [hbm4b:s4+s2], $0x80, v18, vm0, $0xb8;
	[tilespmem:$0x4580] =	vst v63  }
0xe4: {  	v35 =	vperm.xlane v17, v14;
	s18 =	sld [smem:$0x7CF];
	v18 =	vadd.s32 v4, v34  }
0xe5: {  	[tilespmem:s17], [sflag:$0x2] =	stream.indirect_vreg.gather [hbm4b:s4+s2], $0x80, v19, vm0, $0xb8;
	[tilespmem:$0x4580] =	vst v63  }
0xe6: {  	v36 =	vperm.xlane v17, v15;
	s19 =	sld [smem:$0x7D0];
	v19 =	vadd.s32 v4, v35  }
0xe7: {  	[tilespmem:s18], [sflag:$0x2] =	stream.indirect_vreg.gather [hbm4b:s4+s2], $0x80, v33, vm0, $0xb8;
	[tilespmem:$0x4580] =	vst v63  }
0xe8: {  	v17 =	vperm.xlane v17, v16;
	v37 =	vadd.s32 v4, v36;
	s20 =	sld [smem:$0x7D1]  }
0xe9: {  	[tilespmem:s19], [sflag:$0x2] =	stream.indirect_vreg.gather [hbm4b:s4+s2], $0x80, v18, vm0, $0xb8;
	[tilespmem:$0x4580] =	vst v63  }
0xea: {  	v17 =	vadd.s32 v4, v17;
	s12 =	sld [smem:$0x7D2]  }
0xeb: {  	[tilespmem:s20], [sflag:$0x2] =	stream.indirect_vreg.gather [hbm4b:s4+s2], $0x80, v19, vm0, $0xb8;
	[tilespmem:$0x4580] =	vst v63  }
0xec: {  	s13 =	sld [smem:$0x7D3]  }
0xed: {  	[tilespmem:s12], [sflag:$0x2] =	stream.indirect_vreg.gather [hbm4b:s4+s2], $0x80, v37, vm0, $0xb8;
	[tilespmem:$0x4580] =	vst v63  }
0xee: {  	_ = 	snop  }
0xef: {  	[tilespmem:s13], [sflag:$0x2] =	stream.indirect_vreg.gather [hbm4b:s4+s2], $0x80, v17, vm0, $0xb8;
	[tilespmem:$0x4580] =	vst v63  }
0xf0: {  	v17 =	vld [tilespmem:$0x110];
	_ =	sdelay $0x4  }
0xf1: {  	v18 =	vshll.u32 v17, $0x3  }
0xf2: {  	v17 =	vand.u32 $0x7, v17;
	v18 =	vand.u32 $0xFFFFFFC0, v18  }
0xf3: {  	v17 =	vor.u32 v17, v18  }
0xf4: {  	v18 =	vperm.xlane v17, v3;
	_ =	sdelay $0x1  }
0xf5: {  	v19 =	vperm.xlane v17, v0;
	v18 =	vadd.s32 v4, v18;
	_ =	sdelay $0x1  }
0xf6: {  	s14 =	sld [smem:$0x7D4];
	v38 =	vperm.xlane v17, v5;
	v19 =	vadd.s32 v4, v19  }
0xf7: {  	s11 =	rddreg [dreg:$0x8]  }
0xf8: {  	s15 =	sld [smem:$0x7D5];
	v39 =	vperm.xlane v17, v2;
	v20 =	vadd.s32 v4, v38  }
0xf9: {  	[tilespmem:s14], [sflag:$0x2] =	stream.indirect_vreg.gather [hbm4b:s4+s2], $0x80, v18, vm0, $0xb8;
	[tilespmem:$0x4580] =	vst v63  }
0xfa: {  	s16 =	sld [smem:$0x7D6];
	v40 =	vperm.xlane v17, v6;
	v18 =	vadd.s32 v4, v39  }
0xfb: {  	[tilespmem:s15], [sflag:$0x2] =	stream.indirect_vreg.gather [hbm4b:s4+s2], $0x80, v19, vm0, $0xb8;
	[tilespmem:$0x4580] =	vst v63  }
0xfc: {  	s17 =	sld [smem:$0x7D7];
	v41 =	vperm.xlane v17, v7;
	v19 =	vadd.s32 v4, v40  }
0xfd: {  	[tilespmem:s16], [sflag:$0x2] =	stream.indirect_vreg.gather [hbm4b:s4+s2], $0x80, v20, vm0, $0xb8;
	[tilespmem:$0x4580] =	vst v63  }
0xfe: {  	s18 =	sld [smem:$0x7D8];
	v43 =	vperm.xlane v17, v8;
	v42 =	vadd.s32 v4, v41  }
0xff: {  	[tilespmem:s17], [sflag:$0x2] =	stream.indirect_vreg.gather [hbm4b:s4+s2], $0x80, v18, vm0, $0xb8;
	[tilespmem:$0x4580] =	vst v63  }
0x100: {  	s19 =	sld [smem:$0x7D9];
	v44 =	vperm.xlane v17, v1;
	v18 =	vadd.s32 v4, v43  }
0x101: {  	[tilespmem:s18], [sflag:$0x2] =	stream.indirect_vreg.gather [hbm4b:s4+s2], $0x80, v19, vm0, $0xb8;
	[tilespmem:$0x4580] =	vst v63  }
0x102: {  	s20 =	sld [smem:$0x7DA];
	v45 =	vperm.xlane v17, v9;
	v19 =	vadd.s32 v4, v44  }
0x103: {  	[tilespmem:s19], [sflag:$0x2] =	stream.indirect_vreg.gather [hbm4b:s4+s2], $0x80, v42, vm0, $0xb8;
	[tilespmem:$0x4580] =	vst v63  }
0x104: {  	s12 =	sld [smem:$0x7DC];
	v47 =	vperm.xlane v17, v10;
	v46 =	vadd.s32 v4, v45  }
0x105: {  	[tilespmem:s20], [sflag:$0x2] =	stream.indirect_vreg.gather [hbm4b:s4+s2], $0x80, v18, vm0, $0xb8;
	[tilespmem:$0x4580] =	vst v63  }
0x106: {  	s13 =	sld [smem:$0x7DE];
	v48 =	vperm.xlane v17, v11;
	v18 =	vadd.s32 v4, v47  }
0x107: {  	[tilespmem:s12], [sflag:$0x2] =	stream.indirect_vreg.gather [hbm4b:s4+s2], $0x80, v19, vm0, $0xb8;
	[tilespmem:$0x4580] =	vst v63  }
0x108: {  	v49 =	vperm.xlane v17, v12;
	s14 =	sld [smem:$0x7E0];
	v19 =	vadd.s32 v4, v48  }
0x109: {  	[tilespmem:s13], [sflag:$0x2] =	stream.indirect_vreg.gather [hbm4b:s4+s2], $0x80, v46, vm0, $0xb8;
	[tilespmem:$0x4580] =	vst v63  }
0x10a: {  	v51 =	vperm.xlane v17, v13;
	v50 =	vadd.s32 v4, v49;
	s15 =	sld [smem:$0x7E2]  }
0x10b: {  	[tilespmem:s14], [sflag:$0x2] =	stream.indirect_vreg.gather [hbm4b:s4+s2], $0x80, v18, vm0, $0xb8;
	[tilespmem:$0x4580] =	vst v63  }
0x10c: {  	v52 =	vperm.xlane v17, v14;
	s16 =	sld [smem:$0x7E4];
	v18 =	vadd.s32 v4, v51  }
0x10d: {  	[tilespmem:s15], [sflag:$0x2] =	stream.indirect_vreg.gather [hbm4b:s4+s2], $0x80, v19, vm0, $0xb8;
	[tilespmem:$0x4580] =	vst v63  }
0x10e: {  	v53 =	vperm.xlane v17, v15;
	s17 =	sld [smem:$0x7E6];
	v19 =	vadd.s32 v4, v52  }
0x10f: {  	[tilespmem:s16], [sflag:$0x2] =	stream.indirect_vreg.gather [hbm4b:s4+s2], $0x80, v50, vm0, $0xb8;
	[tilespmem:$0x4580] =	vst v63  }
0x110: {  	v17 =	vperm.xlane v17, v16;
	v54 =	vadd.s32 v4, v53;
	s18 =	sld [smem:$0x7E8]  }
0x111: {  	[tilespmem:s17], [sflag:$0x2] =	stream.indirect_vreg.gather [hbm4b:s4+s2], $0x80, v18, vm0, $0xb8;
	[tilespmem:$0x4580] =	vst v63  }
0x112: {  	v17 =	vadd.s32 v4, v17;
	s19 =	sld [smem:$0x7EA]  }
0x113: {  	[tilespmem:s18], [sflag:$0x2] =	stream.indirect_vreg.gather [hbm4b:s4+s2], $0x80, v19, vm0, $0xb8;
	[tilespmem:$0x4580] =	vst v63  }
0x114: {  	s20 =	sld [smem:$0x7EC]  }
0x115: {  	[tilespmem:s19], [sflag:$0x2] =	stream.indirect_vreg.gather [hbm4b:s4+s2], $0x80, v54, vm0, $0xb8;
	[tilespmem:$0x4580] =	vst v63  }
0x116: {  	s15 =	sld [smem:$0x7EE]  }
0x117: {  	[tilespmem:s20], [sflag:$0x2] =	stream.indirect_vreg.gather [hbm4b:s4+s2], $0x80, v17, vm0, $0xb8;
	[tilespmem:$0x4580] =	vst v63  }
0x118: {  	s13 =	sld [smem:$0x7F0];
	s14 =	simm.s32 $0x20  }
0x119: {  	[tilespmem:s15], [sflag:$0x3] =	stream.indirect.gather [hbm4b:s11+s14], $0x80, s2, s14, $0xb8;
	[tilespmem:$0x4580] =	vst v63  }
0x11a: {  	s12 =	rddreg [dreg:$0x9];
	s16 =	simm.s32 $0x1  }
0x11b: {  	[tilespmem:s13], [sflag:$0x4] =	stream.indirect.gather [hbm4b:s12+s14], $0x80, s2, s14, $0xb8;
	[tilespmem:$0x4580] =	vst v63  }
0x11c: {  	_ =	swait.ge [sflag:s16], $0x1000  }
0x11d: {  	[sflag:s16] =	ssyncset.done $0x0  }
0x11e: {  	s17 =	simm.s32 $0x2;
	[sflag:s16] =	ssyncadd.s32 $0xFFFFF000  }
0x11f: {  	_ =	swait.ge [sflag:s17], $0x1000  }
0x120: {  	[sflag:s17] =	ssyncset.done $0x0  }
0x121: {  	s18 =	simm.s32 $0x3;
	[sflag:s17] =	ssyncadd.s32 $0xFFFFF000  }
0x122: {  	_ =	swait.ge [sflag:s18], $0x1000  }
0x123: {  	[sflag:s18] =	ssyncset.done $0x0  }
0x124: {  	s19 =	simm.s32 $0x4;
	[sflag:s18] =	ssyncadd.s32 $0xFFFFF000  }
0x125: {  	_ =	swait.ge [sflag:s19], $0x1000  }
0x126: {  	[sflag:s19] =	ssyncset.done $0x0  }
0x127: {  	[sflag:s19] =	ssyncadd.s32 $0xFFFFF000  }
0x128: {  	v17 =	vld [tilespmem:s3+$0x180]  }
0x129: {  	v18 =	vld [tilespmem:s3+$0x1180]  }
0x12a: {  	v19 =	vld [tilespmem:$0x2180]  }
0x12b: {  	v55 =	vld [tilespmem:$0x3180]  }
0x12c: {  	v23 =	vld [tilespmem:$0x2200]  }
0x12d: {  	v24 =	vld [tilespmem:$0x3200]  }
0x12e: {  	v27 =	vld [tilespmem:$0x2280]  }
0x12f: {  	v28 =	vld [tilespmem:$0x3280]  }
0x130: {  	v31 =	vld [tilespmem:$0x2300]  }
0x131: {  	v32 =	vld [tilespmem:$0x3300]  }
0x132: {  	s20 =	sld [smem:$0x7DB];
	v35 =	vld [tilespmem:$0x2380]  }
0x133: {  	v45 =	vld [tilespmem:$0x3380]  }
0x134: {  	s11 =	sld [smem:$0x7DD];
	v48 =	vld [tilespmem:$0x2400]  }
0x135: {  	v56 =	vld [tilespmem:s20+$0x180]  }
0x136: {  	s12 =	sld [smem:$0x7DF];
	v57 =	vld [tilespmem:s20+$0x1180]  }
0x137: {  	v25 =	vld [tilespmem:s11+$0x180]  }
0x138: {  	s13 =	sld [smem:$0x7E1];
	v26 =	vld [tilespmem:s11+$0x1180]  }
0x139: {  	v29 =	vld [tilespmem:s12+$0x180]  }
0x13a: {  	s10 =	sld [smem:$0x7E3];
	v30 =	vld [tilespmem:s12+$0x1180]  }
0x13b: {  	s14 =	sld [smem:$0x7EB];
	v33 =	vld [tilespmem:s13+$0x180]  }
0x13c: {  	s15 =	sld [smem:$0x7ED];
	v34 =	vld [tilespmem:s13+$0x1180]  }
0x13d: {  	s16 =	sld [smem:$0x7EF];
	v36 =	vld [tilespmem:s10+$0x180]  }
0x13e: {  	s11 =	sld [smem:$0x7E5];
	v61 =	vld [tilespmem:s14+$0x180]  }
0x13f: {  	s12 =	sld [smem:$0x7E7];
	v62 =	vld [tilespmem:s15+$0x180]  }
0x140: {  	s13 =	sld [smem:$0x7E9];
	v63 =	vld [tilespmem:s16+$0x180]  }
0x141: {  	s17 =	sld [smem:$0x7F1];
	v58 =	vld [tilespmem:s11+$0x180];
	v17 =	vsel vm0, v17, v56  }
0x142: {  	s18 =	sld [smem:$0x7F3];
	v59 =	vld [tilespmem:s12+$0x180];
	v17 =	vsel vm2, v17, v25  }
0x143: {  	v60 =	vld [tilespmem:s13+$0x180];
	v17 =	vsel vm3, v17, v29  }
0x144: {  	s19 =	sld [smem:$0x7F5];
	v40 =	vld [tilespmem:s17+$0x180];
	v17 =	vsel vm4, v17, v33  }
0x145: {  	v41 =	vld [tilespmem:s18+$0x180];
	s20 =	sld [smem:$0x7F7];
	v17 =	vsel vm5, v17, v36  }
0x146: {  	v47 =	vld [tilespmem:s10+$0x1180];
	v17 =	vsel vm6, v17, v58  }
0x147: {  	v42 =	vld [tilespmem:s19+$0x180];
	v17 =	vsel vm7, v17, v59  }
0x148: {  	v43 =	vld [tilespmem:s20+$0x180];
	v37 =	vbroadcast v19, $0x1;
	v17 =	vsel vm8, v17, v60  }
0x149: {  	v50 =	vld [tilespmem:s11+$0x1180];
	v38 =	vbroadcast v23, $0x0;
	v44 =	vbroadcast v24, $0x0;
	v17 =	vsel vm9, v17, v61  }
0x14a: {  	v52 =	vld [tilespmem:s12+$0x1180];
	v46 =	vbroadcast v55, $0x1;
	v49 =	vbroadcast v27, $0x0;
	v17 =	vsel vm10, v17, v62  }
0x14b: {  	v53 =	vld [tilespmem:s13+$0x1180];
	v51 =	vbroadcast v27, $0x1;
	v54 =	vbroadcast v28, $0x0;
	v17 =	vsel vm11, v17, v63  }
0x14c: {  	v39 =	vbroadcast v48, $0x0;
	v22 =	vbroadcast v48, $0x1;
	v48 =	vld [tilespmem:$0x2580];
	v17 =	vsel vm12, v17, v40  }
0x14d: {  	v28 =	vbroadcast v28, $0x1;
	v21 =	vbroadcast v45, $0x1;
	v56 =	vld [tilespmem:s15+$0x1180];
	v17 =	vsel vm13, v17, v41  }
0x14e: {  	v18 =	vsel vm0, v18, v57;
	v20 =	vsel vm1, v44, v55;
	v55 =	vld [tilespmem:s14+$0x1180];
	v17 =	vsel vm14, v17, v42  }
0x14f: {  	v19 =	vsel vm1, v38, v19;
	v18 =	vsel vm2, v18, v26;
	v38 =	vld [tilespmem:$0x2480];
	v17 =	vsel vm15, v17, v43  }
0x150: {  	v57 =	vbroadcast v31, $0x0;
	v44 =	vld [tilespmem:$0x2500];
	v18 =	vsel vm3, v18, v30;
	v17 =	vadd.f32 v17, v17  }
0x151: {  	v23 =	vsel vm0, v37, v23;
	v24 =	vsel vm0, v46, v24;
	v46 =	vld [tilespmem:$0x3500];
	v18 =	vsel vm4, v18, v34  }
0x152: {  	v37 =	vbroadcast v45, $0x0;
	v34 =	vld [tilespmem:s20+$0x1180];
	v18 =	vsel vm5, v18, v47;
	v17 =	vmul.f32 $1.442695020e+00, v17  }
0x153: {  	v19 =	vsel vm2, v19, v49;
	v23 =	vsel vm2, v23, v51;
	v18 =	vsel vm6, v18, v50;
	v58 =	vld [tilespmem:s16+$0x1180]  }
0x154: {  	v20 =	vsel vm2, v20, v54;
	v18 =	vsel vm7, v18, v52;
	v59 =	vld [tilespmem:s17+$0x1180];
	(erf) = vpow2.f32 v17  }
0x155: {  	v24 =	vsel vm2, v24, v28;
	v45 =	vbroadcast v38, $0x0;
	v18 =	vsel vm8, v18, v53;
	v60 =	vld [tilespmem:s18+$0x1180]  }
0x156: {  	v47 =	vbroadcast v38, $0x1;
	v51 =	vbroadcast v44, $0x0;
	v18 =	vsel vm9, v18, v55;
	v63 =	vld [tilespmem:s19+$0x1180]  }
0x157: {  	v50 =	vld [tilespmem:$0x3580];
	v52 =	vbroadcast v44, $0x1;
	v54 =	vbroadcast v46, $0x0;
	v18 =	vsel vm10, v18, v56  }
0x158: {  	v53 =	vld [tilespmem:$0x2600];
	v61 =	vbroadcast v32, $0x0;
	v55 =	vbroadcast v46, $0x1;
	v18 =	vsel vm11, v18, v58  }
0x159: {  	v62 =	vbroadcast v32, $0x1;
	v32 =	vbroadcast v35, $0x0;
	v18 =	vsel vm12, v18, v59  }
0x15a: {  	v36 =	vld [tilespmem:$0x3400];
	v35 =	vbroadcast v35, $0x1;
	v20 =	vsel vm3, v20, v61;
	v18 =	vsel vm13, v18, v60  }
0x15b: {  	v58 =	vbroadcast v48, $0x1;
	v24 =	vsel vm3, v24, v62;
	v18 =	vsel vm14, v18, v63  }
0x15c: {  	v40 =	vld [tilespmem:$0x3480];
	v18 =	vsel vm15, v18, v34;
	v17 =	vsel vm3, v19, v57;
	v19 =	vbroadcast v31, $0x1  }
0x15d: {  	v56 =	vld [tilespmem:$0x3600];
	v60 =	vbroadcast v50, $0x0;
	v62 =	vbroadcast v53, $0x0;
	v18 =	vadd.f32 v18, v18;
	v41 =	vpop (erf)  }
0x15e: {  	v59 =	vld [tilespmem:$0x2680];
	v25 =	vbroadcast v53, $0x1;
	v19 =	vsel vm3, v23, v19;
	v23 =	vadd.f32 $1.000000000e+00, v41  }
0x15f: {  	v38 =	vld [tilespmem:$0x2780];
	v20 =	vsel vm4, v20, v37;
	v42 =	vbroadcast v36, $0x0;
	v18 =	vmul.f32 $1.442695020e+00, v18  }
0x160: {  	v21 =	vsel vm4, v24, v21;
	v43 =	vbroadcast v36, $0x1;
	(erf) = vrcp.f32 v23  }
0x161: {  	v20 =	vsel vm5, v20, v42;
	v42 =	vld [tilespmem:$0x3780];
	v49 =	vbroadcast v40, $0x0;
	(erf) = vpow2.f32 v18  }
0x162: {  	v53 =	vld [tilespmem:$0x3880];
	v63 =	vbroadcast v56, $0x0;
	v21 =	vsel vm5, v21, v43;
	v34 =	vbroadcast v56, $0x1  }
0x163: {  	v37 =	vbroadcast v59, $0x0;
	v20 =	vsel vm6, v20, v49;
	v17 =	vsel vm4, v17, v32  }
0x164: {  	v49 =	vbroadcast v38, $0x0;
	v57 =	vbroadcast v48, $0x0;
	v32 =	vld [tilespmem:$0x2700];
	v17 =	vsel vm5, v17, v39  }
0x165: {  	v20 =	vsel vm7, v20, v54;
	v19 =	vsel vm4, v19, v35;
	v17 =	vsel vm6, v17, v45;
	v35 =	vld [tilespmem:$0x3700]  }
0x166: {  	v20 =	vsel vm8, v20, v60;
	v54 =	vbroadcast v42, $0x1;
	v17 =	vsel vm7, v17, v51;
	v51 =	vld [tilespmem:$0x2880]  }
0x167: {  	v61 =	vld [tilespmem:$0x3680];
	v20 =	vsel vm9, v20, v63;
	v39 =	vbroadcast v59, $0x1;
	v63 =	vbroadcast v53, $0x0  }
0x168: {  	v19 =	vsel vm5, v19, v22;
	v22 =	vbroadcast v50, $0x1;
	v17 =	vsel vm8, v17, v57;
	v57 =	vld [tilespmem:$0x3900]  }
0x169: {  	v50 =	vbroadcast v38, $0x1;
	v17 =	vsel vm9, v17, v62;
	v43 =	vbroadcast v32, $0x0;
	v33 =	vpop (erf)  }
0x16a: {  	v45 =	vbroadcast v32, $0x1;
	v17 =	vsel vm10, v17, v37;
	v46 =	vbroadcast v35, $0x0;
	v36 =	vpop (erf)  }
0x16b: {  	v48 =	vbroadcast v35, $0x1;
	v62 =	vbroadcast v51, $0x0;
	v27 =	vadd.f32 $1.000000000e+00, v36  }
0x16c: {  	v41 =	vbroadcast v61, $0x1;
	v18 =	vsel vm6, v19, v47;
	v19 =	vbroadcast v40, $0x1  }
0x16d: {  	v17 =	vsel vm11, v17, v43;
	v32 =	vbroadcast v57, $0x0;
	v47 =	vld [tilespmem:$0x3800];
	(erf) = vrcp.f32 v27  }
0x16e: {  	v23 =	vbroadcast v51, $0x1;
	v40 =	vbroadcast v61, $0x0;
	v19 =	vsel vm6, v21, v19  }
0x16f: {  	v18 =	vsel vm7, v18, v52;
	v52 =	vbroadcast v42, $0x0;
	v19 =	vsel vm7, v19, v55  }
0x170: {  	v18 =	vsel vm8, v18, v58;
	v20 =	vsel vm10, v20, v40;
	v19 =	vsel vm8, v19, v22  }
0x171: {  	v18 =	vsel vm9, v18, v25;
	v20 =	vsel vm11, v20, v46;
	v19 =	vsel vm9, v19, v34  }
0x172: {  	v25 =	vbroadcast v53, $0x1;
	v56 =	vbroadcast v47, $0x0;
	v19 =	vsel vm10, v19, v41  }
0x173: {  	v20 =	vsel vm12, v20, v52;
	v19 =	vsel vm11, v19, v48;
	v27 =	vbroadcast v47, $0x1  }
0x174: {  	v44 =	vld [tilespmem:$0x2800];
	v20 =	vsel vm13, v20, v56;
	v19 =	vsel vm12, v19, v54;
	v60 =	vadd.f32 v33, v33  }
0x175: {  	v20 =	vsel vm14, v20, v63;
	v33 =	vbroadcast v57, $0x1;
	v19 =	vsel vm13, v19, v27  }
0x176: {  	v59 =	vld [tilespmem:$0x2900];
	v20 =	vsel vm15, v20, v32;
	v24 =	vsub.f32 $1.000000000e+00, v60;
	v19 =	vsel vm14, v19, v25;
	v61 =	vpop (erf)  }
0x177: {  	(erf) = vrcp.f32 v20;
	v19 =	vsel vm15, v19, v33;
	v26 =	vadd.f32 v61, v61  }
0x178: {  	v17 =	vsel vm12, v17, v49;
	v24 =	vmul.f32 $1.200000050e+00, v24;
	(erf) = vrcp.f32 v19  }
0x179: {  	v55 =	vbroadcast v44, $0x0;
	v18 =	vsel vm10, v18, v39;
	v26 =	vsub.f32 $1.000000000e+00, v26  }
0x17a: {  	v58 =	vbroadcast v44, $0x1;
	v18 =	vsel vm11, v18, v45;
	v35 =	vmul.f32 v24, v20  }
0x17b: {  	v17 =	vsel vm13, v17, v55;
	v34 =	vbroadcast v59, $0x0;
	v26 =	vmul.f32 $1.200000050e+00, v26  }
0x17c: {  	v18 =	vsel vm12, v18, v50;
	v17 =	vsel vm14, v17, v62;
	v37 =	vmul.f32 $5.000000000e-01, v35  }
0x17d: {  	v18 =	vsel vm13, v18, v58;
	v36 =	vmul.f32 v26, v19;
	v19 =	vbroadcast v59, $0x1  }
0x17e: {  	v28 =	vld [tilespmem:$0x3A80];
	v17 =	vsel vm15, v17, v34;
	v18 =	vsel vm14, v18, v23  }
0x17f: {  	v31 =	vld [tilespmem:$0x2B00];
	v18 =	vsel vm15, v18, v19;
	v19 =	vadd.f32 v37, v17  }
0x180: {  	v43 =	vld [tilespmem:$0x2A00];
	v38 =	vpop (erf);
	v20 =	vmul.f32 $5.000000000e-01, v36  }
0x181: {  	v44 =	vld [tilespmem:$0x3A00];
	[tilespmem:$0x4380] =	vst v17;
	v39 =	vpop (erf);
	v19 =	vmax.f32 v19, $-1.000000000e+00  }
0x182: {  	v46 =	vld [tilespmem:$0x2A80];
	[tilespmem:$0x4480] =	vst v24;
	v40 =	vadd.f32 v39, v39;
	v20 =	vadd.f32 v20, v18;
	v19 =	vmin.f32 v19, $1.000000000e+00  }
0x183: {  	v32 =	vld [tilespmem:$0x3B00];
	[tilespmem:$0x4500] =	vst v26;
	v19 =	vmul.f32 $9.000000000e+01, v19  }
0x184: {  	v35 =	vld [tilespmem:$0x2B80];
	[tilespmem:$0x4300] =	vst v40;
	v20 =	vmax.f32 v20, $-1.000000000e+00  }
0x185: {  	v40 =	vld [tilespmem:$0x3B80];
	v20 =	vmin.f32 v20, $1.000000000e+00;
	[tilespmem:$0x4180] =	vst v19;
	v19 =	vadd.f32 v38, v38  }
0x186: {  	s14 =	sld [smem:$0x7F9];
	[tilespmem:$0x4400] =	vst v18;
	v20 =	vmul.f32 $1.800000000e+02, v20;
	v38 =	vld [tilespmem:$0x2D00]  }
0x187: {  	[tilespmem:$0x4280] =	vst v19;
	v19 =	vld [tilespmem:$0x2980]  }
0x188: {  	[tilespmem:$0x4200] =	vst v20;
	v20 =	vld [tilespmem:$0x3980]  }
0x189: {  	v17 =	vld [tilespmem:s14+$0x180]  }
0x18a: {  	v18 =	vld [tilespmem:s14+$0x1180]  }
0x18b: {  	v41 =	vld [tilespmem:s21+$0x180]  }
0x18c: {  	v42 =	vld [tilespmem:s21+$0x1180]  }
0x18d: {  	v45 =	vld [tilespmem:s22+$0x180]  }
0x18e: {  	v26 =	vld [tilespmem:s22+$0x1180]  }
0x18f: {  	v47 =	vld [tilespmem:s26+$0x180]  }
0x190: {  	v48 =	vld [tilespmem:s26+$0x1180]  }
0x191: {  	v49 =	vld [tilespmem:s28+$0x180]  }
0x192: {  	v34 =	vld [tilespmem:s28+$0x1180]  }
0x193: {  	v50 =	vld [tilespmem:s29+$0x180]  }
0x194: {  	v51 =	vld [tilespmem:s30+$0x180]  }
0x195: {  	v52 =	vld [tilespmem:s23+$0x180]  }
0x196: {  	v53 =	vld [tilespmem:s31+$0x180]  }
0x197: {  	v54 =	vld [tilespmem:s0+$0x180]  }
0x198: {  	v55 =	vld [tilespmem:s1+$0x180];
	v17 =	vsel vm0, v17, v41  }
0x199: {  	v56 =	vld [tilespmem:s5+$0x180];
	v17 =	vsel vm2, v17, v45  }
0x19a: {  	v57 =	vld [tilespmem:s6+$0x180];
	v17 =	vsel vm3, v17, v47  }
0x19b: {  	v58 =	vld [tilespmem:s7+$0x180];
	v17 =	vsel vm4, v17, v49  }
0x19c: {  	v59 =	vld [tilespmem:s8+$0x180];
	v17 =	vsel vm5, v17, v50  }
0x19d: {  	v63 =	vbroadcast v44, $0x0;
	v62 =	vld [tilespmem:s24+$0x180];
	v17 =	vsel vm6, v17, v51  }
0x19e: {  	v60 =	vbroadcast v19, $0x1;
	v18 =	vsel vm0, v18, v42;
	v42 =	vld [tilespmem:s29+$0x1180];
	v17 =	vsel vm7, v17, v52  }
0x19f: {  	v41 =	vbroadcast v20, $0x1;
	v20 =	vsel vm1, v63, v20;
	v63 =	vld [tilespmem:$0x2C80];
	v17 =	vsel vm8, v17, v53  }
0x1a0: {  	v61 =	vbroadcast v43, $0x0;
	v23 =	vsel vm0, v60, v43;
	v43 =	vld [tilespmem:$0x2C00];
	v17 =	vsel vm9, v17, v54  }
0x1a1: {  	v21 =	vbroadcast v40, $0x1;
	v45 =	vld [tilespmem:s30+$0x1180];
	v17 =	vsel vm10, v17, v55  }
0x1a2: {  	v19 =	vsel vm1, v61, v19;
	v18 =	vsel vm2, v18, v26;
	v47 =	vld [tilespmem:s23+$0x1180];
	v17 =	vsel vm11, v17, v56  }
0x1a3: {  	v24 =	vsel vm0, v41, v44;
	v18 =	vsel vm3, v18, v48;
	v48 =	vld [tilespmem:s31+$0x1180];
	v17 =	vsel vm12, v17, v57  }
0x1a4: {  	v44 =	vbroadcast v46, $0x0;
	v18 =	vsel vm4, v18, v34;
	v34 =	vld [tilespmem:$0x3C80];
	v17 =	vsel vm13, v17, v58  }
0x1a5: {  	v61 =	vbroadcast v35, $0x1;
	v46 =	vbroadcast v46, $0x1;
	v50 =	vld [tilespmem:s0+$0x1180];
	v17 =	vsel vm14, v17, v59  }
0x1a6: {  	v49 =	vbroadcast v28, $0x0;
	v19 =	vsel vm2, v19, v44;
	v44 =	vld [tilespmem:$0x3D80];
	v17 =	vsel vm15, v17, v62  }
0x1a7: {  	v28 =	vbroadcast v28, $0x1;
	v23 =	vsel vm2, v23, v46;
	v51 =	vld [tilespmem:s1+$0x1180];
	v17 =	vadd.f32 v17, v17  }
0x1a8: {  	v46 =	vbroadcast v38, $0x1;
	v18 =	vsel vm5, v18, v42;
	v20 =	vsel vm2, v20, v49;
	v42 =	vld [tilespmem:$0x2D80]  }
0x1a9: {  	v39 =	vbroadcast v63, $0x0;
	v18 =	vsel vm6, v18, v45;
	v53 =	vld [tilespmem:s5+$0x1180];
	v17 =	vmul.f32 $1.442695020e+00, v17  }
0x1aa: {  	v41 =	vbroadcast v63, $0x1;
	v52 =	vbroadcast v31, $0x0;
	v18 =	vsel vm7, v18, v47;
	v47 =	vld [tilespmem:$0x2E00]  }
0x1ab: {  	v24 =	vsel vm2, v24, v28;
	v22 =	vbroadcast v43, $0x1;
	(erf) = vpow2.f32 v17;
	v17 =	vld [tilespmem:s6+$0x1180]  }
0x1ac: {  	v45 =	vbroadcast v38, $0x0;
	v54 =	vbroadcast v31, $0x1;
	v18 =	vsel vm8, v18, v48;
	v55 =	vld [tilespmem:s7+$0x1180]  }
0x1ad: {  	v19 =	vsel vm3, v19, v52;
	v18 =	vsel vm9, v18, v50;
	v56 =	vbroadcast v32, $0x0;
	v58 =	vld [tilespmem:s8+$0x1180]  }
0x1ae: {  	v60 =	vld [tilespmem:s24+$0x1180];
	v23 =	vsel vm3, v23, v54;
	v18 =	vsel vm10, v18, v51;
	v51 =	vbroadcast v42, $0x0  }
0x1af: {  	v52 =	vbroadcast v42, $0x1;
	v54 =	vbroadcast v44, $0x0;
	v18 =	vsel vm11, v18, v53  }
0x1b0: {  	v57 =	vbroadcast v32, $0x1;
	v23 =	vsel vm4, v23, v61;
	v17 =	vsel vm12, v18, v17  }
0x1b1: {  	v50 =	vld [tilespmem:$0x3E00];
	v32 =	vbroadcast v43, $0x0;
	v43 =	vbroadcast v34, $0x0;
	v17 =	vsel vm13, v17, v55  }
0x1b2: {  	v20 =	vsel vm3, v20, v56;
	v56 =	vbroadcast v47, $0x0;
	v17 =	vsel vm14, v17, v58  }
0x1b3: {  	v59 =	vbroadcast v35, $0x0;
	v24 =	vsel vm3, v24, v57;
	v62 =	vld [tilespmem:$0x3C00];
	v17 =	vsel vm15, v17, v60  }
0x1b4: {  	v61 =	vld [tilespmem:$0x3F00];
	v25 =	vbroadcast v47, $0x1;
	v33 =	vsel vm4, v24, v21;
	v35 =	vpop (erf);
	v17 =	vadd.f32 v17, v17  }
0x1b5: {  	v53 =	vld [tilespmem:$0x2E80];
	v21 =	vbroadcast v34, $0x1;
	v19 =	vsel vm4, v19, v59;
	v24 =	vadd.f32 $1.000000000e+00, v35  }
0x1b6: {  	v57 =	vbroadcast v50, $0x0;
	v19 =	vsel vm5, v19, v32;
	v32 =	vld [tilespmem:$0x2F80];
	v17 =	vmul.f32 $1.442695020e+00, v17  }
0x1b7: {  	v18 =	vbroadcast v40, $0x0;
	v40 =	vld [tilespmem:$0x3D00];
	(erf) = vrcp.f32 v24  }
0x1b8: {  	v37 =	vbroadcast v62, $0x1;
	(erf) = vpow2.f32 v17  }
0x1b9: {  	v42 =	vbroadcast v61, $0x1;
	v36 =	vbroadcast v62, $0x0;
	v55 =	vld [tilespmem:$0x3E80]  }
0x1ba: {  	v63 =	vbroadcast v53, $0x0;
	v18 =	vsel vm4, v20, v18;
	v20 =	vsel vm5, v33, v37;
	v58 =	vld [tilespmem:$0x2F00]  }
0x1bb: {  	v38 =	vld [tilespmem:$0x3000];
	v33 =	vbroadcast v53, $0x1;
	v18 =	vsel vm5, v18, v36;
	v60 =	vbroadcast v50, $0x1  }
0x1bc: {  	v18 =	vsel vm6, v18, v43;
	v43 =	vbroadcast v32, $0x0;
	v48 =	vbroadcast v40, $0x0  }
0x1bd: {  	v22 =	vsel vm5, v23, v22;
	v36 =	vld [tilespmem:$0x3F80];
	v49 =	vbroadcast v40, $0x1;
	v40 =	vbroadcast v61, $0x0  }
0x1be: {  	v20 =	vsel vm6, v20, v21;
	v34 =	vbroadcast v55, $0x0;
	v35 =	vbroadcast v55, $0x1  }
0x1bf: {  	v47 =	vld [tilespmem:$0x4080];
	v18 =	vsel vm7, v18, v48;
	v20 =	vsel vm7, v20, v49;
	v37 =	vbroadcast v58, $0x0  }
0x1c0: {  	v49 =	vbroadcast v38, $0x0;
	v17 =	vsel vm6, v19, v39;
	v19 =	vsel vm6, v22, v41;
	v59 =	vpop (erf)  }
0x1c1: {  	v22 =	vbroadcast v44, $0x1;
	v18 =	vsel vm8, v18, v54;
	v39 =	vbroadcast v58, $0x1;
	v62 =	vpop (erf)  }
0x1c2: {  	v44 =	vbroadcast v32, $0x1;
	v48 =	vbroadcast v36, $0x1;
	v28 =	vadd.f32 $1.000000000e+00, v62  }
0x1c3: {  	v53 =	vld [tilespmem:$0x3100];
	v17 =	vsel vm7, v17, v45;
	v19 =	vsel vm7, v19, v46;
	v46 =	vbroadcast v36, $0x0  }
0x1c4: {  	v18 =	vsel vm9, v18, v57;
	v57 =	vbroadcast v47, $0x0;
	(erf) = vrcp.f32 v28  }
0x1c5: {  	v41 =	vld [tilespmem:$0x4000];
	v17 =	vsel vm8, v17, v51;
	v19 =	vsel vm8, v19, v52;
	v20 =	vsel vm8, v20, v22  }
0x1c6: {  	v45 =	vld [tilespmem:$0x3080];
	v18 =	vsel vm10, v18, v34;
	v17 =	vsel vm9, v17, v56;
	v19 =	vsel vm9, v19, v25  }
0x1c7: {  	v51 =	vld [tilespmem:$0x4100];
	v20 =	vsel vm9, v20, v60;
	v18 =	vsel vm11, v18, v40;
	v25 =	vbroadcast v47, $0x1  }
0x1c8: {  	v60 =	vbroadcast v53, $0x0;
	v17 =	vsel vm10, v17, v63;
	v20 =	vsel vm10, v20, v35  }
0x1c9: {  	v18 =	vsel vm12, v18, v46;
	v17 =	vsel vm11, v17, v37;
	v54 =	vadd.f32 v59, v59  }
0x1ca: {  	v20 =	vsel vm11, v20, v42;
	v50 =	vbroadcast v41, $0x0;
	v17 =	vsel vm12, v17, v43  }
0x1cb: {  	v20 =	vsel vm12, v20, v48;
	v56 =	vbroadcast v45, $0x0;
	v24 =	vsub.f32 $1.000000000e+00, v54  }
0x1cc: {  	v18 =	vsel vm13, v18, v50;
	v58 =	vbroadcast v51, $0x0;
	v28 =	vbroadcast v41, $0x1  }
0x1cd: {  	v18 =	vsel vm14, v18, v57;
	v59 =	vbroadcast v51, $0x1;
	v24 =	vmul.f32 $1.200000050e+00, v24;
	v55 =	vpop (erf)  }
0x1ce: {  	v18 =	vsel vm15, v18, v58;
	v20 =	vsel vm13, v20, v28;
	v26 =	vadd.f32 v55, v55  }
0x1cf: {  	(erf) = vrcp.f32 v18;
	v20 =	vsel vm14, v20, v25;
	v18 =	vmul.f32 v24, v18  }
0x1d0: {  	v17 =	vsel vm13, v17, v49;
	v20 =	vsel vm15, v20, v59;
	v26 =	vsub.f32 $1.000000000e+00, v26  }
0x1d1: {  	v17 =	vsel vm14, v17, v56;
	v18 =	vmul.f32 $5.000000000e-01, v18;
	(erf) = vrcp.f32 v20  }
0x1d2: {  	v19 =	vsel vm10, v19, v33;
	v17 =	vsel vm15, v17, v60;
	v26 =	vmul.f32 $1.200000050e+00, v26  }
0x1d3: {  	v52 =	vbroadcast v38, $0x1;
	v19 =	vsel vm11, v19, v39;
	v18 =	vadd.f32 v18, v17  }
0x1d4: {  	v19 =	vsel vm12, v19, v44;
	v23 =	vbroadcast v45, $0x1;
	v20 =	vmul.f32 v26, v20  }
0x1d5: {  	v21 =	vbroadcast v53, $0x1;
	v19 =	vsel vm13, v19, v52;
	v18 =	vmax.f32 v18, $-1.000000000e+00  }
0x1d6: {  	v19 =	vsel vm14, v19, v23;
	v18 =	vmin.f32 v18, $1.000000000e+00;
	v20 =	vmul.f32 $5.000000000e-01, v20  }
0x1d7: {  	v19 =	vsel vm15, v19, v21;
	[tilespmem:$0x4390] =	vst v17;
	v18 =	vmul.f32 $9.000000000e+01, v18  }
0x1d8: {  	[tilespmem:$0x4410] =	vst v19;
	v61 =	vpop (erf);
	v20 =	vadd.f32 v20, v19  }
0x1d9: {  	[tilespmem:$0x4190] =	vst v18;
	v18 =	vadd.f32 v61, v61  }
0x1da: {  	[tilespmem:$0x4490] =	vst v24;
	v62 =	vpop (erf);
	v20 =	vmax.f32 v20, $-1.000000000e+00  }
0x1db: {  	[tilespmem:$0x4290] =	vst v18;
	v63 =	vadd.f32 v62, v62;
	v20 =	vmin.f32 v20, $1.000000000e+00  }
0x1dc: {  	s16 =	sld [smem:$0x7F2];
	[tilespmem:$0x4510] =	vst v26;
	v20 =	vmul.f32 $1.800000000e+02, v20  }
0x1dd: {  	[tilespmem:$0x4310] =	vst v63  }
0x1de: {  	s15 =	rddreg [dreg:$0xb];
	[tilespmem:$0x4210] =	vst v20  }
0x1df: {  	[hbm4b:s15+s2] =	stream.linear.scatter [tilespmem:s16], [sflag:$0x5], $0x20, $0x38;
	[tilespmem:$0x4580] =	vst v63  }
0x1e0: {  	_ =	swait.ge [sflag:s9], $0x20  }
0x1e1: {  	s18 =	sld [smem:$0x7F4]  }
0x1e2: {  	[sflag:s9] =	ssyncset.done $0x0  }
0x1e3: {  	s17 =	rddreg [dreg:$0xc];
	[sflag:s9] =	ssyncadd.s32 $0xFFFFFFE0  }
0x1e4: {  	[hbm4b:s17+s2] =	stream.linear.scatter [tilespmem:s18], [sflag:$0x5], $0x20, $0x38;
	[tilespmem:$0x4580] =	vst v63  }
0x1e5: {  	_ =	swait.ge [sflag:s9], $0x20  }
0x1e6: {  	s20 =	sld [smem:$0x7F6]  }
0x1e7: {  	[sflag:s9] =	ssyncset.done $0x0  }
0x1e8: {  	s19 =	rddreg [dreg:$0xd];
	[sflag:s9] =	ssyncadd.s32 $0xFFFFFFE0  }
0x1e9: {  	[hbm4b:s19+s2] =	stream.linear.scatter [tilespmem:s20], [sflag:$0x5], $0x20, $0x38;
	[tilespmem:$0x4580] =	vst v63  }
0x1ea: {  	_ =	swait.ge [sflag:s9], $0x20  }
0x1eb: {  	s12 =	sld [smem:$0x7F8]  }
0x1ec: {  	[sflag:s9] =	ssyncset.done $0x0  }
0x1ed: {  	s11 =	rddreg [dreg:$0xe];
	[sflag:s9] =	ssyncadd.s32 $0xFFFFFFE0  }
0x1ee: {  	[hbm4b:s11+s2] =	stream.linear.scatter [tilespmem:s12], [sflag:$0x5], $0x20, $0x38;
	[tilespmem:$0x4580] =	vst v63  }
0x1ef: {  	_ =	swait.ge [sflag:s9], $0x20  }
0x1f0: {  	s14 =	sld [smem:$0x7FA]  }
0x1f1: {  	[sflag:s9] =	ssyncset.done $0x0  }
0x1f2: {  	s13 =	rddreg [dreg:$0xf];
	[sflag:s9] =	ssyncadd.s32 $0xFFFFFFE0  }
0x1f3: {  	[hbm4b:s13+s2] =	stream.linear.scatter [tilespmem:s14], [sflag:$0x5], $0x20, $0x38;
	[tilespmem:$0x4580] =	vst v63  }
0x1f4: {  	_ =	swait.ge [sflag:s9], $0x20  }
0x1f5: {  	s16 =	sld [smem:$0x7FB]  }
0x1f6: {  	[sflag:s9] =	ssyncset.done $0x0  }
0x1f7: {  	s15 =	rddreg [dreg:$0x10];
	[sflag:s9] =	ssyncadd.s32 $0xFFFFFFE0  }
0x1f8: {  	[hbm4b:s15+s2] =	stream.linear.scatter [tilespmem:s16], [sflag:$0x5], $0x20, $0x38;
	[tilespmem:$0x4580] =	vst v63  }
0x1f9: {  	_ =	swait.ge [sflag:s9], $0x20  }
0x1fa: {  	s18 =	sld [smem:$0x7FC]  }
0x1fb: {  	[sflag:s9] =	ssyncset.done $0x0  }
0x1fc: {  	s17 =	rddreg [dreg:$0x11];
	[sflag:s9] =	ssyncadd.s32 $0xFFFFFFE0  }
0x1fd: {  	[hbm4b:s17+s2] =	stream.linear.scatter [tilespmem:s18], [sflag:$0x5], $0x20, $0x38;
	[tilespmem:$0x4580] =	vst v63  }
0x1fe: {  	_ =	swait.ge [sflag:s9], $0x20  }
0x1ff: {  	s20 =	sld [smem:$0x7FD]  }
0x200: {  	p0 =	sne.s32 s25, $0x1;
	[sflag:s9] =	ssyncset.done $0x0  }
.Ltmp0:
0x201: {  	s19 =	rddreg [dreg:$0x12];
	[sflag:s9] =	ssyncadd.s32 $0xFFFFFFE0;
	(pc) =	sbr.rel @p0 .LBB2_1-.Ltmp0, $4  }
0x202: {  	[hbm4b:s19+s2] =	stream.linear.scatter [tilespmem:s20], [sflag:$0x5], $0x20, $0x38;
	[tilespmem:$0x4580] =	vst v63  }
0x203: {  	_ =	swait.ge [sflag:s9], $0x20  }
0x204: {  	[sflag:s9] =	ssyncset.done $0x0  }
0x205: {  	s25 =	sadd.s32 $0xFFFFFFFF, s25;
	[sflag:s9] =	ssyncadd.s32 $0xFFFFFFE0  }
0x206: {  	_ =	sfence.sel $0x180000  }
0x207: {  	[bflag:$0x0] =	sbarrier.arrive $0xFFFF  }
0x208: {  	_ =	strace $0x90000047  }
0x209: {  	s0 =	stileid.u32;
	[bflag:$0x2] =	sbarrier.arrive $0xFFFF  }
0x20a: {  	p0 =	sne.s32 s0, $0x0;
	s0 =	rddreg [dreg:$0x7]  }
0x20b: {  	s0 =	sadd.s32 @!p0 $0x100000, s0  }
0x20c: {  	[sflag:s0] =	ssyncadd.tile.s32 @!p0 $0x1;
	_ =	shalt  }
.Lfunc_end2:
_tile_overlayer_lowered:
.L_overlay_start_2:
0x20d: {  	(tag) =	ssettag $0x2  }
0x20e: {  	s0 =	rddreg [dreg:$0x0];
	s2 =	stileid.u32  }
0x20f: {  	s1 =	rddreg [dreg:$0x1];
	p0 =	sne.s32 s2, $0x0  }
0x210: {  	s3 =	rddreg [dreg:$0x2];
	[bflag:$0x3] =	sbarrier.arrive $0xFFFF;
	s2 =	simm.s32 @!p0 $0x1C05  }
0x211: {  	[timem:s3], [sflag:s2] =	dma.local @!p0 [hbm:s0], s1  }
0x212: {  	s0 =	simm.s32 @!p0 $0x5  }
0x213: {  	_ =	swait.ge @!p0 [sflag:s0], s1  }
0x214: {  	s1 =	ssub.s32 @!p0 $0x0, s1;
	[sflag:s0] =	ssyncset.done @!p0 $0x0  }
0x215: {  	[sflag:s0] =	ssyncadd.s32 @!p0 s1  }
0x216: {  	[bflag:$0x3] =	sbarrier.arrive $0xFFFF  }
0x217: {  	_ =	shalt  }

</sc_bundles>
